<compile_context>
chip_gen: v7x
topology: tpu7x:2x2x1
jax: 0.10.2.dev20260603
libtpu: 0.0.44.dev20260713+nightly
codegen_flags: <defaults>
</compile_context>

<pallas_src>
import functools
import jax
import jax.numpy as jnp
from jax import lax
from jax.experimental import pallas as pl
from jax.experimental.pallas import tpu as pltpu
from jax.experimental.pallas import tpu_sc as plsc

_C = 1000
_D1 = 26
_B = 16384
_NW = 32
_N = _D1 * _C * _B
_IW = _B // _NW
_OPW = _IW * _D1
_ZBLK = _N // 128


def _zero_block(o_ref):
    o_ref[...] = jnp.zeros(o_ref.shape, jnp.float32)


def _sc_ones(xt_hbm, out_ref, xall, wlist, onesv, wlist2, onesv2, sem, sem2):
    wid = lax.axis_index("s") * 2 + lax.axis_index("c")
    i0 = wid * _IW
    lanes = lax.iota(jnp.int32, 16)
    ones = jnp.ones((16,), jnp.float32)

    for j in range(_D1):
        pltpu.sync_copy(xt_hbm.at[pl.ds(j * _B + i0, _IW)],
                        xall.at[pl.ds(j * _IW, _IW)])

    for j in range(_D1):
        jbase = j * 125
        wl, ov = (wlist, onesv) if j < _D1 // 2 else (wlist2, onesv2)
        jj = j if j < _D1 // 2 else j - _D1 // 2

        def _bj(g, _):
            idx = j * _IW + g * 16
            lidx = jj * _IW + g * 16
            xs = xall[pl.ds(idx, 16)]
            i = i0 + g * 16 + lanes
            w = (((jbase + (xs >> 3)) << 17) + ((i >> 7) << 10)
                 + ((xs & 7) << 7) + (i & 127))
            wl[pl.ds(lidx, 16)] = w
            ov[pl.ds(lidx, 16)] = ones
            return 0

        lax.fori_loop(0, _IW // 16, _bj, 0)

    c1 = pltpu.async_copy(onesv, out_ref.at[wlist], sem)
    c2 = pltpu.async_copy(onesv2, out_ref.at[wlist2], sem2)
    c1.wait()
    c2.wait()


def kernel(x):
    b, c = x.shape
    xt = x.T.astype(jnp.int32).reshape(b * c)

    zeros_flat = pl.pallas_call(
        _zero_block,
        grid=(_N // _ZBLK,),
        out_specs=pl.BlockSpec((_ZBLK,), lambda i: (i,)),
        out_shape=jax.ShapeDtypeStruct((_N,), jnp.float32),
    )()

    scatter = functools.partial(
        pl.kernel,
        mesh=plsc.VectorSubcoreMesh(core_axis_name="c", subcore_axis_name="s"),
        compiler_params=pltpu.CompilerParams(needs_layout_passes=False),
        out_type=(),
        scratch_types=[
            pltpu.VMEM((_OPW,), jnp.int32),
            pltpu.VMEM((_OPW // 2,), jnp.int32),
            pltpu.VMEM((_OPW // 2,), jnp.float32),
            pltpu.VMEM((_OPW // 2,), jnp.int32),
            pltpu.VMEM((_OPW // 2,), jnp.float32),
            pltpu.SemaphoreType.DMA,
            pltpu.SemaphoreType.DMA,
        ],
    )(_sc_ones)

    def run(xt_arr, zf):
        r = jax.new_ref(zf)
        scatter(xt_arr, r)
        return r[...]

    out = run(xt, zeros_flat)
    out5 = out.reshape(_D1, _C // 8, _B // 128, 8, 128)
    return out5.transpose(2, 4, 0, 1, 3).reshape(_B, _D1, _C)

# --- scband reference (transcript-rebuilt; emitter-appended) ---
"""Pipeline reference for scband-one-hot-16681652978353 (READ-ONLY COPY).

The authoritative reference and input builder live on the scoring server;
editing this copy changes nothing except your own understanding.
"""

import jax, jax.numpy as jnp
import numpy as np

NUM_CLASSES = 1000

def setup_inputs(seed: int = 0) -> dict:
    key = jax.random.key(seed)
    x = jax.random.randint(key, (16384, 26), 0, NUM_CLASSES, dtype=jnp.int64)
    return {"x": x}

def reference(x) -> jnp.ndarray:
    # torch.nn.functional.one_hot(x, num_classes).to(torch.float)
    return jax.nn.one_hot(x, NUM_CLASSES, dtype=jnp.float32)

if __name__ == "__main__":
    import jax
    _d = setup_inputs()
    print(jax.jit(kernel)(*tuple(_d.values())))

</pallas_src>

<mosaic_0001>
#map = affine_map<(d0, d1) -> (0)>
module attributes {stable_mosaic.version = 14 : i64} {
  func.func @new_body(%arg0: i32, %arg1: i32, %arg2: memref<425984xi32, #tpu.memory_space<hbm>>, %arg3: memref<425984000xf32, #tpu.memory_space<hbm>>, %arg4: memref<425984000xf32, #tpu.memory_space<hbm>>, %arg5: memref<13312xi32, #tpu.memory_space<vmem>>, %arg6: memref<6656xi32, #tpu.memory_space<vmem>>, %arg7: memref<6656xf32, #tpu.memory_space<vmem>>, %arg8: memref<6656xi32, #tpu.memory_space<vmem>>, %arg9: memref<6656xf32, #tpu.memory_space<vmem>>, %arg10: memref<!tpu.dma_semaphore, #tpu.memory_space<semaphore_mem>>, %arg11: memref<!tpu.dma_semaphore, #tpu.memory_space<semaphore_mem>>) attributes {dimension_semantics = [#tpu.dimension_semantics<core_parallel>, #tpu.dimension_semantics<subcore_parallel>], iteration_bounds = array<i64: 2, 16>, scalar_prefetch = 0 : i64, scratch_operands = 7 : i64, tpu.core_type = #tpu.core_type<sc_vector_subcore>, window_params = [{transform_indices = #map}, {transform_indices = #map}, {transform_indices = #map}]} {
    %mul3A = arith.constant 2 : i32
    %mul3A_0 = arith.muli %arg1, %mul3A : i32
    %add3A = arith.addi %mul3A_0, %arg0 : i32
    %mul3A_1 = arith.constant 512 : i32
    %mul3A_2 = arith.muli %add3A, %mul3A_1 : i32
    %iota3A = tpu.iota {dimensions = array<i32: 0>} : vector<16xi32>
    %broadcast_in_dim3A = arith.constant 1.000000e+00 : f32
    %broadcast_in_dim3A_3 = vector.broadcast %broadcast_in_dim3A : f32 to vector<16xf32>
    %add3A_4 = arith.constant 0 : i32
    %add3A_5 = arith.addi %add3A_4, %mul3A_2 : i32
    "tpu.region"() ({
      %run_scoped3A = tpu.sem_alloc : memref<!tpu.dma_semaphore, #tpu.memory_space<semaphore_mem>>
      %dma_start3A_243 = arith.constant 0 : i32
      %dma_start3A_244 = tpu.memref_slice %arg5[%dma_start3A_243] : memref<13312xi32, #tpu.memory_space<vmem>> -> memref<512xi32, #tpu.memory_space<vmem>>
      %dma_start3A_245 = tpu.memref_slice %arg2[%add3A_5] : memref<425984xi32, #tpu.memory_space<hbm>> -> memref<512xi32, #tpu.memory_space<hbm>>
      %dma_start3A_246 = arith.constant 0 : i32
      %dma_start3A_247 = tpu.memref_slice %arg5[%dma_start3A_246] : memref<13312xi32, #tpu.memory_space<vmem>> -> memref<512xi32, #tpu.memory_space<vmem>>
      %dma_start3A_248 = tpu.memref_slice %arg2[%add3A_5] : memref<425984xi32, #tpu.memory_space<hbm>> -> memref<512xi32, #tpu.memory_space<hbm>>
      tpu.enqueue_dma source(%dma_start3A_248 : memref<512xi32, #tpu.memory_space<hbm>>) target(%dma_start3A_247 : memref<512xi32, #tpu.memory_space<vmem>>) target_semaphore(%run_scoped3A : memref<!tpu.dma_semaphore, #tpu.memory_space<semaphore_mem>>)
      %dma_wait3A_249 = arith.constant 0 : i32
      %dma_wait3A_250 = tpu.memref_slice %arg5[%dma_wait3A_249] : memref<13312xi32, #tpu.memory_space<vmem>> -> memref<512xi32, #tpu.memory_space<vmem>>
      %dma_wait3A_251 = tpu.memref_slice %arg2[%add3A_5] : memref<425984xi32, #tpu.memory_space<hbm>> -> memref<512xi32, #tpu.memory_space<hbm>>
      %dma_wait3A_252 = arith.constant 0 : i32
      %dma_wait3A_253 = tpu.memref_slice %arg5[%dma_wait3A_252] : memref<13312xi32, #tpu.memory_space<vmem>> -> memref<512xi32, #tpu.memory_space<vmem>>
      %dma_wait3A_254 = tpu.memref_slice %arg2[%add3A_5] : memref<425984xi32, #tpu.memory_space<hbm>> -> memref<512xi32, #tpu.memory_space<hbm>>
      tpu.wait_dma2 semaphore(%run_scoped3A : memref<!tpu.dma_semaphore, #tpu.memory_space<semaphore_mem>>) src(%dma_wait3A_254 : memref<512xi32, #tpu.memory_space<hbm>>) dst(%dma_wait3A_253 : memref<512xi32, #tpu.memory_space<vmem>>)
      tpu.yield
    }) : () -> ()
    %add3A_6 = arith.constant 16384 : i32
    %add3A_7 = arith.addi %add3A_6, %mul3A_2 : i32
    "tpu.region"() ({
      %run_scoped3A = tpu.sem_alloc : memref<!tpu.dma_semaphore, #tpu.memory_space<semaphore_mem>>
      %dma_start3A_243 = arith.constant 512 : i32
      %dma_start3A_244 = tpu.memref_slice %arg5[%dma_start3A_243] : memref<13312xi32, #tpu.memory_space<vmem>> -> memref<512xi32, #tpu.memory_space<vmem>>
      %dma_start3A_245 = tpu.memref_slice %arg2[%add3A_7] : memref<425984xi32, #tpu.memory_space<hbm>> -> memref<512xi32, #tpu.memory_space<hbm>>
      %dma_start3A_246 = arith.constant 512 : i32
      %dma_start3A_247 = tpu.memref_slice %arg5[%dma_start3A_246] : memref<13312xi32, #tpu.memory_space<vmem>> -> memref<512xi32, #tpu.memory_space<vmem>>
      %dma_start3A_248 = tpu.memref_slice %arg2[%add3A_7] : memref<425984xi32, #tpu.memory_space<hbm>> -> memref<512xi32, #tpu.memory_space<hbm>>
      tpu.enqueue_dma source(%dma_start3A_248 : memref<512xi32, #tpu.memory_space<hbm>>) target(%dma_start3A_247 : memref<512xi32, #tpu.memory_space<vmem>>) target_semaphore(%run_scoped3A : memref<!tpu.dma_semaphore, #tpu.memory_space<semaphore_mem>>)
      %dma_wait3A_249 = arith.constant 512 : i32
      %dma_wait3A_250 = tpu.memref_slice %arg5[%dma_wait3A_249] : memref<13312xi32, #tpu.memory_space<vmem>> -> memref<512xi32, #tpu.memory_space<vmem>>
      %dma_wait3A_251 = tpu.memref_slice %arg2[%add3A_7] : memref<425984xi32, #tpu.memory_space<hbm>> -> memref<512xi32, #tpu.memory_space<hbm>>
      %dma_wait3A_252 = arith.constant 512 : i32
      %dma_wait3A_253 = tpu.memref_slice %arg5[%dma_wait3A_252] : memref<13312xi32, #tpu.memory_space<vmem>> -> memref<512xi32, #tpu.memory_space<vmem>>
      %dma_wait3A_254 = tpu.memref_slice %arg2[%add3A_7] : memref<425984xi32, #tpu.memory_space<hbm>> -> memref<512xi32, #tpu.memory_space<hbm>>
      tpu.wait_dma2 semaphore(%run_scoped3A : memref<!tpu.dma_semaphore, #tpu.memory_space<semaphore_mem>>) src(%dma_wait3A_254 : memref<512xi32, #tpu.memory_space<hbm>>) dst(%dma_wait3A_253 : memref<512xi32, #tpu.memory_space<vmem>>)
      tpu.yield
    }) : () -> ()
    %add3A_8 = arith.constant 32768 : i32
    %add3A_9 = arith.addi %add3A_8, %mul3A_2 : i32
    "tpu.region"() ({
      %run_scoped3A = tpu.sem_alloc : memref<!tpu.dma_semaphore, #tpu.memory_space<semaphore_mem>>
      %dma_start3A_243 = arith.constant 1024 : i32
      %dma_start3A_244 = tpu.memref_slice %arg5[%dma_start3A_243] : memref<13312xi32, #tpu.memory_space<vmem>> -> memref<512xi32, #tpu.memory_space<vmem>>
      %dma_start3A_245 = tpu.memref_slice %arg2[%add3A_9] : memref<425984xi32, #tpu.memory_space<hbm>> -> memref<512xi32, #tpu.memory_space<hbm>>
      %dma_start3A_246 = arith.constant 1024 : i32
      %dma_start3A_247 = tpu.memref_slice %arg5[%dma_start3A_246] : memref<13312xi32, #tpu.memory_space<vmem>> -> memref<512xi32, #tpu.memory_space<vmem>>
      %dma_start3A_248 = tpu.memref_slice %arg2[%add3A_9] : memref<425984xi32, #tpu.memory_space<hbm>> -> memref<512xi32, #tpu.memory_space<hbm>>
      tpu.enqueue_dma source(%dma_start3A_248 : memref<512xi32, #tpu.memory_space<hbm>>) target(%dma_start3A_247 : memref<512xi32, #tpu.memory_space<vmem>>) target_semaphore(%run_scoped3A : memref<!tpu.dma_semaphore, #tpu.memory_space<semaphore_mem>>)
      %dma_wait3A_249 = arith.constant 1024 : i32
      %dma_wait3A_250 = tpu.memref_slice %arg5[%dma_wait3A_249] : memref<13312xi32, #tpu.memory_space<vmem>> -> memref<512xi32, #tpu.memory_space<vmem>>
      %dma_wait3A_251 = tpu.memref_slice %arg2[%add3A_9] : memref<425984xi32, #tpu.memory_space<hbm>> -> memref<512xi32, #tpu.memory_space<hbm>>
      %dma_wait3A_252 = arith.constant 1024 : i32
      %dma_wait3A_253 = tpu.memref_slice %arg5[%dma_wait3A_252] : memref<13312xi32, #tpu.memory_space<vmem>> -> memref<512xi32, #tpu.memory_space<vmem>>
      %dma_wait3A_254 = tpu.memref_slice %arg2[%add3A_9] : memref<425984xi32, #tpu.memory_space<hbm>> -> memref<512xi32, #tpu.memory_space<hbm>>
      tpu.wait_dma2 semaphore(%run_scoped3A : memref<!tpu.dma_semaphore, #tpu.memory_space<semaphore_mem>>) src(%dma_wait3A_254 : memref<512xi32, #tpu.memory_space<hbm>>) dst(%dma_wait3A_253 : memref<512xi32, #tpu.memory_space<vmem>>)
      tpu.yield
    }) : () -> ()
    %add3A_10 = arith.constant 49152 : i32
    %add3A_11 = arith.addi %add3A_10, %mul3A_2 : i32
    "tpu.region"() ({
      %run_scoped3A = tpu.sem_alloc : memref<!tpu.dma_semaphore, #tpu.memory_space<semaphore_mem>>
      %dma_start3A_243 = arith.constant 1536 : i32
      %dma_start3A_244 = tpu.memref_slice %arg5[%dma_start3A_243] : memref<13312xi32, #tpu.memory_space<vmem>> -> memref<512xi32, #tpu.memory_space<vmem>>
      %dma_start3A_245 = tpu.memref_slice %arg2[%add3A_11] : memref<425984xi32, #tpu.memory_space<hbm>> -> memref<512xi32, #tpu.memory_space<hbm>>
      %dma_start3A_246 = arith.constant 1536 : i32
      %dma_start3A_247 = tpu.memref_slice %arg5[%dma_start3A_246] : memref<13312xi32, #tpu.memory_space<vmem>> -> memref<512xi32, #tpu.memory_space<vmem>>
      %dma_start3A_248 = tpu.memref_slice %arg2[%add3A_11] : memref<425984xi32, #tpu.memory_space<hbm>> -> memref<512xi32, #tpu.memory_space<hbm>>
      tpu.enqueue_dma source(%dma_start3A_248 : memref<512xi32, #tpu.memory_space<hbm>>) target(%dma_start3A_247 : memref<512xi32, #tpu.memory_space<vmem>>) target_semaphore(%run_scoped3A : memref<!tpu.dma_semaphore, #tpu.memory_space<semaphore_mem>>)
      %dma_wait3A_249 = arith.constant 1536 : i32
      %dma_wait3A_250 = tpu.memref_slice %arg5[%dma_wait3A_249] : memref<13312xi32, #tpu.memory_space<vmem>> -> memref<512xi32, #tpu.memory_space<vmem>>
      %dma_wait3A_251 = tpu.memref_slice %arg2[%add3A_11] : memref<425984xi32, #tpu.memory_space<hbm>> -> memref<512xi32, #tpu.memory_space<hbm>>
      %dma_wait3A_252 = arith.constant 1536 : i32
      %dma_wait3A_253 = tpu.memref_slice %arg5[%dma_wait3A_252] : memref<13312xi32, #tpu.memory_space<vmem>> -> memref<512xi32, #tpu.memory_space<vmem>>
      %dma_wait3A_254 = tpu.memref_slice %arg2[%add3A_11] : memref<425984xi32, #tpu.memory_space<hbm>> -> memref<512xi32, #tpu.memory_space<hbm>>
      tpu.wait_dma2 semaphore(%run_scoped3A : memref<!tpu.dma_semaphore, #tpu.memory_space<semaphore_mem>>) src(%dma_wait3A_254 : memref<512xi32, #tpu.memory_space<hbm>>) dst(%dma_wait3A_253 : memref<512xi32, #tpu.memory_space<vmem>>)
      tpu.yield
    }) : () -> ()
    %add3A_12 = arith.constant 65536 : i32
    %add3A_13 = arith.addi %add3A_12, %mul3A_2 : i32
    "tpu.region"() ({
      %run_scoped3A = tpu.sem_alloc : memref<!tpu.dma_semaphore, #tpu.memory_space<semaphore_mem>>
      %dma_start3A_243 = arith.constant 2048 : i32
      %dma_start3A_244 = tpu.memref_slice %arg5[%dma_start3A_243] : memref<13312xi32, #tpu.memory_space<vmem>> -> memref<512xi32, #tpu.memory_space<vmem>>
      %dma_start3A_245 = tpu.memref_slice %arg2[%add3A_13] : memref<425984xi32, #tpu.memory_space<hbm>> -> memref<512xi32, #tpu.memory_space<hbm>>
      %dma_start3A_246 = arith.constant 2048 : i32
      %dma_start3A_247 = tpu.memref_slice %arg5[%dma_start3A_246] : memref<13312xi32, #tpu.memory_space<vmem>> -> memref<512xi32, #tpu.memory_space<vmem>>
      %dma_start3A_248 = tpu.memref_slice %arg2[%add3A_13] : memref<425984xi32, #tpu.memory_space<hbm>> -> memref<512xi32, #tpu.memory_space<hbm>>
      tpu.enqueue_dma source(%dma_start3A_248 : memref<512xi32, #tpu.memory_space<hbm>>) target(%dma_start3A_247 : memref<512xi32, #tpu.memory_space<vmem>>) target_semaphore(%run_scoped3A : memref<!tpu.dma_semaphore, #tpu.memory_space<semaphore_mem>>)
      %dma_wait3A_249 = arith.constant 2048 : i32
      %dma_wait3A_250 = tpu.memref_slice %arg5[%dma_wait3A_249] : memref<13312xi32, #tpu.memory_space<vmem>> -> memref<512xi32, #tpu.memory_space<vmem>>
      %dma_wait3A_251 = tpu.memref_slice %arg2[%add3A_13] : memref<425984xi32, #tpu.memory_space<hbm>> -> memref<512xi32, #tpu.memory_space<hbm>>
      %dma_wait3A_252 = arith.constant 2048 : i32
      %dma_wait3A_253 = tpu.memref_slice %arg5[%dma_wait3A_252] : memref<13312xi32, #tpu.memory_space<vmem>> -> memref<512xi32, #tpu.memory_space<vmem>>
      %dma_wait3A_254 = tpu.memref_slice %arg2[%add3A_13] : memref<425984xi32, #tpu.memory_space<hbm>> -> memref<512xi32, #tpu.memory_space<hbm>>
      tpu.wait_dma2 semaphore(%run_scoped3A : memref<!tpu.dma_semaphore, #tpu.memory_space<semaphore_mem>>) src(%dma_wait3A_254 : memref<512xi32, #tpu.memory_space<hbm>>) dst(%dma_wait3A_253 : memref<512xi32, #tpu.memory_space<vmem>>)
      tpu.yield
    }) : () -> ()
    %add3A_14 = arith.constant 81920 : i32
    %add3A_15 = arith.addi %add3A_14, %mul3A_2 : i32
    "tpu.region"() ({
      %run_scoped3A = tpu.sem_alloc : memref<!tpu.dma_semaphore, #tpu.memory_space<semaphore_mem>>
      %dma_start3A_243 = arith.constant 2560 : i32
      %dma_start3A_244 = tpu.memref_slice %arg5[%dma_start3A_243] : memref<13312xi32, #tpu.memory_space<vmem>> -> memref<512xi32, #tpu.memory_space<vmem>>
      %dma_start3A_245 = tpu.memref_slice %arg2[%add3A_15] : memref<425984xi32, #tpu.memory_space<hbm>> -> memref<512xi32, #tpu.memory_space<hbm>>
      %dma_start3A_246 = arith.constant 2560 : i32
      %dma_start3A_247 = tpu.memref_slice %arg5[%dma_start3A_246] : memref<13312xi32, #tpu.memory_space<vmem>> -> memref<512xi32, #tpu.memory_space<vmem>>
      %dma_start3A_248 = tpu.memref_slice %arg2[%add3A_15] : memref<425984xi32, #tpu.memory_space<hbm>> -> memref<512xi32, #tpu.memory_space<hbm>>
      tpu.enqueue_dma source(%dma_start3A_248 : memref<512xi32, #tpu.memory_space<hbm>>) target(%dma_start3A_247 : memref<512xi32, #tpu.memory_space<vmem>>) target_semaphore(%run_scoped3A : memref<!tpu.dma_semaphore, #tpu.memory_space<semaphore_mem>>)
      %dma_wait3A_249 = arith.constant 2560 : i32
      %dma_wait3A_250 = tpu.memref_slice %arg5[%dma_wait3A_249] : memref<13312xi32, #tpu.memory_space<vmem>> -> memref<512xi32, #tpu.memory_space<vmem>>
      %dma_wait3A_251 = tpu.memref_slice %arg2[%add3A_15] : memref<425984xi32, #tpu.memory_space<hbm>> -> memref<512xi32, #tpu.memory_space<hbm>>
      %dma_wait3A_252 = arith.constant 2560 : i32
      %dma_wait3A_253 = tpu.memref_slice %arg5[%dma_wait3A_252] : memref<13312xi32, #tpu.memory_space<vmem>> -> memref<512xi32, #tpu.memory_space<vmem>>
      %dma_wait3A_254 = tpu.memref_slice %arg2[%add3A_15] : memref<425984xi32, #tpu.memory_space<hbm>> -> memref<512xi32, #tpu.memory_space<hbm>>
      tpu.wait_dma2 semaphore(%run_scoped3A : memref<!tpu.dma_semaphore, #tpu.memory_space<semaphore_mem>>) src(%dma_wait3A_254 : memref<512xi32, #tpu.memory_space<hbm>>) dst(%dma_wait3A_253 : memref<512xi32, #tpu.memory_space<vmem>>)
      tpu.yield
    }) : () -> ()
    %add3A_16 = arith.constant 98304 : i32
    %add3A_17 = arith.addi %add3A_16, %mul3A_2 : i32
    "tpu.region"() ({
      %run_scoped3A = tpu.sem_alloc : memref<!tpu.dma_semaphore, #tpu.memory_space<semaphore_mem>>
      %dma_start3A_243 = arith.constant 3072 : i32
      %dma_start3A_244 = tpu.memref_slice %arg5[%dma_start3A_243] : memref<13312xi32, #tpu.memory_space<vmem>> -> memref<512xi32, #tpu.memory_space<vmem>>
      %dma_start3A_245 = tpu.memref_slice %arg2[%add3A_17] : memref<425984xi32, #tpu.memory_space<hbm>> -> memref<512xi32, #tpu.memory_space<hbm>>
      %dma_start3A_246 = arith.constant 3072 : i32
      %dma_start3A_247 = tpu.memref_slice %arg5[%dma_start3A_246] : memref<13312xi32, #tpu.memory_space<vmem>> -> memref<512xi32, #tpu.memory_space<vmem>>
      %dma_start3A_248 = tpu.memref_slice %arg2[%add3A_17] : memref<425984xi32, #tpu.memory_space<hbm>> -> memref<512xi32, #tpu.memory_space<hbm>>
      tpu.enqueue_dma source(%dma_start3A_248 : memref<512xi32, #tpu.memory_space<hbm>>) target(%dma_start3A_247 : memref<512xi32, #tpu.memory_space<vmem>>) target_semaphore(%run_scoped3A : memref<!tpu.dma_semaphore, #tpu.memory_space<semaphore_mem>>)
      %dma_wait3A_249 = arith.constant 3072 : i32
      %dma_wait3A_250 = tpu.memref_slice %arg5[%dma_wait3A_249] : memref<13312xi32, #tpu.memory_space<vmem>> -> memref<512xi32, #tpu.memory_space<vmem>>
      %dma_wait3A_251 = tpu.memref_slice %arg2[%add3A_17] : memref<425984xi32, #tpu.memory_space<hbm>> -> memref<512xi32, #tpu.memory_space<hbm>>
      %dma_wait3A_252 = arith.constant 3072 : i32
      %dma_wait3A_253 = tpu.memref_slice %arg5[%dma_wait3A_252] : memref<13312xi32, #tpu.memory_space<vmem>> -> memref<512xi32, #tpu.memory_space<vmem>>
      %dma_wait3A_254 = tpu.memref_slice %arg2[%add3A_17] : memref<425984xi32, #tpu.memory_space<hbm>> -> memref<512xi32, #tpu.memory_space<hbm>>
      tpu.wait_dma2 semaphore(%run_scoped3A : memref<!tpu.dma_semaphore, #tpu.memory_space<semaphore_mem>>) src(%dma_wait3A_254 : memref<512xi32, #tpu.memory_space<hbm>>) dst(%dma_wait3A_253 : memref<512xi32, #tpu.memory_space<vmem>>)
      tpu.yield
    }) : () -> ()
    %add3A_18 = arith.constant 114688 : i32
    %add3A_19 = arith.addi %add3A_18, %mul3A_2 : i32
    "tpu.region"() ({
      %run_scoped3A = tpu.sem_alloc : memref<!tpu.dma_semaphore, #tpu.memory_space<semaphore_mem>>
      %dma_start3A_243 = arith.constant 3584 : i32
      %dma_start3A_244 = tpu.memref_slice %arg5[%dma_start3A_243] : memref<13312xi32, #tpu.memory_space<vmem>> -> memref<512xi32, #tpu.memory_space<vmem>>
      %dma_start3A_245 = tpu.memref_slice %arg2[%add3A_19] : memref<425984xi32, #tpu.memory_space<hbm>> -> memref<512xi32, #tpu.memory_space<hbm>>
      %dma_start3A_246 = arith.constant 3584 : i32
      %dma_start3A_247 = tpu.memref_slice %arg5[%dma_start3A_246] : memref<13312xi32, #tpu.memory_space<vmem>> -> memref<512xi32, #tpu.memory_space<vmem>>
      %dma_start3A_248 = tpu.memref_slice %arg2[%add3A_19] : memref<425984xi32, #tpu.memory_space<hbm>> -> memref<512xi32, #tpu.memory_space<hbm>>
      tpu.enqueue_dma source(%dma_start3A_248 : memref<512xi32, #tpu.memory_space<hbm>>) target(%dma_start3A_247 : memref<512xi32, #tpu.memory_space<vmem>>) target_semaphore(%run_scoped3A : memref<!tpu.dma_semaphore, #tpu.memory_space<semaphore_mem>>)
      %dma_wait3A_249 = arith.constant 3584 : i32
      %dma_wait3A_250 = tpu.memref_slice %arg5[%dma_wait3A_249] : memref<13312xi32, #tpu.memory_space<vmem>> -> memref<512xi32, #tpu.memory_space<vmem>>
      %dma_wait3A_251 = tpu.memref_slice %arg2[%add3A_19] : memref<425984xi32, #tpu.memory_space<hbm>> -> memref<512xi32, #tpu.memory_space<hbm>>
      %dma_wait3A_252 = arith.constant 3584 : i32
      %dma_wait3A_253 = tpu.memref_slice %arg5[%dma_wait3A_252] : memref<13312xi32, #tpu.memory_space<vmem>> -> memref<512xi32, #tpu.memory_space<vmem>>
      %dma_wait3A_254 = tpu.memref_slice %arg2[%add3A_19] : memref<425984xi32, #tpu.memory_space<hbm>> -> memref<512xi32, #tpu.memory_space<hbm>>
      tpu.wait_dma2 semaphore(%run_scoped3A : memref<!tpu.dma_semaphore, #tpu.memory_space<semaphore_mem>>) src(%dma_wait3A_254 : memref<512xi32, #tpu.memory_space<hbm>>) dst(%dma_wait3A_253 : memref<512xi32, #tpu.memory_space<vmem>>)
      tpu.yield
    }) : () -> ()
    %add3A_20 = arith.constant 131072 : i32
    %add3A_21 = arith.addi %add3A_20, %mul3A_2 : i32
    "tpu.region"() ({
      %run_scoped3A = tpu.sem_alloc : memref<!tpu.dma_semaphore, #tpu.memory_space<semaphore_mem>>
      %dma_start3A_243 = arith.constant 4096 : i32
      %dma_start3A_244 = tpu.memref_slice %arg5[%dma_start3A_243] : memref<13312xi32, #tpu.memory_space<vmem>> -> memref<512xi32, #tpu.memory_space<vmem>>
      %dma_start3A_245 = tpu.memref_slice %arg2[%add3A_21] : memref<425984xi32, #tpu.memory_space<hbm>> -> memref<512xi32, #tpu.memory_space<hbm>>
      %dma_start3A_246 = arith.constant 4096 : i32
      %dma_start3A_247 = tpu.memref_slice %arg5[%dma_start3A_246] : memref<13312xi32, #tpu.memory_space<vmem>> -> memref<512xi32, #tpu.memory_space<vmem>>
      %dma_start3A_248 = tpu.memref_slice %arg2[%add3A_21] : memref<425984xi32, #tpu.memory_space<hbm>> -> memref<512xi32, #tpu.memory_space<hbm>>
      tpu.enqueue_dma source(%dma_start3A_248 : memref<512xi32, #tpu.memory_space<hbm>>) target(%dma_start3A_247 : memref<512xi32, #tpu.memory_space<vmem>>) target_semaphore(%run_scoped3A : memref<!tpu.dma_semaphore, #tpu.memory_space<semaphore_mem>>)
      %dma_wait3A_249 = arith.constant 4096 : i32
      %dma_wait3A_250 = tpu.memref_slice %arg5[%dma_wait3A_249] : memref<13312xi32, #tpu.memory_space<vmem>> -> memref<512xi32, #tpu.memory_space<vmem>>
      %dma_wait3A_251 = tpu.memref_slice %arg2[%add3A_21] : memref<425984xi32, #tpu.memory_space<hbm>> -> memref<512xi32, #tpu.memory_space<hbm>>
      %dma_wait3A_252 = arith.constant 4096 : i32
      %dma_wait3A_253 = tpu.memref_slice %arg5[%dma_wait3A_252] : memref<13312xi32, #tpu.memory_space<vmem>> -> memref<512xi32, #tpu.memory_space<vmem>>
      %dma_wait3A_254 = tpu.memref_slice %arg2[%add3A_21] : memref<425984xi32, #tpu.memory_space<hbm>> -> memref<512xi32, #tpu.memory_space<hbm>>
      tpu.wait_dma2 semaphore(%run_scoped3A : memref<!tpu.dma_semaphore, #tpu.memory_space<semaphore_mem>>) src(%dma_wait3A_254 : memref<512xi32, #tpu.memory_space<hbm>>) dst(%dma_wait3A_253 : memref<512xi32, #tpu.memory_space<vmem>>)
      tpu.yield
    }) : () -> ()
    %add3A_22 = arith.constant 147456 : i32
    %add3A_23 = arith.addi %add3A_22, %mul3A_2 : i32
    "tpu.region"() ({
      %run_scoped3A = tpu.sem_alloc : memref<!tpu.dma_semaphore, #tpu.memory_space<semaphore_mem>>
      %dma_start3A_243 = arith.constant 4608 : i32
      %dma_start3A_244 = tpu.memref_slice %arg5[%dma_start3A_243] : memref<13312xi32, #tpu.memory_space<vmem>> -> memref<512xi32, #tpu.memory_space<vmem>>
      %dma_start3A_245 = tpu.memref_slice %arg2[%add3A_23] : memref<425984xi32, #tpu.memory_space<hbm>> -> memref<512xi32, #tpu.memory_space<hbm>>
      %dma_start3A_246 = arith.constant 4608 : i32
      %dma_start3A_247 = tpu.memref_slice %arg5[%dma_start3A_246] : memref<13312xi32, #tpu.memory_space<vmem>> -> memref<512xi32, #tpu.memory_space<vmem>>
      %dma_start3A_248 = tpu.memref_slice %arg2[%add3A_23] : memref<425984xi32, #tpu.memory_space<hbm>> -> memref<512xi32, #tpu.memory_space<hbm>>
      tpu.enqueue_dma source(%dma_start3A_248 : memref<512xi32, #tpu.memory_space<hbm>>) target(%dma_start3A_247 : memref<512xi32, #tpu.memory_space<vmem>>) target_semaphore(%run_scoped3A : memref<!tpu.dma_semaphore, #tpu.memory_space<semaphore_mem>>)
      %dma_wait3A_249 = arith.constant 4608 : i32
      %dma_wait3A_250 = tpu.memref_slice %arg5[%dma_wait3A_249] : memref<13312xi32, #tpu.memory_space<vmem>> -> memref<512xi32, #tpu.memory_space<vmem>>
      %dma_wait3A_251 = tpu.memref_slice %arg2[%add3A_23] : memref<425984xi32, #tpu.memory_space<hbm>> -> memref<512xi32, #tpu.memory_space<hbm>>
      %dma_wait3A_252 = arith.constant 4608 : i32
      %dma_wait3A_253 = tpu.memref_slice %arg5[%dma_wait3A_252] : memref<13312xi32, #tpu.memory_space<vmem>> -> memref<512xi32, #tpu.memory_space<vmem>>
      %dma_wait3A_254 = tpu.memref_slice %arg2[%add3A_23] : memref<425984xi32, #tpu.memory_space<hbm>> -> memref<512xi32, #tpu.memory_space<hbm>>
      tpu.wait_dma2 semaphore(%run_scoped3A : memref<!tpu.dma_semaphore, #tpu.memory_space<semaphore_mem>>) src(%dma_wait3A_254 : memref<512xi32, #tpu.memory_space<hbm>>) dst(%dma_wait3A_253 : memref<512xi32, #tpu.memory_space<vmem>>)
      tpu.yield
    }) : () -> ()
    %add3A_24 = arith.constant 163840 : i32
    %add3A_25 = arith.addi %add3A_24, %mul3A_2 : i32
    "tpu.region"() ({
      %run_scoped3A = tpu.sem_alloc : memref<!tpu.dma_semaphore, #tpu.memory_space<semaphore_mem>>
      %dma_start3A_243 = arith.constant 5120 : i32
      %dma_start3A_244 = tpu.memref_slice %arg5[%dma_start3A_243] : memref<13312xi32, #tpu.memory_space<vmem>> -> memref<512xi32, #tpu.memory_space<vmem>>
      %dma_start3A_245 = tpu.memref_slice %arg2[%add3A_25] : memref<425984xi32, #tpu.memory_space<hbm>> -> memref<512xi32, #tpu.memory_space<hbm>>
      %dma_start3A_246 = arith.constant 5120 : i32
      %dma_start3A_247 = tpu.memref_slice %arg5[%dma_start3A_246] : memref<13312xi32, #tpu.memory_space<vmem>> -> memref<512xi32, #tpu.memory_space<vmem>>
      %dma_start3A_248 = tpu.memref_slice %arg2[%add3A_25] : memref<425984xi32, #tpu.memory_space<hbm>> -> memref<512xi32, #tpu.memory_space<hbm>>
      tpu.enqueue_dma source(%dma_start3A_248 : memref<512xi32, #tpu.memory_space<hbm>>) target(%dma_start3A_247 : memref<512xi32, #tpu.memory_space<vmem>>) target_semaphore(%run_scoped3A : memref<!tpu.dma_semaphore, #tpu.memory_space<semaphore_mem>>)
      %dma_wait3A_249 = arith.constant 5120 : i32
      %dma_wait3A_250 = tpu.memref_slice %arg5[%dma_wait3A_249] : memref<13312xi32, #tpu.memory_space<vmem>> -> memref<512xi32, #tpu.memory_space<vmem>>
      %dma_wait3A_251 = tpu.memref_slice %arg2[%add3A_25] : memref<425984xi32, #tpu.memory_space<hbm>> -> memref<512xi32, #tpu.memory_space<hbm>>
      %dma_wait3A_252 = arith.constant 5120 : i32
      %dma_wait3A_253 = tpu.memref_slice %arg5[%dma_wait3A_252] : memref<13312xi32, #tpu.memory_space<vmem>> -> memref<512xi32, #tpu.memory_space<vmem>>
      %dma_wait3A_254 = tpu.memref_slice %arg2[%add3A_25] : memref<425984xi32, #tpu.memory_space<hbm>> -> memref<512xi32, #tpu.memory_space<hbm>>
      tpu.wait_dma2 semaphore(%run_scoped3A : memref<!tpu.dma_semaphore, #tpu.memory_space<semaphore_mem>>) src(%dma_wait3A_254 : memref<512xi32, #tpu.memory_space<hbm>>) dst(%dma_wait3A_253 : memref<512xi32, #tpu.memory_space<vmem>>)
      tpu.yield
    }) : () -> ()
    %add3A_26 = arith.constant 180224 : i32
    %add3A_27 = arith.addi %add3A_26, %mul3A_2 : i32
    "tpu.region"() ({
      %run_scoped3A = tpu.sem_alloc : memref<!tpu.dma_semaphore, #tpu.memory_space<semaphore_mem>>
      %dma_start3A_243 = arith.constant 5632 : i32
      %dma_start3A_244 = tpu.memref_slice %arg5[%dma_start3A_243] : memref<13312xi32, #tpu.memory_space<vmem>> -> memref<512xi32, #tpu.memory_space<vmem>>
      %dma_start3A_245 = tpu.memref_slice %arg2[%add3A_27] : memref<425984xi32, #tpu.memory_space<hbm>> -> memref<512xi32, #tpu.memory_space<hbm>>
      %dma_start3A_246 = arith.constant 5632 : i32
      %dma_start3A_247 = tpu.memref_slice %arg5[%dma_start3A_246] : memref<13312xi32, #tpu.memory_space<vmem>> -> memref<512xi32, #tpu.memory_space<vmem>>
      %dma_start3A_248 = tpu.memref_slice %arg2[%add3A_27] : memref<425984xi32, #tpu.memory_space<hbm>> -> memref<512xi32, #tpu.memory_space<hbm>>
      tpu.enqueue_dma source(%dma_start3A_248 : memref<512xi32, #tpu.memory_space<hbm>>) target(%dma_start3A_247 : memref<512xi32, #tpu.memory_space<vmem>>) target_semaphore(%run_scoped3A : memref<!tpu.dma_semaphore, #tpu.memory_space<semaphore_mem>>)
      %dma_wait3A_249 = arith.constant 5632 : i32
      %dma_wait3A_250 = tpu.memref_slice %arg5[%dma_wait3A_249] : memref<13312xi32, #tpu.memory_space<vmem>> -> memref<512xi32, #tpu.memory_space<vmem>>
      %dma_wait3A_251 = tpu.memref_slice %arg2[%add3A_27] : memref<425984xi32, #tpu.memory_space<hbm>> -> memref<512xi32, #tpu.memory_space<hbm>>
      %dma_wait3A_252 = arith.constant 5632 : i32
      %dma_wait3A_253 = tpu.memref_slice %arg5[%dma_wait3A_252] : memref<13312xi32, #tpu.memory_space<vmem>> -> memref<512xi32, #tpu.memory_space<vmem>>
      %dma_wait3A_254 = tpu.memref_slice %arg2[%add3A_27] : memref<425984xi32, #tpu.memory_space<hbm>> -> memref<512xi32, #tpu.memory_space<hbm>>
      tpu.wait_dma2 semaphore(%run_scoped3A : memref<!tpu.dma_semaphore, #tpu.memory_space<semaphore_mem>>) src(%dma_wait3A_254 : memref<512xi32, #tpu.memory_space<hbm>>) dst(%dma_wait3A_253 : memref<512xi32, #tpu.memory_space<vmem>>)
      tpu.yield
    }) : () -> ()
    %add3A_28 = arith.constant 196608 : i32
    %add3A_29 = arith.addi %add3A_28, %mul3A_2 : i32
    "tpu.region"() ({
      %run_scoped3A = tpu.sem_alloc : memref<!tpu.dma_semaphore, #tpu.memory_space<semaphore_mem>>
      %dma_start3A_243 = arith.constant 6144 : i32
      %dma_start3A_244 = tpu.memref_slice %arg5[%dma_start3A_243] : memref<13312xi32, #tpu.memory_space<vmem>> -> memref<512xi32, #tpu.memory_space<vmem>>
      %dma_start3A_245 = tpu.memref_slice %arg2[%add3A_29] : memref<425984xi32, #tpu.memory_space<hbm>> -> memref<512xi32, #tpu.memory_space<hbm>>
      %dma_start3A_246 = arith.constant 6144 : i32
      %dma_start3A_247 = tpu.memref_slice %arg5[%dma_start3A_246] : memref<13312xi32, #tpu.memory_space<vmem>> -> memref<512xi32, #tpu.memory_space<vmem>>
      %dma_start3A_248 = tpu.memref_slice %arg2[%add3A_29] : memref<425984xi32, #tpu.memory_space<hbm>> -> memref<512xi32, #tpu.memory_space<hbm>>
      tpu.enqueue_dma source(%dma_start3A_248 : memref<512xi32, #tpu.memory_space<hbm>>) target(%dma_start3A_247 : memref<512xi32, #tpu.memory_space<vmem>>) target_semaphore(%run_scoped3A : memref<!tpu.dma_semaphore, #tpu.memory_space<semaphore_mem>>)
      %dma_wait3A_249 = arith.constant 6144 : i32
      %dma_wait3A_250 = tpu.memref_slice %arg5[%dma_wait3A_249] : memref<13312xi32, #tpu.memory_space<vmem>> -> memref<512xi32, #tpu.memory_space<vmem>>
      %dma_wait3A_251 = tpu.memref_slice %arg2[%add3A_29] : memref<425984xi32, #tpu.memory_space<hbm>> -> memref<512xi32, #tpu.memory_space<hbm>>
      %dma_wait3A_252 = arith.constant 6144 : i32
      %dma_wait3A_253 = tpu.memref_slice %arg5[%dma_wait3A_252] : memref<13312xi32, #tpu.memory_space<vmem>> -> memref<512xi32, #tpu.memory_space<vmem>>
      %dma_wait3A_254 = tpu.memref_slice %arg2[%add3A_29] : memref<425984xi32, #tpu.memory_space<hbm>> -> memref<512xi32, #tpu.memory_space<hbm>>
      tpu.wait_dma2 semaphore(%run_scoped3A : memref<!tpu.dma_semaphore, #tpu.memory_space<semaphore_mem>>) src(%dma_wait3A_254 : memref<512xi32, #tpu.memory_space<hbm>>) dst(%dma_wait3A_253 : memref<512xi32, #tpu.memory_space<vmem>>)
      tpu.yield
    }) : () -> ()
    %add3A_30 = arith.constant 212992 : i32
    %add3A_31 = arith.addi %add3A_30, %mul3A_2 : i32
    "tpu.region"() ({
      %run_scoped3A = tpu.sem_alloc : memref<!tpu.dma_semaphore, #tpu.memory_space<semaphore_mem>>
      %dma_start3A_243 = arith.constant 6656 : i32
      %dma_start3A_244 = tpu.memref_slice %arg5[%dma_start3A_243] : memref<13312xi32, #tpu.memory_space<vmem>> -> memref<512xi32, #tpu.memory_space<vmem>>
      %dma_start3A_245 = tpu.memref_slice %arg2[%add3A_31] : memref<425984xi32, #tpu.memory_space<hbm>> -> memref<512xi32, #tpu.memory_space<hbm>>
      %dma_start3A_246 = arith.constant 6656 : i32
      %dma_start3A_247 = tpu.memref_slice %arg5[%dma_start3A_246] : memref<13312xi32, #tpu.memory_space<vmem>> -> memref<512xi32, #tpu.memory_space<vmem>>
      %dma_start3A_248 = tpu.memref_slice %arg2[%add3A_31] : memref<425984xi32, #tpu.memory_space<hbm>> -> memref<512xi32, #tpu.memory_space<hbm>>
      tpu.enqueue_dma source(%dma_start3A_248 : memref<512xi32, #tpu.memory_space<hbm>>) target(%dma_start3A_247 : memref<512xi32, #tpu.memory_space<vmem>>) target_semaphore(%run_scoped3A : memref<!tpu.dma_semaphore, #tpu.memory_space<semaphore_mem>>)
      %dma_wait3A_249 = arith.constant 6656 : i32
      %dma_wait3A_250 = tpu.memref_slice %arg5[%dma_wait3A_249] : memref<13312xi32, #tpu.memory_space<vmem>> -> memref<512xi32, #tpu.memory_space<vmem>>
      %dma_wait3A_251 = tpu.memref_slice %arg2[%add3A_31] : memref<425984xi32, #tpu.memory_space<hbm>> -> memref<512xi32, #tpu.memory_space<hbm>>
      %dma_wait3A_252 = arith.constant 6656 : i32
      %dma_wait3A_253 = tpu.memref_slice %arg5[%dma_wait3A_252] : memref<13312xi32, #tpu.memory_space<vmem>> -> memref<512xi32, #tpu.memory_space<vmem>>
      %dma_wait3A_254 = tpu.memref_slice %arg2[%add3A_31] : memref<425984xi32, #tpu.memory_space<hbm>> -> memref<512xi32, #tpu.memory_space<hbm>>
      tpu.wait_dma2 semaphore(%run_scoped3A : memref<!tpu.dma_semaphore, #tpu.memory_space<semaphore_mem>>) src(%dma_wait3A_254 : memref<512xi32, #tpu.memory_space<hbm>>) dst(%dma_wait3A_253 : memref<512xi32, #tpu.memory_space<vmem>>)
      tpu.yield
    }) : () -> ()
    %add3A_32 = arith.constant 229376 : i32
    %add3A_33 = arith.addi %add3A_32, %mul3A_2 : i32
    "tpu.region"() ({
      %run_scoped3A = tpu.sem_alloc : memref<!tpu.dma_semaphore, #tpu.memory_space<semaphore_mem>>
      %dma_start3A_243 = arith.constant 7168 : i32
      %dma_start3A_244 = tpu.memref_slice %arg5[%dma_start3A_243] : memref<13312xi32, #tpu.memory_space<vmem>> -> memref<512xi32, #tpu.memory_space<vmem>>
      %dma_start3A_245 = tpu.memref_slice %arg2[%add3A_33] : memref<425984xi32, #tpu.memory_space<hbm>> -> memref<512xi32, #tpu.memory_space<hbm>>
      %dma_start3A_246 = arith.constant 7168 : i32
      %dma_start3A_247 = tpu.memref_slice %arg5[%dma_start3A_246] : memref<13312xi32, #tpu.memory_space<vmem>> -> memref<512xi32, #tpu.memory_space<vmem>>
      %dma_start3A_248 = tpu.memref_slice %arg2[%add3A_33] : memref<425984xi32, #tpu.memory_space<hbm>> -> memref<512xi32, #tpu.memory_space<hbm>>
      tpu.enqueue_dma source(%dma_start3A_248 : memref<512xi32, #tpu.memory_space<hbm>>) target(%dma_start3A_247 : memref<512xi32, #tpu.memory_space<vmem>>) target_semaphore(%run_scoped3A : memref<!tpu.dma_semaphore, #tpu.memory_space<semaphore_mem>>)
      %dma_wait3A_249 = arith.constant 7168 : i32
      %dma_wait3A_250 = tpu.memref_slice %arg5[%dma_wait3A_249] : memref<13312xi32, #tpu.memory_space<vmem>> -> memref<512xi32, #tpu.memory_space<vmem>>
      %dma_wait3A_251 = tpu.memref_slice %arg2[%add3A_33] : memref<425984xi32, #tpu.memory_space<hbm>> -> memref<512xi32, #tpu.memory_space<hbm>>
      %dma_wait3A_252 = arith.constant 7168 : i32
      %dma_wait3A_253 = tpu.memref_slice %arg5[%dma_wait3A_252] : memref<13312xi32, #tpu.memory_space<vmem>> -> memref<512xi32, #tpu.memory_space<vmem>>
      %dma_wait3A_254 = tpu.memref_slice %arg2[%add3A_33] : memref<425984xi32, #tpu.memory_space<hbm>> -> memref<512xi32, #tpu.memory_space<hbm>>
      tpu.wait_dma2 semaphore(%run_scoped3A : memref<!tpu.dma_semaphore, #tpu.memory_space<semaphore_mem>>) src(%dma_wait3A_254 : memref<512xi32, #tpu.memory_space<hbm>>) dst(%dma_wait3A_253 : memref<512xi32, #tpu.memory_space<vmem>>)
      tpu.yield
    }) : () -> ()
    %add3A_34 = arith.constant 245760 : i32
    %add3A_35 = arith.addi %add3A_34, %mul3A_2 : i32
    "tpu.region"() ({
      %run_scoped3A = tpu.sem_alloc : memref<!tpu.dma_semaphore, #tpu.memory_space<semaphore_mem>>
      %dma_start3A_243 = arith.constant 7680 : i32
      %dma_start3A_244 = tpu.memref_slice %arg5[%dma_start3A_243] : memref<13312xi32, #tpu.memory_space<vmem>> -> memref<512xi32, #tpu.memory_space<vmem>>
      %dma_start3A_245 = tpu.memref_slice %arg2[%add3A_35] : memref<425984xi32, #tpu.memory_space<hbm>> -> memref<512xi32, #tpu.memory_space<hbm>>
      %dma_start3A_246 = arith.constant 7680 : i32
      %dma_start3A_247 = tpu.memref_slice %arg5[%dma_start3A_246] : memref<13312xi32, #tpu.memory_space<vmem>> -> memref<512xi32, #tpu.memory_space<vmem>>
      %dma_start3A_248 = tpu.memref_slice %arg2[%add3A_35] : memref<425984xi32, #tpu.memory_space<hbm>> -> memref<512xi32, #tpu.memory_space<hbm>>
      tpu.enqueue_dma source(%dma_start3A_248 : memref<512xi32, #tpu.memory_space<hbm>>) target(%dma_start3A_247 : memref<512xi32, #tpu.memory_space<vmem>>) target_semaphore(%run_scoped3A : memref<!tpu.dma_semaphore, #tpu.memory_space<semaphore_mem>>)
      %dma_wait3A_249 = arith.constant 7680 : i32
      %dma_wait3A_250 = tpu.memref_slice %arg5[%dma_wait3A_249] : memref<13312xi32, #tpu.memory_space<vmem>> -> memref<512xi32, #tpu.memory_space<vmem>>
      %dma_wait3A_251 = tpu.memref_slice %arg2[%add3A_35] : memref<425984xi32, #tpu.memory_space<hbm>> -> memref<512xi32, #tpu.memory_space<hbm>>
      %dma_wait3A_252 = arith.constant 7680 : i32
      %dma_wait3A_253 = tpu.memref_slice %arg5[%dma_wait3A_252] : memref<13312xi32, #tpu.memory_space<vmem>> -> memref<512xi32, #tpu.memory_space<vmem>>
      %dma_wait3A_254 = tpu.memref_slice %arg2[%add3A_35] : memref<425984xi32, #tpu.memory_space<hbm>> -> memref<512xi32, #tpu.memory_space<hbm>>
      tpu.wait_dma2 semaphore(%run_scoped3A : memref<!tpu.dma_semaphore, #tpu.memory_space<semaphore_mem>>) src(%dma_wait3A_254 : memref<512xi32, #tpu.memory_space<hbm>>) dst(%dma_wait3A_253 : memref<512xi32, #tpu.memory_space<vmem>>)
      tpu.yield
    }) : () -> ()
    %add3A_36 = arith.constant 262144 : i32
    %add3A_37 = arith.addi %add3A_36, %mul3A_2 : i32
    "tpu.region"() ({
      %run_scoped3A = tpu.sem_alloc : memref<!tpu.dma_semaphore, #tpu.memory_space<semaphore_mem>>
      %dma_start3A_243 = arith.constant 8192 : i32
      %dma_start3A_244 = tpu.memref_slice %arg5[%dma_start3A_243] : memref<13312xi32, #tpu.memory_space<vmem>> -> memref<512xi32, #tpu.memory_space<vmem>>
      %dma_start3A_245 = tpu.memref_slice %arg2[%add3A_37] : memref<425984xi32, #tpu.memory_space<hbm>> -> memref<512xi32, #tpu.memory_space<hbm>>
      %dma_start3A_246 = arith.constant 8192 : i32
      %dma_start3A_247 = tpu.memref_slice %arg5[%dma_start3A_246] : memref<13312xi32, #tpu.memory_space<vmem>> -> memref<512xi32, #tpu.memory_space<vmem>>
      %dma_start3A_248 = tpu.memref_slice %arg2[%add3A_37] : memref<425984xi32, #tpu.memory_space<hbm>> -> memref<512xi32, #tpu.memory_space<hbm>>
      tpu.enqueue_dma source(%dma_start3A_248 : memref<512xi32, #tpu.memory_space<hbm>>) target(%dma_start3A_247 : memref<512xi32, #tpu.memory_space<vmem>>) target_semaphore(%run_scoped3A : memref<!tpu.dma_semaphore, #tpu.memory_space<semaphore_mem>>)
      %dma_wait3A_249 = arith.constant 8192 : i32
      %dma_wait3A_250 = tpu.memref_slice %arg5[%dma_wait3A_249] : memref<13312xi32, #tpu.memory_space<vmem>> -> memref<512xi32, #tpu.memory_space<vmem>>
      %dma_wait3A_251 = tpu.memref_slice %arg2[%add3A_37] : memref<425984xi32, #tpu.memory_space<hbm>> -> memref<512xi32, #tpu.memory_space<hbm>>
      %dma_wait3A_252 = arith.constant 8192 : i32
      %dma_wait3A_253 = tpu.memref_slice %arg5[%dma_wait3A_252] : memref<13312xi32, #tpu.memory_space<vmem>> -> memref<512xi32, #tpu.memory_space<vmem>>
      %dma_wait3A_254 = tpu.memref_slice %arg2[%add3A_37] : memref<425984xi32, #tpu.memory_space<hbm>> -> memref<512xi32, #tpu.memory_space<hbm>>
      tpu.wait_dma2 semaphore(%run_scoped3A : memref<!tpu.dma_semaphore, #tpu.memory_space<semaphore_mem>>) src(%dma_wait3A_254 : memref<512xi32, #tpu.memory_space<hbm>>) dst(%dma_wait3A_253 : memref<512xi32, #tpu.memory_space<vmem>>)
      tpu.yield
    }) : () -> ()
    %add3A_38 = arith.constant 278528 : i32
    %add3A_39 = arith.addi %add3A_38, %mul3A_2 : i32
    "tpu.region"() ({
      %run_scoped3A = tpu.sem_alloc : memref<!tpu.dma_semaphore, #tpu.memory_space<semaphore_mem>>
      %dma_start3A_243 = arith.constant 8704 : i32
      %dma_start3A_244 = tpu.memref_slice %arg5[%dma_start3A_243] : memref<13312xi32, #tpu.memory_space<vmem>> -> memref<512xi32, #tpu.memory_space<vmem>>
      %dma_start3A_245 = tpu.memref_slice %arg2[%add3A_39] : memref<425984xi32, #tpu.memory_space<hbm>> -> memref<512xi32, #tpu.memory_space<hbm>>
      %dma_start3A_246 = arith.constant 8704 : i32
      %dma_start3A_247 = tpu.memref_slice %arg5[%dma_start3A_246] : memref<13312xi32, #tpu.memory_space<vmem>> -> memref<512xi32, #tpu.memory_space<vmem>>
      %dma_start3A_248 = tpu.memref_slice %arg2[%add3A_39] : memref<425984xi32, #tpu.memory_space<hbm>> -> memref<512xi32, #tpu.memory_space<hbm>>
      tpu.enqueue_dma source(%dma_start3A_248 : memref<512xi32, #tpu.memory_space<hbm>>) target(%dma_start3A_247 : memref<512xi32, #tpu.memory_space<vmem>>) target_semaphore(%run_scoped3A : memref<!tpu.dma_semaphore, #tpu.memory_space<semaphore_mem>>)
      %dma_wait3A_249 = arith.constant 8704 : i32
      %dma_wait3A_250 = tpu.memref_slice %arg5[%dma_wait3A_249] : memref<13312xi32, #tpu.memory_space<vmem>> -> memref<512xi32, #tpu.memory_space<vmem>>
      %dma_wait3A_251 = tpu.memref_slice %arg2[%add3A_39] : memref<425984xi32, #tpu.memory_space<hbm>> -> memref<512xi32, #tpu.memory_space<hbm>>
      %dma_wait3A_252 = arith.constant 8704 : i32
      %dma_wait3A_253 = tpu.memref_slice %arg5[%dma_wait3A_252] : memref<13312xi32, #tpu.memory_space<vmem>> -> memref<512xi32, #tpu.memory_space<vmem>>
      %dma_wait3A_254 = tpu.memref_slice %arg2[%add3A_39] : memref<425984xi32, #tpu.memory_space<hbm>> -> memref<512xi32, #tpu.memory_space<hbm>>
      tpu.wait_dma2 semaphore(%run_scoped3A : memref<!tpu.dma_semaphore, #tpu.memory_space<semaphore_mem>>) src(%dma_wait3A_254 : memref<512xi32, #tpu.memory_space<hbm>>) dst(%dma_wait3A_253 : memref<512xi32, #tpu.memory_space<vmem>>)
      tpu.yield
    }) : () -> ()
    %add3A_40 = arith.constant 294912 : i32
    %add3A_41 = arith.addi %add3A_40, %mul3A_2 : i32
    "tpu.region"() ({
      %run_scoped3A = tpu.sem_alloc : memref<!tpu.dma_semaphore, #tpu.memory_space<semaphore_mem>>
      %dma_start3A_243 = arith.constant 9216 : i32
      %dma_start3A_244 = tpu.memref_slice %arg5[%dma_start3A_243] : memref<13312xi32, #tpu.memory_space<vmem>> -> memref<512xi32, #tpu.memory_space<vmem>>
      %dma_start3A_245 = tpu.memref_slice %arg2[%add3A_41] : memref<425984xi32, #tpu.memory_space<hbm>> -> memref<512xi32, #tpu.memory_space<hbm>>
      %dma_start3A_246 = arith.constant 9216 : i32
      %dma_start3A_247 = tpu.memref_slice %arg5[%dma_start3A_246] : memref<13312xi32, #tpu.memory_space<vmem>> -> memref<512xi32, #tpu.memory_space<vmem>>
      %dma_start3A_248 = tpu.memref_slice %arg2[%add3A_41] : memref<425984xi32, #tpu.memory_space<hbm>> -> memref<512xi32, #tpu.memory_space<hbm>>
      tpu.enqueue_dma source(%dma_start3A_248 : memref<512xi32, #tpu.memory_space<hbm>>) target(%dma_start3A_247 : memref<512xi32, #tpu.memory_space<vmem>>) target_semaphore(%run_scoped3A : memref<!tpu.dma_semaphore, #tpu.memory_space<semaphore_mem>>)
      %dma_wait3A_249 = arith.constant 9216 : i32
      %dma_wait3A_250 = tpu.memref_slice %arg5[%dma_wait3A_249] : memref<13312xi32, #tpu.memory_space<vmem>> -> memref<512xi32, #tpu.memory_space<vmem>>
      %dma_wait3A_251 = tpu.memref_slice %arg2[%add3A_41] : memref<425984xi32, #tpu.memory_space<hbm>> -> memref<512xi32, #tpu.memory_space<hbm>>
      %dma_wait3A_252 = arith.constant 9216 : i32
      %dma_wait3A_253 = tpu.memref_slice %arg5[%dma_wait3A_252] : memref<13312xi32, #tpu.memory_space<vmem>> -> memref<512xi32, #tpu.memory_space<vmem>>
      %dma_wait3A_254 = tpu.memref_slice %arg2[%add3A_41] : memref<425984xi32, #tpu.memory_space<hbm>> -> memref<512xi32, #tpu.memory_space<hbm>>
      tpu.wait_dma2 semaphore(%run_scoped3A : memref<!tpu.dma_semaphore, #tpu.memory_space<semaphore_mem>>) src(%dma_wait3A_254 : memref<512xi32, #tpu.memory_space<hbm>>) dst(%dma_wait3A_253 : memref<512xi32, #tpu.memory_space<vmem>>)
      tpu.yield
    }) : () -> ()
    %add3A_42 = arith.constant 311296 : i32
    %add3A_43 = arith.addi %add3A_42, %mul3A_2 : i32
    "tpu.region"() ({
      %run_scoped3A = tpu.sem_alloc : memref<!tpu.dma_semaphore, #tpu.memory_space<semaphore_mem>>
      %dma_start3A_243 = arith.constant 9728 : i32
      %dma_start3A_244 = tpu.memref_slice %arg5[%dma_start3A_243] : memref<13312xi32, #tpu.memory_space<vmem>> -> memref<512xi32, #tpu.memory_space<vmem>>
      %dma_start3A_245 = tpu.memref_slice %arg2[%add3A_43] : memref<425984xi32, #tpu.memory_space<hbm>> -> memref<512xi32, #tpu.memory_space<hbm>>
      %dma_start3A_246 = arith.constant 9728 : i32
      %dma_start3A_247 = tpu.memref_slice %arg5[%dma_start3A_246] : memref<13312xi32, #tpu.memory_space<vmem>> -> memref<512xi32, #tpu.memory_space<vmem>>
      %dma_start3A_248 = tpu.memref_slice %arg2[%add3A_43] : memref<425984xi32, #tpu.memory_space<hbm>> -> memref<512xi32, #tpu.memory_space<hbm>>
      tpu.enqueue_dma source(%dma_start3A_248 : memref<512xi32, #tpu.memory_space<hbm>>) target(%dma_start3A_247 : memref<512xi32, #tpu.memory_space<vmem>>) target_semaphore(%run_scoped3A : memref<!tpu.dma_semaphore, #tpu.memory_space<semaphore_mem>>)
      %dma_wait3A_249 = arith.constant 9728 : i32
      %dma_wait3A_250 = tpu.memref_slice %arg5[%dma_wait3A_249] : memref<13312xi32, #tpu.memory_space<vmem>> -> memref<512xi32, #tpu.memory_space<vmem>>
      %dma_wait3A_251 = tpu.memref_slice %arg2[%add3A_43] : memref<425984xi32, #tpu.memory_space<hbm>> -> memref<512xi32, #tpu.memory_space<hbm>>
      %dma_wait3A_252 = arith.constant 9728 : i32
      %dma_wait3A_253 = tpu.memref_slice %arg5[%dma_wait3A_252] : memref<13312xi32, #tpu.memory_space<vmem>> -> memref<512xi32, #tpu.memory_space<vmem>>
      %dma_wait3A_254 = tpu.memref_slice %arg2[%add3A_43] : memref<425984xi32, #tpu.memory_space<hbm>> -> memref<512xi32, #tpu.memory_space<hbm>>
      tpu.wait_dma2 semaphore(%run_scoped3A : memref<!tpu.dma_semaphore, #tpu.memory_space<semaphore_mem>>) src(%dma_wait3A_254 : memref<512xi32, #tpu.memory_space<hbm>>) dst(%dma_wait3A_253 : memref<512xi32, #tpu.memory_space<vmem>>)
      tpu.yield
    }) : () -> ()
    %add3A_44 = arith.constant 327680 : i32
    %add3A_45 = arith.addi %add3A_44, %mul3A_2 : i32
    "tpu.region"() ({
      %run_scoped3A = tpu.sem_alloc : memref<!tpu.dma_semaphore, #tpu.memory_space<semaphore_mem>>
      %dma_start3A_243 = arith.constant 10240 : i32
      %dma_start3A_244 = tpu.memref_slice %arg5[%dma_start3A_243] : memref<13312xi32, #tpu.memory_space<vmem>> -> memref<512xi32, #tpu.memory_space<vmem>>
      %dma_start3A_245 = tpu.memref_slice %arg2[%add3A_45] : memref<425984xi32, #tpu.memory_space<hbm>> -> memref<512xi32, #tpu.memory_space<hbm>>
      %dma_start3A_246 = arith.constant 10240 : i32
      %dma_start3A_247 = tpu.memref_slice %arg5[%dma_start3A_246] : memref<13312xi32, #tpu.memory_space<vmem>> -> memref<512xi32, #tpu.memory_space<vmem>>
      %dma_start3A_248 = tpu.memref_slice %arg2[%add3A_45] : memref<425984xi32, #tpu.memory_space<hbm>> -> memref<512xi32, #tpu.memory_space<hbm>>
      tpu.enqueue_dma source(%dma_start3A_248 : memref<512xi32, #tpu.memory_space<hbm>>) target(%dma_start3A_247 : memref<512xi32, #tpu.memory_space<vmem>>) target_semaphore(%run_scoped3A : memref<!tpu.dma_semaphore, #tpu.memory_space<semaphore_mem>>)
      %dma_wait3A_249 = arith.constant 10240 : i32
      %dma_wait3A_250 = tpu.memref_slice %arg5[%dma_wait3A_249] : memref<13312xi32, #tpu.memory_space<vmem>> -> memref<512xi32, #tpu.memory_space<vmem>>
      %dma_wait3A_251 = tpu.memref_slice %arg2[%add3A_45] : memref<425984xi32, #tpu.memory_space<hbm>> -> memref<512xi32, #tpu.memory_space<hbm>>
      %dma_wait3A_252 = arith.constant 10240 : i32
      %dma_wait3A_253 = tpu.memref_slice %arg5[%dma_wait3A_252] : memref<13312xi32, #tpu.memory_space<vmem>> -> memref<512xi32, #tpu.memory_space<vmem>>
      %dma_wait3A_254 = tpu.memref_slice %arg2[%add3A_45] : memref<425984xi32, #tpu.memory_space<hbm>> -> memref<512xi32, #tpu.memory_space<hbm>>
      tpu.wait_dma2 semaphore(%run_scoped3A : memref<!tpu.dma_semaphore, #tpu.memory_space<semaphore_mem>>) src(%dma_wait3A_254 : memref<512xi32, #tpu.memory_space<hbm>>) dst(%dma_wait3A_253 : memref<512xi32, #tpu.memory_space<vmem>>)
      tpu.yield
    }) : () -> ()
    %add3A_46 = arith.constant 344064 : i32
    %add3A_47 = arith.addi %add3A_46, %mul3A_2 : i32
    "tpu.region"() ({
      %run_scoped3A = tpu.sem_alloc : memref<!tpu.dma_semaphore, #tpu.memory_space<semaphore_mem>>
      %dma_start3A_243 = arith.constant 10752 : i32
      %dma_start3A_244 = tpu.memref_slice %arg5[%dma_start3A_243] : memref<13312xi32, #tpu.memory_space<vmem>> -> memref<512xi32, #tpu.memory_space<vmem>>
      %dma_start3A_245 = tpu.memref_slice %arg2[%add3A_47] : memref<425984xi32, #tpu.memory_space<hbm>> -> memref<512xi32, #tpu.memory_space<hbm>>
      %dma_start3A_246 = arith.constant 10752 : i32
      %dma_start3A_247 = tpu.memref_slice %arg5[%dma_start3A_246] : memref<13312xi32, #tpu.memory_space<vmem>> -> memref<512xi32, #tpu.memory_space<vmem>>
      %dma_start3A_248 = tpu.memref_slice %arg2[%add3A_47] : memref<425984xi32, #tpu.memory_space<hbm>> -> memref<512xi32, #tpu.memory_space<hbm>>
      tpu.enqueue_dma source(%dma_start3A_248 : memref<512xi32, #tpu.memory_space<hbm>>) target(%dma_start3A_247 : memref<512xi32, #tpu.memory_space<vmem>>) target_semaphore(%run_scoped3A : memref<!tpu.dma_semaphore, #tpu.memory_space<semaphore_mem>>)
      %dma_wait3A_249 = arith.constant 10752 : i32
      %dma_wait3A_250 = tpu.memref_slice %arg5[%dma_wait3A_249] : memref<13312xi32, #tpu.memory_space<vmem>> -> memref<512xi32, #tpu.memory_space<vmem>>
      %dma_wait3A_251 = tpu.memref_slice %arg2[%add3A_47] : memref<425984xi32, #tpu.memory_space<hbm>> -> memref<512xi32, #tpu.memory_space<hbm>>
      %dma_wait3A_252 = arith.constant 10752 : i32
      %dma_wait3A_253 = tpu.memref_slice %arg5[%dma_wait3A_252] : memref<13312xi32, #tpu.memory_space<vmem>> -> memref<512xi32, #tpu.memory_space<vmem>>
      %dma_wait3A_254 = tpu.memref_slice %arg2[%add3A_47] : memref<425984xi32, #tpu.memory_space<hbm>> -> memref<512xi32, #tpu.memory_space<hbm>>
      tpu.wait_dma2 semaphore(%run_scoped3A : memref<!tpu.dma_semaphore, #tpu.memory_space<semaphore_mem>>) src(%dma_wait3A_254 : memref<512xi32, #tpu.memory_space<hbm>>) dst(%dma_wait3A_253 : memref<512xi32, #tpu.memory_space<vmem>>)
      tpu.yield
    }) : () -> ()
    %add3A_48 = arith.constant 360448 : i32
    %add3A_49 = arith.addi %add3A_48, %mul3A_2 : i32
    "tpu.region"() ({
      %run_scoped3A = tpu.sem_alloc : memref<!tpu.dma_semaphore, #tpu.memory_space<semaphore_mem>>
      %dma_start3A_243 = arith.constant 11264 : i32
      %dma_start3A_244 = tpu.memref_slice %arg5[%dma_start3A_243] : memref<13312xi32, #tpu.memory_space<vmem>> -> memref<512xi32, #tpu.memory_space<vmem>>
      %dma_start3A_245 = tpu.memref_slice %arg2[%add3A_49] : memref<425984xi32, #tpu.memory_space<hbm>> -> memref<512xi32, #tpu.memory_space<hbm>>
      %dma_start3A_246 = arith.constant 11264 : i32
      %dma_start3A_247 = tpu.memref_slice %arg5[%dma_start3A_246] : memref<13312xi32, #tpu.memory_space<vmem>> -> memref<512xi32, #tpu.memory_space<vmem>>
      %dma_start3A_248 = tpu.memref_slice %arg2[%add3A_49] : memref<425984xi32, #tpu.memory_space<hbm>> -> memref<512xi32, #tpu.memory_space<hbm>>
      tpu.enqueue_dma source(%dma_start3A_248 : memref<512xi32, #tpu.memory_space<hbm>>) target(%dma_start3A_247 : memref<512xi32, #tpu.memory_space<vmem>>) target_semaphore(%run_scoped3A : memref<!tpu.dma_semaphore, #tpu.memory_space<semaphore_mem>>)
      %dma_wait3A_249 = arith.constant 11264 : i32
      %dma_wait3A_250 = tpu.memref_slice %arg5[%dma_wait3A_249] : memref<13312xi32, #tpu.memory_space<vmem>> -> memref<512xi32, #tpu.memory_space<vmem>>
      %dma_wait3A_251 = tpu.memref_slice %arg2[%add3A_49] : memref<425984xi32, #tpu.memory_space<hbm>> -> memref<512xi32, #tpu.memory_space<hbm>>
      %dma_wait3A_252 = arith.constant 11264 : i32
      %dma_wait3A_253 = tpu.memref_slice %arg5[%dma_wait3A_252] : memref<13312xi32, #tpu.memory_space<vmem>> -> memref<512xi32, #tpu.memory_space<vmem>>
      %dma_wait3A_254 = tpu.memref_slice %arg2[%add3A_49] : memref<425984xi32, #tpu.memory_space<hbm>> -> memref<512xi32, #tpu.memory_space<hbm>>
      tpu.wait_dma2 semaphore(%run_scoped3A : memref<!tpu.dma_semaphore, #tpu.memory_space<semaphore_mem>>) src(%dma_wait3A_254 : memref<512xi32, #tpu.memory_space<hbm>>) dst(%dma_wait3A_253 : memref<512xi32, #tpu.memory_space<vmem>>)
      tpu.yield
    }) : () -> ()
    %add3A_50 = arith.constant 376832 : i32
    %add3A_51 = arith.addi %add3A_50, %mul3A_2 : i32
    "tpu.region"() ({
      %run_scoped3A = tpu.sem_alloc : memref<!tpu.dma_semaphore, #tpu.memory_space<semaphore_mem>>
      %dma_start3A_243 = arith.constant 11776 : i32
      %dma_start3A_244 = tpu.memref_slice %arg5[%dma_start3A_243] : memref<13312xi32, #tpu.memory_space<vmem>> -> memref<512xi32, #tpu.memory_space<vmem>>
      %dma_start3A_245 = tpu.memref_slice %arg2[%add3A_51] : memref<425984xi32, #tpu.memory_space<hbm>> -> memref<512xi32, #tpu.memory_space<hbm>>
      %dma_start3A_246 = arith.constant 11776 : i32
      %dma_start3A_247 = tpu.memref_slice %arg5[%dma_start3A_246] : memref<13312xi32, #tpu.memory_space<vmem>> -> memref<512xi32, #tpu.memory_space<vmem>>
      %dma_start3A_248 = tpu.memref_slice %arg2[%add3A_51] : memref<425984xi32, #tpu.memory_space<hbm>> -> memref<512xi32, #tpu.memory_space<hbm>>
      tpu.enqueue_dma source(%dma_start3A_248 : memref<512xi32, #tpu.memory_space<hbm>>) target(%dma_start3A_247 : memref<512xi32, #tpu.memory_space<vmem>>) target_semaphore(%run_scoped3A : memref<!tpu.dma_semaphore, #tpu.memory_space<semaphore_mem>>)
      %dma_wait3A_249 = arith.constant 11776 : i32
      %dma_wait3A_250 = tpu.memref_slice %arg5[%dma_wait3A_249] : memref<13312xi32, #tpu.memory_space<vmem>> -> memref<512xi32, #tpu.memory_space<vmem>>
      %dma_wait3A_251 = tpu.memref_slice %arg2[%add3A_51] : memref<425984xi32, #tpu.memory_space<hbm>> -> memref<512xi32, #tpu.memory_space<hbm>>
      %dma_wait3A_252 = arith.constant 11776 : i32
      %dma_wait3A_253 = tpu.memref_slice %arg5[%dma_wait3A_252] : memref<13312xi32, #tpu.memory_space<vmem>> -> memref<512xi32, #tpu.memory_space<vmem>>
      %dma_wait3A_254 = tpu.memref_slice %arg2[%add3A_51] : memref<425984xi32, #tpu.memory_space<hbm>> -> memref<512xi32, #tpu.memory_space<hbm>>
      tpu.wait_dma2 semaphore(%run_scoped3A : memref<!tpu.dma_semaphore, #tpu.memory_space<semaphore_mem>>) src(%dma_wait3A_254 : memref<512xi32, #tpu.memory_space<hbm>>) dst(%dma_wait3A_253 : memref<512xi32, #tpu.memory_space<vmem>>)
      tpu.yield
    }) : () -> ()
    %add3A_52 = arith.constant 393216 : i32
    %add3A_53 = arith.addi %add3A_52, %mul3A_2 : i32
    "tpu.region"() ({
      %run_scoped3A = tpu.sem_alloc : memref<!tpu.dma_semaphore, #tpu.memory_space<semaphore_mem>>
      %dma_start3A_243 = arith.constant 12288 : i32
      %dma_start3A_244 = tpu.memref_slice %arg5[%dma_start3A_243] : memref<13312xi32, #tpu.memory_space<vmem>> -> memref<512xi32, #tpu.memory_space<vmem>>
      %dma_start3A_245 = tpu.memref_slice %arg2[%add3A_53] : memref<425984xi32, #tpu.memory_space<hbm>> -> memref<512xi32, #tpu.memory_space<hbm>>
      %dma_start3A_246 = arith.constant 12288 : i32
      %dma_start3A_247 = tpu.memref_slice %arg5[%dma_start3A_246] : memref<13312xi32, #tpu.memory_space<vmem>> -> memref<512xi32, #tpu.memory_space<vmem>>
      %dma_start3A_248 = tpu.memref_slice %arg2[%add3A_53] : memref<425984xi32, #tpu.memory_space<hbm>> -> memref<512xi32, #tpu.memory_space<hbm>>
      tpu.enqueue_dma source(%dma_start3A_248 : memref<512xi32, #tpu.memory_space<hbm>>) target(%dma_start3A_247 : memref<512xi32, #tpu.memory_space<vmem>>) target_semaphore(%run_scoped3A : memref<!tpu.dma_semaphore, #tpu.memory_space<semaphore_mem>>)
      %dma_wait3A_249 = arith.constant 12288 : i32
      %dma_wait3A_250 = tpu.memref_slice %arg5[%dma_wait3A_249] : memref<13312xi32, #tpu.memory_space<vmem>> -> memref<512xi32, #tpu.memory_space<vmem>>
      %dma_wait3A_251 = tpu.memref_slice %arg2[%add3A_53] : memref<425984xi32, #tpu.memory_space<hbm>> -> memref<512xi32, #tpu.memory_space<hbm>>
      %dma_wait3A_252 = arith.constant 12288 : i32
      %dma_wait3A_253 = tpu.memref_slice %arg5[%dma_wait3A_252] : memref<13312xi32, #tpu.memory_space<vmem>> -> memref<512xi32, #tpu.memory_space<vmem>>
      %dma_wait3A_254 = tpu.memref_slice %arg2[%add3A_53] : memref<425984xi32, #tpu.memory_space<hbm>> -> memref<512xi32, #tpu.memory_space<hbm>>
      tpu.wait_dma2 semaphore(%run_scoped3A : memref<!tpu.dma_semaphore, #tpu.memory_space<semaphore_mem>>) src(%dma_wait3A_254 : memref<512xi32, #tpu.memory_space<hbm>>) dst(%dma_wait3A_253 : memref<512xi32, #tpu.memory_space<vmem>>)
      tpu.yield
    }) : () -> ()
    %add3A_54 = arith.constant 409600 : i32
    %add3A_55 = arith.addi %add3A_54, %mul3A_2 : i32
    "tpu.region"() ({
      %run_scoped3A = tpu.sem_alloc : memref<!tpu.dma_semaphore, #tpu.memory_space<semaphore_mem>>
      %dma_start3A_243 = arith.constant 12800 : i32
      %dma_start3A_244 = tpu.memref_slice %arg5[%dma_start3A_243] : memref<13312xi32, #tpu.memory_space<vmem>> -> memref<512xi32, #tpu.memory_space<vmem>>
      %dma_start3A_245 = tpu.memref_slice %arg2[%add3A_55] : memref<425984xi32, #tpu.memory_space<hbm>> -> memref<512xi32, #tpu.memory_space<hbm>>
      %dma_start3A_246 = arith.constant 12800 : i32
      %dma_start3A_247 = tpu.memref_slice %arg5[%dma_start3A_246] : memref<13312xi32, #tpu.memory_space<vmem>> -> memref<512xi32, #tpu.memory_space<vmem>>
      %dma_start3A_248 = tpu.memref_slice %arg2[%add3A_55] : memref<425984xi32, #tpu.memory_space<hbm>> -> memref<512xi32, #tpu.memory_space<hbm>>
      tpu.enqueue_dma source(%dma_start3A_248 : memref<512xi32, #tpu.memory_space<hbm>>) target(%dma_start3A_247 : memref<512xi32, #tpu.memory_space<vmem>>) target_semaphore(%run_scoped3A : memref<!tpu.dma_semaphore, #tpu.memory_space<semaphore_mem>>)
      %dma_wait3A_249 = arith.constant 12800 : i32
      %dma_wait3A_250 = tpu.memref_slice %arg5[%dma_wait3A_249] : memref<13312xi32, #tpu.memory_space<vmem>> -> memref<512xi32, #tpu.memory_space<vmem>>
      %dma_wait3A_251 = tpu.memref_slice %arg2[%add3A_55] : memref<425984xi32, #tpu.memory_space<hbm>> -> memref<512xi32, #tpu.memory_space<hbm>>
      %dma_wait3A_252 = arith.constant 12800 : i32
      %dma_wait3A_253 = tpu.memref_slice %arg5[%dma_wait3A_252] : memref<13312xi32, #tpu.memory_space<vmem>> -> memref<512xi32, #tpu.memory_space<vmem>>
      %dma_wait3A_254 = tpu.memref_slice %arg2[%add3A_55] : memref<425984xi32, #tpu.memory_space<hbm>> -> memref<512xi32, #tpu.memory_space<hbm>>
      tpu.wait_dma2 semaphore(%run_scoped3A : memref<!tpu.dma_semaphore, #tpu.memory_space<semaphore_mem>>) src(%dma_wait3A_254 : memref<512xi32, #tpu.memory_space<hbm>>) dst(%dma_wait3A_253 : memref<512xi32, #tpu.memory_space<vmem>>)
      tpu.yield
    }) : () -> ()
    %scan3A = arith.constant 0 : i32
    %scan3A_56 = arith.constant 0 : i32
    %scan3A_57 = arith.constant 32 : i32
    %scan3A_58 = arith.addi %scan3A_56, %scan3A_57 : i32
    %scan3A_59 = arith.constant 1 : i32
    %scan3A_60 = scf.for %scan3A_243 = %scan3A_56 to %scan3A_58 step %scan3A_59 iter_args(%scan3A_244 = %scan3A) -> (i32)  : i32 {
      %mul3A_245 = arith.constant 16 : i32
      %mul3A_246 = arith.muli %scan3A_243, %mul3A_245 : i32
      %add3A_247 = arith.constant 0 : i32
      %add3A_248 = arith.addi %add3A_247, %mul3A_246 : i32
      %mul3A_249 = arith.constant 16 : i32
      %mul3A_250 = arith.muli %scan3A_243, %mul3A_249 : i32
      %add3A_251 = arith.constant 0 : i32
      %add3A_252 = arith.addi %add3A_251, %mul3A_250 : i32
      %get3A = arith.index_cast %add3A_248 : i32 to index
      %get3A_253 = tpu.vector_load %arg5[%get3A] {strides = array<i32>} : memref<13312xi32, #tpu.memory_space<vmem>>, vector<16xi32>,
      %mul3A_254 = arith.constant 16 : i32
      %mul3A_255 = arith.muli %scan3A_243, %mul3A_254 : i32
      %add3A_256 = arith.addi %mul3A_2, %mul3A_255 : i32
      %add3A_257 = vector.broadcast %add3A_256 : i32 to vector<16xi32>
      %add3A_258 = arith.addi %add3A_257, %iota3A : vector<16xi32>
      %shift_right_arithmetic3A = arith.constant 3 : i32
      %shift_right_arithmetic3A_259 = vector.broadcast %shift_right_arithmetic3A : i32 to vector<16xi32>
      %shift_right_arithmetic3A_260 = arith.shrsi %get3A_253, %shift_right_arithmetic3A_259 : vector<16xi32>
      %add3A_261 = arith.constant 0 : i32
      %add3A_262 = vector.broadcast %add3A_261 : i32 to vector<16xi32>
      %add3A_263 = arith.addi %add3A_262, %shift_right_arithmetic3A_260 : vector<16xi32>
      %shift_left3A = arith.constant 17 : i32
      %shift_left3A_264 = vector.broadcast %shift_left3A : i32 to vector<16xi32>
      %shift_left3A_265 = arith.shli %add3A_263, %shift_left3A_264 : vector<16xi32>
      %shift_right_arithmetic3A_266 = arith.constant 7 : i32
      %shift_right_arithmetic3A_267 = vector.broadcast %shift_right_arithmetic3A_266 : i32 to vector<16xi32>
      %shift_right_arithmetic3A_268 = arith.shrsi %add3A_258, %shift_right_arithmetic3A_267 : vector<16xi32>
      %shift_left3A_269 = arith.constant 10 : i32
      %shift_left3A_270 = vector.broadcast %shift_left3A_269 : i32 to vector<16xi32>
      %shift_left3A_271 = arith.shli %shift_right_arithmetic3A_268, %shift_left3A_270 : vector<16xi32>
      %add3A_272 = arith.addi %shift_left3A_265, %shift_left3A_271 : vector<16xi32>
      %and3A = arith.constant 7 : i32
      %and3A_273 = vector.broadcast %and3A : i32 to vector<16xi32>
      %and3A_274 = arith.andi %get3A_253, %and3A_273 : vector<16xi32>
      %shift_left3A_275 = arith.constant 7 : i32
      %shift_left3A_276 = vector.broadcast %shift_left3A_275 : i32 to vector<16xi32>
      %shift_left3A_277 = arith.shli %and3A_274, %shift_left3A_276 : vector<16xi32>
      %add3A_278 = arith.addi %add3A_272, %shift_left3A_277 : vector<16xi32>
      %and3A_279 = arith.constant 127 : i32
      %and3A_280 = vector.broadcast %and3A_279 : i32 to vector<16xi32>
      %and3A_281 = arith.andi %add3A_258, %and3A_280 : vector<16xi32>
      %add3A_282 = arith.addi %add3A_278, %and3A_281 : vector<16xi32>
      %swap3A = arith.index_cast %add3A_252 : i32 to index
      %swap3A_283 = tpu.vector_load %arg6[%swap3A] {strides = array<i32>} : memref<6656xi32, #tpu.memory_space<vmem>>, vector<16xi32>,
      tpu.vector_store %arg6[%swap3A], %add3A_282 {strides = array<i32>} : memref<6656xi32, #tpu.memory_space<vmem>>, vector<16xi32>,
      %swap3A_284 = arith.index_cast %add3A_252 : i32 to index
      %swap3A_285 = tpu.vector_load %arg7[%swap3A_284] {strides = array<i32>} : memref<6656xf32, #tpu.memory_space<vmem>>, vector<16xf32>,
      tpu.vector_store %arg7[%swap3A_284], %broadcast_in_dim3A_3 {strides = array<i32>} : memref<6656xf32, #tpu.memory_space<vmem>>, vector<16xf32>,
      %scan3A_286 = arith.constant 0 : i32
      scf.yield %scan3A_286 : i32
    }
    %scan3A_61 = arith.constant 32 : i32
    %scan3A_62 = arith.constant 0 : i32
    %scan3A_63 = arith.constant 0 : i32
    %scan3A_64 = arith.constant 32 : i32
    %scan3A_65 = arith.addi %scan3A_63, %scan3A_64 : i32
    %scan3A_66 = arith.constant 1 : i32
    %scan3A_67 = scf.for %scan3A_243 = %scan3A_63 to %scan3A_65 step %scan3A_66 iter_args(%scan3A_244 = %scan3A_62) -> (i32)  : i32 {
      %mul3A_245 = arith.constant 16 : i32
      %mul3A_246 = arith.muli %scan3A_243, %mul3A_245 : i32
      %add3A_247 = arith.constant 512 : i32
      %add3A_248 = arith.addi %add3A_247, %mul3A_246 : i32
      %mul3A_249 = arith.constant 16 : i32
      %mul3A_250 = arith.muli %scan3A_243, %mul3A_249 : i32
      %add3A_251 = arith.constant 512 : i32
      %add3A_252 = arith.addi %add3A_251, %mul3A_250 : i32
      %get3A = arith.index_cast %add3A_248 : i32 to index
      %get3A_253 = tpu.vector_load %arg5[%get3A] {strides = array<i32>} : memref<13312xi32, #tpu.memory_space<vmem>>, vector<16xi32>,
      %mul3A_254 = arith.constant 16 : i32
      %mul3A_255 = arith.muli %scan3A_243, %mul3A_254 : i32
      %add3A_256 = arith.addi %mul3A_2, %mul3A_255 : i32
      %add3A_257 = vector.broadcast %add3A_256 : i32 to vector<16xi32>
      %add3A_258 = arith.addi %add3A_257, %iota3A : vector<16xi32>
      %shift_right_arithmetic3A = arith.constant 3 : i32
      %shift_right_arithmetic3A_259 = vector.broadcast %shift_right_arithmetic3A : i32 to vector<16xi32>
      %shift_right_arithmetic3A_260 = arith.shrsi %get3A_253, %shift_right_arithmetic3A_259 : vector<16xi32>
      %add3A_261 = arith.constant 125 : i32
      %add3A_262 = vector.broadcast %add3A_261 : i32 to vector<16xi32>
      %add3A_263 = arith.addi %add3A_262, %shift_right_arithmetic3A_260 : vector<16xi32>
      %shift_left3A = arith.constant 17 : i32
      %shift_left3A_264 = vector.broadcast %shift_left3A : i32 to vector<16xi32>
      %shift_left3A_265 = arith.shli %add3A_263, %shift_left3A_264 : vector<16xi32>
      %shift_right_arithmetic3A_266 = arith.constant 7 : i32
      %shift_right_arithmetic3A_267 = vector.broadcast %shift_right_arithmetic3A_266 : i32 to vector<16xi32>
      %shift_right_arithmetic3A_268 = arith.shrsi %add3A_258, %shift_right_arithmetic3A_267 : vector<16xi32>
      %shift_left3A_269 = arith.constant 10 : i32
      %shift_left3A_270 = vector.broadcast %shift_left3A_269 : i32 to vector<16xi32>
      %shift_left3A_271 = arith.shli %shift_right_arithmetic3A_268, %shift_left3A_270 : vector<16xi32>
      %add3A_272 = arith.addi %shift_left3A_265, %shift_left3A_271 : vector<16xi32>
      %and3A = arith.constant 7 : i32
      %and3A_273 = vector.broadcast %and3A : i32 to vector<16xi32>
      %and3A_274 = arith.andi %get3A_253, %and3A_273 : vector<16xi32>
      %shift_left3A_275 = arith.constant 7 : i32
      %shift_left3A_276 = vector.broadcast %shift_left3A_275 : i32 to vector<16xi32>
      %shift_left3A_277 = arith.shli %and3A_274, %shift_left3A_276 : vector<16xi32>
      %add3A_278 = arith.addi %add3A_272, %shift_left3A_277 : vector<16xi32>
      %and3A_279 = arith.constant 127 : i32
      %and3A_280 = vector.broadcast %and3A_279 : i32 to vector<16xi32>
      %and3A_281 = arith.andi %add3A_258, %and3A_280 : vector<16xi32>
      %add3A_282 = arith.addi %add3A_278, %and3A_281 : vector<16xi32>
      %swap3A = arith.index_cast %add3A_252 : i32 to index
      %swap3A_283 = tpu.vector_load %arg6[%swap3A] {strides = array<i32>} : memref<6656xi32, #tpu.memory_space<vmem>>, vector<16xi32>,
      tpu.vector_store %arg6[%swap3A], %add3A_282 {strides = array<i32>} : memref<6656xi32, #tpu.memory_space<vmem>>, vector<16xi32>,
      %swap3A_284 = arith.index_cast %add3A_252 : i32 to index
      %swap3A_285 = tpu.vector_load %arg7[%swap3A_284] {strides = array<i32>} : memref<6656xf32, #tpu.memory_space<vmem>>, vector<16xf32>,
      tpu.vector_store %arg7[%swap3A_284], %broadcast_in_dim3A_3 {strides = array<i32>} : memref<6656xf32, #tpu.memory_space<vmem>>, vector<16xf32>,
      %scan3A_286 = arith.constant 0 : i32
      scf.yield %scan3A_286 : i32
    }
    %scan3A_68 = arith.constant 32 : i32
    %scan3A_69 = arith.constant 0 : i32
    %scan3A_70 = arith.constant 0 : i32
    %scan3A_71 = arith.constant 32 : i32
    %scan3A_72 = arith.addi %scan3A_70, %scan3A_71 : i32
    %scan3A_73 = arith.constant 1 : i32
    %scan3A_74 = scf.for %scan3A_243 = %scan3A_70 to %scan3A_72 step %scan3A_73 iter_args(%scan3A_244 = %scan3A_69) -> (i32)  : i32 {
      %mul3A_245 = arith.constant 16 : i32
      %mul3A_246 = arith.muli %scan3A_243, %mul3A_245 : i32
      %add3A_247 = arith.constant 1024 : i32
      %add3A_248 = arith.addi %add3A_247, %mul3A_246 : i32
      %mul3A_249 = arith.constant 16 : i32
      %mul3A_250 = arith.muli %scan3A_243, %mul3A_249 : i32
      %add3A_251 = arith.constant 1024 : i32
      %add3A_252 = arith.addi %add3A_251, %mul3A_250 : i32
      %get3A = arith.index_cast %add3A_248 : i32 to index
      %get3A_253 = tpu.vector_load %arg5[%get3A] {strides = array<i32>} : memref<13312xi32, #tpu.memory_space<vmem>>, vector<16xi32>,
      %mul3A_254 = arith.constant 16 : i32
      %mul3A_255 = arith.muli %scan3A_243, %mul3A_254 : i32
      %add3A_256 = arith.addi %mul3A_2, %mul3A_255 : i32
      %add3A_257 = vector.broadcast %add3A_256 : i32 to vector<16xi32>
      %add3A_258 = arith.addi %add3A_257, %iota3A : vector<16xi32>
      %shift_right_arithmetic3A = arith.constant 3 : i32
      %shift_right_arithmetic3A_259 = vector.broadcast %shift_right_arithmetic3A : i32 to vector<16xi32>
      %shift_right_arithmetic3A_260 = arith.shrsi %get3A_253, %shift_right_arithmetic3A_259 : vector<16xi32>
      %add3A_261 = arith.constant 250 : i32
      %add3A_262 = vector.broadcast %add3A_261 : i32 to vector<16xi32>
      %add3A_263 = arith.addi %add3A_262, %shift_right_arithmetic3A_260 : vector<16xi32>
      %shift_left3A = arith.constant 17 : i32
      %shift_left3A_264 = vector.broadcast %shift_left3A : i32 to vector<16xi32>
      %shift_left3A_265 = arith.shli %add3A_263, %shift_left3A_264 : vector<16xi32>
      %shift_right_arithmetic3A_266 = arith.constant 7 : i32
      %shift_right_arithmetic3A_267 = vector.broadcast %shift_right_arithmetic3A_266 : i32 to vector<16xi32>
      %shift_right_arithmetic3A_268 = arith.shrsi %add3A_258, %shift_right_arithmetic3A_267 : vector<16xi32>
      %shift_left3A_269 = arith.constant 10 : i32
      %shift_left3A_270 = vector.broadcast %shift_left3A_269 : i32 to vector<16xi32>
      %shift_left3A_271 = arith.shli %shift_right_arithmetic3A_268, %shift_left3A_270 : vector<16xi32>
      %add3A_272 = arith.addi %shift_left3A_265, %shift_left3A_271 : vector<16xi32>
      %and3A = arith.constant 7 : i32
      %and3A_273 = vector.broadcast %and3A : i32 to vector<16xi32>
      %and3A_274 = arith.andi %get3A_253, %and3A_273 : vector<16xi32>
      %shift_left3A_275 = arith.constant 7 : i32
      %shift_left3A_276 = vector.broadcast %shift_left3A_275 : i32 to vector<16xi32>
      %shift_left3A_277 = arith.shli %and3A_274, %shift_left3A_276 : vector<16xi32>
      %add3A_278 = arith.addi %add3A_272, %shift_left3A_277 : vector<16xi32>
      %and3A_279 = arith.constant 127 : i32
      %and3A_280 = vector.broadcast %and3A_279 : i32 to vector<16xi32>
      %and3A_281 = arith.andi %add3A_258, %and3A_280 : vector<16xi32>
      %add3A_282 = arith.addi %add3A_278, %and3A_281 : vector<16xi32>
      %swap3A = arith.index_cast %add3A_252 : i32 to index
      %swap3A_283 = tpu.vector_load %arg6[%swap3A] {strides = array<i32>} : memref<6656xi32, #tpu.memory_space<vmem>>, vector<16xi32>,
      tpu.vector_store %arg6[%swap3A], %add3A_282 {strides = array<i32>} : memref<6656xi32, #tpu.memory_space<vmem>>, vector<16xi32>,
      %swap3A_284 = arith.index_cast %add3A_252 : i32 to index
      %swap3A_285 = tpu.vector_load %arg7[%swap3A_284] {strides = array<i32>} : memref<6656xf32, #tpu.memory_space<vmem>>, vector<16xf32>,
      tpu.vector_store %arg7[%swap3A_284], %broadcast_in_dim3A_3 {strides = array<i32>} : memref<6656xf32, #tpu.memory_space<vmem>>, vector<16xf32>,
      %scan3A_286 = arith.constant 0 : i32
      scf.yield %scan3A_286 : i32
    }
    %scan3A_75 = arith.constant 32 : i32
    %scan3A_76 = arith.constant 0 : i32
    %scan3A_77 = arith.constant 0 : i32
    %scan3A_78 = arith.constant 32 : i32
    %scan3A_79 = arith.addi %scan3A_77, %scan3A_78 : i32
    %scan3A_80 = arith.constant 1 : i32
    %scan3A_81 = scf.for %scan3A_243 = %scan3A_77 to %scan3A_79 step %scan3A_80 iter_args(%scan3A_244 = %scan3A_76) -> (i32)  : i32 {
      %mul3A_245 = arith.constant 16 : i32
      %mul3A_246 = arith.muli %scan3A_243, %mul3A_245 : i32
      %add3A_247 = arith.constant 1536 : i32
      %add3A_248 = arith.addi %add3A_247, %mul3A_246 : i32
      %mul3A_249 = arith.constant 16 : i32
      %mul3A_250 = arith.muli %scan3A_243, %mul3A_249 : i32
      %add3A_251 = arith.constant 1536 : i32
      %add3A_252 = arith.addi %add3A_251, %mul3A_250 : i32
      %get3A = arith.index_cast %add3A_248 : i32 to index
      %get3A_253 = tpu.vector_load %arg5[%get3A] {strides = array<i32>} : memref<13312xi32, #tpu.memory_space<vmem>>, vector<16xi32>,
      %mul3A_254 = arith.constant 16 : i32
      %mul3A_255 = arith.muli %scan3A_243, %mul3A_254 : i32
      %add3A_256 = arith.addi %mul3A_2, %mul3A_255 : i32
      %add3A_257 = vector.broadcast %add3A_256 : i32 to vector<16xi32>
      %add3A_258 = arith.addi %add3A_257, %iota3A : vector<16xi32>
      %shift_right_arithmetic3A = arith.constant 3 : i32
      %shift_right_arithmetic3A_259 = vector.broadcast %shift_right_arithmetic3A : i32 to vector<16xi32>
      %shift_right_arithmetic3A_260 = arith.shrsi %get3A_253, %shift_right_arithmetic3A_259 : vector<16xi32>
      %add3A_261 = arith.constant 375 : i32
      %add3A_262 = vector.broadcast %add3A_261 : i32 to vector<16xi32>
      %add3A_263 = arith.addi %add3A_262, %shift_right_arithmetic3A_260 : vector<16xi32>
      %shift_left3A = arith.constant 17 : i32
      %shift_left3A_264 = vector.broadcast %shift_left3A : i32 to vector<16xi32>
      %shift_left3A_265 = arith.shli %add3A_263, %shift_left3A_264 : vector<16xi32>
      %shift_right_arithmetic3A_266 = arith.constant 7 : i32
      %shift_right_arithmetic3A_267 = vector.broadcast %shift_right_arithmetic3A_266 : i32 to vector<16xi32>
      %shift_right_arithmetic3A_268 = arith.shrsi %add3A_258, %shift_right_arithmetic3A_267 : vector<16xi32>
      %shift_left3A_269 = arith.constant 10 : i32
      %shift_left3A_270 = vector.broadcast %shift_left3A_269 : i32 to vector<16xi32>
      %shift_left3A_271 = arith.shli %shift_right_arithmetic3A_268, %shift_left3A_270 : vector<16xi32>
      %add3A_272 = arith.addi %shift_left3A_265, %shift_left3A_271 : vector<16xi32>
      %and3A = arith.constant 7 : i32
      %and3A_273 = vector.broadcast %and3A : i32 to vector<16xi32>
      %and3A_274 = arith.andi %get3A_253, %and3A_273 : vector<16xi32>
      %shift_left3A_275 = arith.constant 7 : i32
      %shift_left3A_276 = vector.broadcast %shift_left3A_275 : i32 to vector<16xi32>
      %shift_left3A_277 = arith.shli %and3A_274, %shift_left3A_276 : vector<16xi32>
      %add3A_278 = arith.addi %add3A_272, %shift_left3A_277 : vector<16xi32>
      %and3A_279 = arith.constant 127 : i32
      %and3A_280 = vector.broadcast %and3A_279 : i32 to vector<16xi32>
      %and3A_281 = arith.andi %add3A_258, %and3A_280 : vector<16xi32>
      %add3A_282 = arith.addi %add3A_278, %and3A_281 : vector<16xi32>
      %swap3A = arith.index_cast %add3A_252 : i32 to index
      %swap3A_283 = tpu.vector_load %arg6[%swap3A] {strides = array<i32>} : memref<6656xi32, #tpu.memory_space<vmem>>, vector<16xi32>,
      tpu.vector_store %arg6[%swap3A], %add3A_282 {strides = array<i32>} : memref<6656xi32, #tpu.memory_space<vmem>>, vector<16xi32>,
      %swap3A_284 = arith.index_cast %add3A_252 : i32 to index
      %swap3A_285 = tpu.vector_load %arg7[%swap3A_284] {strides = array<i32>} : memref<6656xf32, #tpu.memory_space<vmem>>, vector<16xf32>,
      tpu.vector_store %arg7[%swap3A_284], %broadcast_in_dim3A_3 {strides = array<i32>} : memref<6656xf32, #tpu.memory_space<vmem>>, vector<16xf32>,
      %scan3A_286 = arith.constant 0 : i32
      scf.yield %scan3A_286 : i32
    }
    %scan3A_82 = arith.constant 32 : i32
    %scan3A_83 = arith.constant 0 : i32
    %scan3A_84 = arith.constant 0 : i32
    %scan3A_85 = arith.constant 32 : i32
    %scan3A_86 = arith.addi %scan3A_84, %scan3A_85 : i32
    %scan3A_87 = arith.constant 1 : i32
    %scan3A_88 = scf.for %scan3A_243 = %scan3A_84 to %scan3A_86 step %scan3A_87 iter_args(%scan3A_244 = %scan3A_83) -> (i32)  : i32 {
      %mul3A_245 = arith.constant 16 : i32
      %mul3A_246 = arith.muli %scan3A_243, %mul3A_245 : i32
      %add3A_247 = arith.constant 2048 : i32
      %add3A_248 = arith.addi %add3A_247, %mul3A_246 : i32
      %mul3A_249 = arith.constant 16 : i32
      %mul3A_250 = arith.muli %scan3A_243, %mul3A_249 : i32
      %add3A_251 = arith.constant 2048 : i32
      %add3A_252 = arith.addi %add3A_251, %mul3A_250 : i32
      %get3A = arith.index_cast %add3A_248 : i32 to index
      %get3A_253 = tpu.vector_load %arg5[%get3A] {strides = array<i32>} : memref<13312xi32, #tpu.memory_space<vmem>>, vector<16xi32>,
      %mul3A_254 = arith.constant 16 : i32
      %mul3A_255 = arith.muli %scan3A_243, %mul3A_254 : i32
      %add3A_256 = arith.addi %mul3A_2, %mul3A_255 : i32
      %add3A_257 = vector.broadcast %add3A_256 : i32 to vector<16xi32>
      %add3A_258 = arith.addi %add3A_257, %iota3A : vector<16xi32>
      %shift_right_arithmetic3A = arith.constant 3 : i32
      %shift_right_arithmetic3A_259 = vector.broadcast %shift_right_arithmetic3A : i32 to vector<16xi32>
      %shift_right_arithmetic3A_260 = arith.shrsi %get3A_253, %shift_right_arithmetic3A_259 : vector<16xi32>
      %add3A_261 = arith.constant 500 : i32
      %add3A_262 = vector.broadcast %add3A_261 : i32 to vector<16xi32>
      %add3A_263 = arith.addi %add3A_262, %shift_right_arithmetic3A_260 : vector<16xi32>
      %shift_left3A = arith.constant 17 : i32
      %shift_left3A_264 = vector.broadcast %shift_left3A : i32 to vector<16xi32>
      %shift_left3A_265 = arith.shli %add3A_263, %shift_left3A_264 : vector<16xi32>
      %shift_right_arithmetic3A_266 = arith.constant 7 : i32
      %shift_right_arithmetic3A_267 = vector.broadcast %shift_right_arithmetic3A_266 : i32 to vector<16xi32>
      %shift_right_arithmetic3A_268 = arith.shrsi %add3A_258, %shift_right_arithmetic3A_267 : vector<16xi32>
      %shift_left3A_269 = arith.constant 10 : i32
      %shift_left3A_270 = vector.broadcast %shift_left3A_269 : i32 to vector<16xi32>
      %shift_left3A_271 = arith.shli %shift_right_arithmetic3A_268, %shift_left3A_270 : vector<16xi32>
      %add3A_272 = arith.addi %shift_left3A_265, %shift_left3A_271 : vector<16xi32>
      %and3A = arith.constant 7 : i32
      %and3A_273 = vector.broadcast %and3A : i32 to vector<16xi32>
      %and3A_274 = arith.andi %get3A_253, %and3A_273 : vector<16xi32>
      %shift_left3A_275 = arith.constant 7 : i32
      %shift_left3A_276 = vector.broadcast %shift_left3A_275 : i32 to vector<16xi32>
      %shift_left3A_277 = arith.shli %and3A_274, %shift_left3A_276 : vector<16xi32>
      %add3A_278 = arith.addi %add3A_272, %shift_left3A_277 : vector<16xi32>
      %and3A_279 = arith.constant 127 : i32
      %and3A_280 = vector.broadcast %and3A_279 : i32 to vector<16xi32>
      %and3A_281 = arith.andi %add3A_258, %and3A_280 : vector<16xi32>
      %add3A_282 = arith.addi %add3A_278, %and3A_281 : vector<16xi32>
      %swap3A = arith.index_cast %add3A_252 : i32 to index
      %swap3A_283 = tpu.vector_load %arg6[%swap3A] {strides = array<i32>} : memref<6656xi32, #tpu.memory_space<vmem>>, vector<16xi32>,
      tpu.vector_store %arg6[%swap3A], %add3A_282 {strides = array<i32>} : memref<6656xi32, #tpu.memory_space<vmem>>, vector<16xi32>,
      %swap3A_284 = arith.index_cast %add3A_252 : i32 to index
      %swap3A_285 = tpu.vector_load %arg7[%swap3A_284] {strides = array<i32>} : memref<6656xf32, #tpu.memory_space<vmem>>, vector<16xf32>,
      tpu.vector_store %arg7[%swap3A_284], %broadcast_in_dim3A_3 {strides = array<i32>} : memref<6656xf32, #tpu.memory_space<vmem>>, vector<16xf32>,
      %scan3A_286 = arith.constant 0 : i32
      scf.yield %scan3A_286 : i32
    }
    %scan3A_89 = arith.constant 32 : i32
    %scan3A_90 = arith.constant 0 : i32
    %scan3A_91 = arith.constant 0 : i32
    %scan3A_92 = arith.constant 32 : i32
    %scan3A_93 = arith.addi %scan3A_91, %scan3A_92 : i32
    %scan3A_94 = arith.constant 1 : i32
    %scan3A_95 = scf.for %scan3A_243 = %scan3A_91 to %scan3A_93 step %scan3A_94 iter_args(%scan3A_244 = %scan3A_90) -> (i32)  : i32 {
      %mul3A_245 = arith.constant 16 : i32
      %mul3A_246 = arith.muli %scan3A_243, %mul3A_245 : i32
      %add3A_247 = arith.constant 2560 : i32
      %add3A_248 = arith.addi %add3A_247, %mul3A_246 : i32
      %mul3A_249 = arith.constant 16 : i32
      %mul3A_250 = arith.muli %scan3A_243, %mul3A_249 : i32
      %add3A_251 = arith.constant 2560 : i32
      %add3A_252 = arith.addi %add3A_251, %mul3A_250 : i32
      %get3A = arith.index_cast %add3A_248 : i32 to index
      %get3A_253 = tpu.vector_load %arg5[%get3A] {strides = array<i32>} : memref<13312xi32, #tpu.memory_space<vmem>>, vector<16xi32>,
      %mul3A_254 = arith.constant 16 : i32
      %mul3A_255 = arith.muli %scan3A_243, %mul3A_254 : i32
      %add3A_256 = arith.addi %mul3A_2, %mul3A_255 : i32
      %add3A_257 = vector.broadcast %add3A_256 : i32 to vector<16xi32>
      %add3A_258 = arith.addi %add3A_257, %iota3A : vector<16xi32>
      %shift_right_arithmetic3A = arith.constant 3 : i32
      %shift_right_arithmetic3A_259 = vector.broadcast %shift_right_arithmetic3A : i32 to vector<16xi32>
      %shift_right_arithmetic3A_260 = arith.shrsi %get3A_253, %shift_right_arithmetic3A_259 : vector<16xi32>
      %add3A_261 = arith.constant 625 : i32
      %add3A_262 = vector.broadcast %add3A_261 : i32 to vector<16xi32>
      %add3A_263 = arith.addi %add3A_262, %shift_right_arithmetic3A_260 : vector<16xi32>
      %shift_left3A = arith.constant 17 : i32
      %shift_left3A_264 = vector.broadcast %shift_left3A : i32 to vector<16xi32>
      %shift_left3A_265 = arith.shli %add3A_263, %shift_left3A_264 : vector<16xi32>
      %shift_right_arithmetic3A_266 = arith.constant 7 : i32
      %shift_right_arithmetic3A_267 = vector.broadcast %shift_right_arithmetic3A_266 : i32 to vector<16xi32>
      %shift_right_arithmetic3A_268 = arith.shrsi %add3A_258, %shift_right_arithmetic3A_267 : vector<16xi32>
      %shift_left3A_269 = arith.constant 10 : i32
      %shift_left3A_270 = vector.broadcast %shift_left3A_269 : i32 to vector<16xi32>
      %shift_left3A_271 = arith.shli %shift_right_arithmetic3A_268, %shift_left3A_270 : vector<16xi32>
      %add3A_272 = arith.addi %shift_left3A_265, %shift_left3A_271 : vector<16xi32>
      %and3A = arith.constant 7 : i32
      %and3A_273 = vector.broadcast %and3A : i32 to vector<16xi32>
      %and3A_274 = arith.andi %get3A_253, %and3A_273 : vector<16xi32>
      %shift_left3A_275 = arith.constant 7 : i32
      %shift_left3A_276 = vector.broadcast %shift_left3A_275 : i32 to vector<16xi32>
      %shift_left3A_277 = arith.shli %and3A_274, %shift_left3A_276 : vector<16xi32>
      %add3A_278 = arith.addi %add3A_272, %shift_left3A_277 : vector<16xi32>
      %and3A_279 = arith.constant 127 : i32
      %and3A_280 = vector.broadcast %and3A_279 : i32 to vector<16xi32>
      %and3A_281 = arith.andi %add3A_258, %and3A_280 : vector<16xi32>
      %add3A_282 = arith.addi %add3A_278, %and3A_281 : vector<16xi32>
      %swap3A = arith.index_cast %add3A_252 : i32 to index
      %swap3A_283 = tpu.vector_load %arg6[%swap3A] {strides = array<i32>} : memref<6656xi32, #tpu.memory_space<vmem>>, vector<16xi32>,
      tpu.vector_store %arg6[%swap3A], %add3A_282 {strides = array<i32>} : memref<6656xi32, #tpu.memory_space<vmem>>, vector<16xi32>,
      %swap3A_284 = arith.index_cast %add3A_252 : i32 to index
      %swap3A_285 = tpu.vector_load %arg7[%swap3A_284] {strides = array<i32>} : memref<6656xf32, #tpu.memory_space<vmem>>, vector<16xf32>,
      tpu.vector_store %arg7[%swap3A_284], %broadcast_in_dim3A_3 {strides = array<i32>} : memref<6656xf32, #tpu.memory_space<vmem>>, vector<16xf32>,
      %scan3A_286 = arith.constant 0 : i32
      scf.yield %scan3A_286 : i32
    }
    %scan3A_96 = arith.constant 32 : i32
    %scan3A_97 = arith.constant 0 : i32
    %scan3A_98 = arith.constant 0 : i32
    %scan3A_99 = arith.constant 32 : i32
    %scan3A_100 = arith.addi %scan3A_98, %scan3A_99 : i32
    %scan3A_101 = arith.constant 1 : i32
    %scan3A_102 = scf.for %scan3A_243 = %scan3A_98 to %scan3A_100 step %scan3A_101 iter_args(%scan3A_244 = %scan3A_97) -> (i32)  : i32 {
      %mul3A_245 = arith.constant 16 : i32
      %mul3A_246 = arith.muli %scan3A_243, %mul3A_245 : i32
      %add3A_247 = arith.constant 3072 : i32
      %add3A_248 = arith.addi %add3A_247, %mul3A_246 : i32
      %mul3A_249 = arith.constant 16 : i32
      %mul3A_250 = arith.muli %scan3A_243, %mul3A_249 : i32
      %add3A_251 = arith.constant 3072 : i32
      %add3A_252 = arith.addi %add3A_251, %mul3A_250 : i32
      %get3A = arith.index_cast %add3A_248 : i32 to index
      %get3A_253 = tpu.vector_load %arg5[%get3A] {strides = array<i32>} : memref<13312xi32, #tpu.memory_space<vmem>>, vector<16xi32>,
      %mul3A_254 = arith.constant 16 : i32
      %mul3A_255 = arith.muli %scan3A_243, %mul3A_254 : i32
      %add3A_256 = arith.addi %mul3A_2, %mul3A_255 : i32
      %add3A_257 = vector.broadcast %add3A_256 : i32 to vector<16xi32>
      %add3A_258 = arith.addi %add3A_257, %iota3A : vector<16xi32>
      %shift_right_arithmetic3A = arith.constant 3 : i32
      %shift_right_arithmetic3A_259 = vector.broadcast %shift_right_arithmetic3A : i32 to vector<16xi32>
      %shift_right_arithmetic3A_260 = arith.shrsi %get3A_253, %shift_right_arithmetic3A_259 : vector<16xi32>
      %add3A_261 = arith.constant 750 : i32
      %add3A_262 = vector.broadcast %add3A_261 : i32 to vector<16xi32>
      %add3A_263 = arith.addi %add3A_262, %shift_right_arithmetic3A_260 : vector<16xi32>
      %shift_left3A = arith.constant 17 : i32
      %shift_left3A_264 = vector.broadcast %shift_left3A : i32 to vector<16xi32>
      %shift_left3A_265 = arith.shli %add3A_263, %shift_left3A_264 : vector<16xi32>
      %shift_right_arithmetic3A_266 = arith.constant 7 : i32
      %shift_right_arithmetic3A_267 = vector.broadcast %shift_right_arithmetic3A_266 : i32 to vector<16xi32>
      %shift_right_arithmetic3A_268 = arith.shrsi %add3A_258, %shift_right_arithmetic3A_267 : vector<16xi32>
      %shift_left3A_269 = arith.constant 10 : i32
      %shift_left3A_270 = vector.broadcast %shift_left3A_269 : i32 to vector<16xi32>
      %shift_left3A_271 = arith.shli %shift_right_arithmetic3A_268, %shift_left3A_270 : vector<16xi32>
      %add3A_272 = arith.addi %shift_left3A_265, %shift_left3A_271 : vector<16xi32>
      %and3A = arith.constant 7 : i32
      %and3A_273 = vector.broadcast %and3A : i32 to vector<16xi32>
      %and3A_274 = arith.andi %get3A_253, %and3A_273 : vector<16xi32>
      %shift_left3A_275 = arith.constant 7 : i32
      %shift_left3A_276 = vector.broadcast %shift_left3A_275 : i32 to vector<16xi32>
      %shift_left3A_277 = arith.shli %and3A_274, %shift_left3A_276 : vector<16xi32>
      %add3A_278 = arith.addi %add3A_272, %shift_left3A_277 : vector<16xi32>
      %and3A_279 = arith.constant 127 : i32
      %and3A_280 = vector.broadcast %and3A_279 : i32 to vector<16xi32>
      %and3A_281 = arith.andi %add3A_258, %and3A_280 : vector<16xi32>
      %add3A_282 = arith.addi %add3A_278, %and3A_281 : vector<16xi32>
      %swap3A = arith.index_cast %add3A_252 : i32 to index
      %swap3A_283 = tpu.vector_load %arg6[%swap3A] {strides = array<i32>} : memref<6656xi32, #tpu.memory_space<vmem>>, vector<16xi32>,
      tpu.vector_store %arg6[%swap3A], %add3A_282 {strides = array<i32>} : memref<6656xi32, #tpu.memory_space<vmem>>, vector<16xi32>,
      %swap3A_284 = arith.index_cast %add3A_252 : i32 to index
      %swap3A_285 = tpu.vector_load %arg7[%swap3A_284] {strides = array<i32>} : memref<6656xf32, #tpu.memory_space<vmem>>, vector<16xf32>,
      tpu.vector_store %arg7[%swap3A_284], %broadcast_in_dim3A_3 {strides = array<i32>} : memref<6656xf32, #tpu.memory_space<vmem>>, vector<16xf32>,
      %scan3A_286 = arith.constant 0 : i32
      scf.yield %scan3A_286 : i32
    }
    %scan3A_103 = arith.constant 32 : i32
    %scan3A_104 = arith.constant 0 : i32
    %scan3A_105 = arith.constant 0 : i32
    %scan3A_106 = arith.constant 32 : i32
    %scan3A_107 = arith.addi %scan3A_105, %scan3A_106 : i32
    %scan3A_108 = arith.constant 1 : i32
    %scan3A_109 = scf.for %scan3A_243 = %scan3A_105 to %scan3A_107 step %scan3A_108 iter_args(%scan3A_244 = %scan3A_104) -> (i32)  : i32 {
      %mul3A_245 = arith.constant 16 : i32
      %mul3A_246 = arith.muli %scan3A_243, %mul3A_245 : i32
      %add3A_247 = arith.constant 3584 : i32
      %add3A_248 = arith.addi %add3A_247, %mul3A_246 : i32
      %mul3A_249 = arith.constant 16 : i32
      %mul3A_250 = arith.muli %scan3A_243, %mul3A_249 : i32
      %add3A_251 = arith.constant 3584 : i32
      %add3A_252 = arith.addi %add3A_251, %mul3A_250 : i32
      %get3A = arith.index_cast %add3A_248 : i32 to index
      %get3A_253 = tpu.vector_load %arg5[%get3A] {strides = array<i32>} : memref<13312xi32, #tpu.memory_space<vmem>>, vector<16xi32>,
      %mul3A_254 = arith.constant 16 : i32
      %mul3A_255 = arith.muli %scan3A_243, %mul3A_254 : i32
      %add3A_256 = arith.addi %mul3A_2, %mul3A_255 : i32
      %add3A_257 = vector.broadcast %add3A_256 : i32 to vector<16xi32>
      %add3A_258 = arith.addi %add3A_257, %iota3A : vector<16xi32>
      %shift_right_arithmetic3A = arith.constant 3 : i32
      %shift_right_arithmetic3A_259 = vector.broadcast %shift_right_arithmetic3A : i32 to vector<16xi32>
      %shift_right_arithmetic3A_260 = arith.shrsi %get3A_253, %shift_right_arithmetic3A_259 : vector<16xi32>
      %add3A_261 = arith.constant 875 : i32
      %add3A_262 = vector.broadcast %add3A_261 : i32 to vector<16xi32>
      %add3A_263 = arith.addi %add3A_262, %shift_right_arithmetic3A_260 : vector<16xi32>
      %shift_left3A = arith.constant 17 : i32
      %shift_left3A_264 = vector.broadcast %shift_left3A : i32 to vector<16xi32>
      %shift_left3A_265 = arith.shli %add3A_263, %shift_left3A_264 : vector<16xi32>
      %shift_right_arithmetic3A_266 = arith.constant 7 : i32
      %shift_right_arithmetic3A_267 = vector.broadcast %shift_right_arithmetic3A_266 : i32 to vector<16xi32>
      %shift_right_arithmetic3A_268 = arith.shrsi %add3A_258, %shift_right_arithmetic3A_267 : vector<16xi32>
      %shift_left3A_269 = arith.constant 10 : i32
      %shift_left3A_270 = vector.broadcast %shift_left3A_269 : i32 to vector<16xi32>
      %shift_left3A_271 = arith.shli %shift_right_arithmetic3A_268, %shift_left3A_270 : vector<16xi32>
      %add3A_272 = arith.addi %shift_left3A_265, %shift_left3A_271 : vector<16xi32>
      %and3A = arith.constant 7 : i32
      %and3A_273 = vector.broadcast %and3A : i32 to vector<16xi32>
      %and3A_274 = arith.andi %get3A_253, %and3A_273 : vector<16xi32>
      %shift_left3A_275 = arith.constant 7 : i32
      %shift_left3A_276 = vector.broadcast %shift_left3A_275 : i32 to vector<16xi32>
      %shift_left3A_277 = arith.shli %and3A_274, %shift_left3A_276 : vector<16xi32>
      %add3A_278 = arith.addi %add3A_272, %shift_left3A_277 : vector<16xi32>
      %and3A_279 = arith.constant 127 : i32
      %and3A_280 = vector.broadcast %and3A_279 : i32 to vector<16xi32>
      %and3A_281 = arith.andi %add3A_258, %and3A_280 : vector<16xi32>
      %add3A_282 = arith.addi %add3A_278, %and3A_281 : vector<16xi32>
      %swap3A = arith.index_cast %add3A_252 : i32 to index
      %swap3A_283 = tpu.vector_load %arg6[%swap3A] {strides = array<i32>} : memref<6656xi32, #tpu.memory_space<vmem>>, vector<16xi32>,
      tpu.vector_store %arg6[%swap3A], %add3A_282 {strides = array<i32>} : memref<6656xi32, #tpu.memory_space<vmem>>, vector<16xi32>,
      %swap3A_284 = arith.index_cast %add3A_252 : i32 to index
      %swap3A_285 = tpu.vector_load %arg7[%swap3A_284] {strides = array<i32>} : memref<6656xf32, #tpu.memory_space<vmem>>, vector<16xf32>,
      tpu.vector_store %arg7[%swap3A_284], %broadcast_in_dim3A_3 {strides = array<i32>} : memref<6656xf32, #tpu.memory_space<vmem>>, vector<16xf32>,
      %scan3A_286 = arith.constant 0 : i32
      scf.yield %scan3A_286 : i32
    }
    %scan3A_110 = arith.constant 32 : i32
    %scan3A_111 = arith.constant 0 : i32
    %scan3A_112 = arith.constant 0 : i32
    %scan3A_113 = arith.constant 32 : i32
    %scan3A_114 = arith.addi %scan3A_112, %scan3A_113 : i32
    %scan3A_115 = arith.constant 1 : i32
    %scan3A_116 = scf.for %scan3A_243 = %scan3A_112 to %scan3A_114 step %scan3A_115 iter_args(%scan3A_244 = %scan3A_111) -> (i32)  : i32 {
      %mul3A_245 = arith.constant 16 : i32
      %mul3A_246 = arith.muli %scan3A_243, %mul3A_245 : i32
      %add3A_247 = arith.constant 4096 : i32
      %add3A_248 = arith.addi %add3A_247, %mul3A_246 : i32
      %mul3A_249 = arith.constant 16 : i32
      %mul3A_250 = arith.muli %scan3A_243, %mul3A_249 : i32
      %add3A_251 = arith.constant 4096 : i32
      %add3A_252 = arith.addi %add3A_251, %mul3A_250 : i32
      %get3A = arith.index_cast %add3A_248 : i32 to index
      %get3A_253 = tpu.vector_load %arg5[%get3A] {strides = array<i32>} : memref<13312xi32, #tpu.memory_space<vmem>>, vector<16xi32>,
      %mul3A_254 = arith.constant 16 : i32
      %mul3A_255 = arith.muli %scan3A_243, %mul3A_254 : i32
      %add3A_256 = arith.addi %mul3A_2, %mul3A_255 : i32
      %add3A_257 = vector.broadcast %add3A_256 : i32 to vector<16xi32>
      %add3A_258 = arith.addi %add3A_257, %iota3A : vector<16xi32>
      %shift_right_arithmetic3A = arith.constant 3 : i32
      %shift_right_arithmetic3A_259 = vector.broadcast %shift_right_arithmetic3A : i32 to vector<16xi32>
      %shift_right_arithmetic3A_260 = arith.shrsi %get3A_253, %shift_right_arithmetic3A_259 : vector<16xi32>
      %add3A_261 = arith.constant 1000 : i32
      %add3A_262 = vector.broadcast %add3A_261 : i32 to vector<16xi32>
      %add3A_263 = arith.addi %add3A_262, %shift_right_arithmetic3A_260 : vector<16xi32>
      %shift_left3A = arith.constant 17 : i32
      %shift_left3A_264 = vector.broadcast %shift_left3A : i32 to vector<16xi32>
      %shift_left3A_265 = arith.shli %add3A_263, %shift_left3A_264 : vector<16xi32>
      %shift_right_arithmetic3A_266 = arith.constant 7 : i32
      %shift_right_arithmetic3A_267 = vector.broadcast %shift_right_arithmetic3A_266 : i32 to vector<16xi32>
      %shift_right_arithmetic3A_268 = arith.shrsi %add3A_258, %shift_right_arithmetic3A_267 : vector<16xi32>
      %shift_left3A_269 = arith.constant 10 : i32
      %shift_left3A_270 = vector.broadcast %shift_left3A_269 : i32 to vector<16xi32>
      %shift_left3A_271 = arith.shli %shift_right_arithmetic3A_268, %shift_left3A_270 : vector<16xi32>
      %add3A_272 = arith.addi %shift_left3A_265, %shift_left3A_271 : vector<16xi32>
      %and3A = arith.constant 7 : i32
      %and3A_273 = vector.broadcast %and3A : i32 to vector<16xi32>
      %and3A_274 = arith.andi %get3A_253, %and3A_273 : vector<16xi32>
      %shift_left3A_275 = arith.constant 7 : i32
      %shift_left3A_276 = vector.broadcast %shift_left3A_275 : i32 to vector<16xi32>
      %shift_left3A_277 = arith.shli %and3A_274, %shift_left3A_276 : vector<16xi32>
      %add3A_278 = arith.addi %add3A_272, %shift_left3A_277 : vector<16xi32>
      %and3A_279 = arith.constant 127 : i32
      %and3A_280 = vector.broadcast %and3A_279 : i32 to vector<16xi32>
      %and3A_281 = arith.andi %add3A_258, %and3A_280 : vector<16xi32>
      %add3A_282 = arith.addi %add3A_278, %and3A_281 : vector<16xi32>
      %swap3A = arith.index_cast %add3A_252 : i32 to index
      %swap3A_283 = tpu.vector_load %arg6[%swap3A] {strides = array<i32>} : memref<6656xi32, #tpu.memory_space<vmem>>, vector<16xi32>,
      tpu.vector_store %arg6[%swap3A], %add3A_282 {strides = array<i32>} : memref<6656xi32, #tpu.memory_space<vmem>>, vector<16xi32>,
      %swap3A_284 = arith.index_cast %add3A_252 : i32 to index
      %swap3A_285 = tpu.vector_load %arg7[%swap3A_284] {strides = array<i32>} : memref<6656xf32, #tpu.memory_space<vmem>>, vector<16xf32>,
      tpu.vector_store %arg7[%swap3A_284], %broadcast_in_dim3A_3 {strides = array<i32>} : memref<6656xf32, #tpu.memory_space<vmem>>, vector<16xf32>,
      %scan3A_286 = arith.constant 0 : i32
      scf.yield %scan3A_286 : i32
    }
    %scan3A_117 = arith.constant 32 : i32
    %scan3A_118 = arith.constant 0 : i32
    %scan3A_119 = arith.constant 0 : i32
    %scan3A_120 = arith.constant 32 : i32
    %scan3A_121 = arith.addi %scan3A_119, %scan3A_120 : i32
    %scan3A_122 = arith.constant 1 : i32
    %scan3A_123 = scf.for %scan3A_243 = %scan3A_119 to %scan3A_121 step %scan3A_122 iter_args(%scan3A_244 = %scan3A_118) -> (i32)  : i32 {
      %mul3A_245 = arith.constant 16 : i32
      %mul3A_246 = arith.muli %scan3A_243, %mul3A_245 : i32
      %add3A_247 = arith.constant 4608 : i32
      %add3A_248 = arith.addi %add3A_247, %mul3A_246 : i32
      %mul3A_249 = arith.constant 16 : i32
      %mul3A_250 = arith.muli %scan3A_243, %mul3A_249 : i32
      %add3A_251 = arith.constant 4608 : i32
      %add3A_252 = arith.addi %add3A_251, %mul3A_250 : i32
      %get3A = arith.index_cast %add3A_248 : i32 to index
      %get3A_253 = tpu.vector_load %arg5[%get3A] {strides = array<i32>} : memref<13312xi32, #tpu.memory_space<vmem>>, vector<16xi32>,
      %mul3A_254 = arith.constant 16 : i32
      %mul3A_255 = arith.muli %scan3A_243, %mul3A_254 : i32
      %add3A_256 = arith.addi %mul3A_2, %mul3A_255 : i32
      %add3A_257 = vector.broadcast %add3A_256 : i32 to vector<16xi32>
      %add3A_258 = arith.addi %add3A_257, %iota3A : vector<16xi32>
      %shift_right_arithmetic3A = arith.constant 3 : i32
      %shift_right_arithmetic3A_259 = vector.broadcast %shift_right_arithmetic3A : i32 to vector<16xi32>
      %shift_right_arithmetic3A_260 = arith.shrsi %get3A_253, %shift_right_arithmetic3A_259 : vector<16xi32>
      %add3A_261 = arith.constant 1125 : i32
      %add3A_262 = vector.broadcast %add3A_261 : i32 to vector<16xi32>
      %add3A_263 = arith.addi %add3A_262, %shift_right_arithmetic3A_260 : vector<16xi32>
      %shift_left3A = arith.constant 17 : i32
      %shift_left3A_264 = vector.broadcast %shift_left3A : i32 to vector<16xi32>
      %shift_left3A_265 = arith.shli %add3A_263, %shift_left3A_264 : vector<16xi32>
      %shift_right_arithmetic3A_266 = arith.constant 7 : i32
      %shift_right_arithmetic3A_267 = vector.broadcast %shift_right_arithmetic3A_266 : i32 to vector<16xi32>
      %shift_right_arithmetic3A_268 = arith.shrsi %add3A_258, %shift_right_arithmetic3A_267 : vector<16xi32>
      %shift_left3A_269 = arith.constant 10 : i32
      %shift_left3A_270 = vector.broadcast %shift_left3A_269 : i32 to vector<16xi32>
      %shift_left3A_271 = arith.shli %shift_right_arithmetic3A_268, %shift_left3A_270 : vector<16xi32>
      %add3A_272 = arith.addi %shift_left3A_265, %shift_left3A_271 : vector<16xi32>
      %and3A = arith.constant 7 : i32
      %and3A_273 = vector.broadcast %and3A : i32 to vector<16xi32>
      %and3A_274 = arith.andi %get3A_253, %and3A_273 : vector<16xi32>
      %shift_left3A_275 = arith.constant 7 : i32
      %shift_left3A_276 = vector.broadcast %shift_left3A_275 : i32 to vector<16xi32>
      %shift_left3A_277 = arith.shli %and3A_274, %shift_left3A_276 : vector<16xi32>
      %add3A_278 = arith.addi %add3A_272, %shift_left3A_277 : vector<16xi32>
      %and3A_279 = arith.constant 127 : i32
      %and3A_280 = vector.broadcast %and3A_279 : i32 to vector<16xi32>
      %and3A_281 = arith.andi %add3A_258, %and3A_280 : vector<16xi32>
      %add3A_282 = arith.addi %add3A_278, %and3A_281 : vector<16xi32>
      %swap3A = arith.index_cast %add3A_252 : i32 to index
      %swap3A_283 = tpu.vector_load %arg6[%swap3A] {strides = array<i32>} : memref<6656xi32, #tpu.memory_space<vmem>>, vector<16xi32>,
      tpu.vector_store %arg6[%swap3A], %add3A_282 {strides = array<i32>} : memref<6656xi32, #tpu.memory_space<vmem>>, vector<16xi32>,
      %swap3A_284 = arith.index_cast %add3A_252 : i32 to index
      %swap3A_285 = tpu.vector_load %arg7[%swap3A_284] {strides = array<i32>} : memref<6656xf32, #tpu.memory_space<vmem>>, vector<16xf32>,
      tpu.vector_store %arg7[%swap3A_284], %broadcast_in_dim3A_3 {strides = array<i32>} : memref<6656xf32, #tpu.memory_space<vmem>>, vector<16xf32>,
      %scan3A_286 = arith.constant 0 : i32
      scf.yield %scan3A_286 : i32
    }
    %scan3A_124 = arith.constant 32 : i32
    %scan3A_125 = arith.constant 0 : i32
    %scan3A_126 = arith.constant 0 : i32
    %scan3A_127 = arith.constant 32 : i32
    %scan3A_128 = arith.addi %scan3A_126, %scan3A_127 : i32
    %scan3A_129 = arith.constant 1 : i32
    %scan3A_130 = scf.for %scan3A_243 = %scan3A_126 to %scan3A_128 step %scan3A_129 iter_args(%scan3A_244 = %scan3A_125) -> (i32)  : i32 {
      %mul3A_245 = arith.constant 16 : i32
      %mul3A_246 = arith.muli %scan3A_243, %mul3A_245 : i32
      %add3A_247 = arith.constant 5120 : i32
      %add3A_248 = arith.addi %add3A_247, %mul3A_246 : i32
      %mul3A_249 = arith.constant 16 : i32
      %mul3A_250 = arith.muli %scan3A_243, %mul3A_249 : i32
      %add3A_251 = arith.constant 5120 : i32
      %add3A_252 = arith.addi %add3A_251, %mul3A_250 : i32
      %get3A = arith.index_cast %add3A_248 : i32 to index
      %get3A_253 = tpu.vector_load %arg5[%get3A] {strides = array<i32>} : memref<13312xi32, #tpu.memory_space<vmem>>, vector<16xi32>,
      %mul3A_254 = arith.constant 16 : i32
      %mul3A_255 = arith.muli %scan3A_243, %mul3A_254 : i32
      %add3A_256 = arith.addi %mul3A_2, %mul3A_255 : i32
      %add3A_257 = vector.broadcast %add3A_256 : i32 to vector<16xi32>
      %add3A_258 = arith.addi %add3A_257, %iota3A : vector<16xi32>
      %shift_right_arithmetic3A = arith.constant 3 : i32
      %shift_right_arithmetic3A_259 = vector.broadcast %shift_right_arithmetic3A : i32 to vector<16xi32>
      %shift_right_arithmetic3A_260 = arith.shrsi %get3A_253, %shift_right_arithmetic3A_259 : vector<16xi32>
      %add3A_261 = arith.constant 1250 : i32
      %add3A_262 = vector.broadcast %add3A_261 : i32 to vector<16xi32>
      %add3A_263 = arith.addi %add3A_262, %shift_right_arithmetic3A_260 : vector<16xi32>
      %shift_left3A = arith.constant 17 : i32
      %shift_left3A_264 = vector.broadcast %shift_left3A : i32 to vector<16xi32>
      %shift_left3A_265 = arith.shli %add3A_263, %shift_left3A_264 : vector<16xi32>
      %shift_right_arithmetic3A_266 = arith.constant 7 : i32
      %shift_right_arithmetic3A_267 = vector.broadcast %shift_right_arithmetic3A_266 : i32 to vector<16xi32>
      %shift_right_arithmetic3A_268 = arith.shrsi %add3A_258, %shift_right_arithmetic3A_267 : vector<16xi32>
      %shift_left3A_269 = arith.constant 10 : i32
      %shift_left3A_270 = vector.broadcast %shift_left3A_269 : i32 to vector<16xi32>
      %shift_left3A_271 = arith.shli %shift_right_arithmetic3A_268, %shift_left3A_270 : vector<16xi32>
      %add3A_272 = arith.addi %shift_left3A_265, %shift_left3A_271 : vector<16xi32>
      %and3A = arith.constant 7 : i32
      %and3A_273 = vector.broadcast %and3A : i32 to vector<16xi32>
      %and3A_274 = arith.andi %get3A_253, %and3A_273 : vector<16xi32>
      %shift_left3A_275 = arith.constant 7 : i32
      %shift_left3A_276 = vector.broadcast %shift_left3A_275 : i32 to vector<16xi32>
      %shift_left3A_277 = arith.shli %and3A_274, %shift_left3A_276 : vector<16xi32>
      %add3A_278 = arith.addi %add3A_272, %shift_left3A_277 : vector<16xi32>
      %and3A_279 = arith.constant 127 : i32
      %and3A_280 = vector.broadcast %and3A_279 : i32 to vector<16xi32>
      %and3A_281 = arith.andi %add3A_258, %and3A_280 : vector<16xi32>
      %add3A_282 = arith.addi %add3A_278, %and3A_281 : vector<16xi32>
      %swap3A = arith.index_cast %add3A_252 : i32 to index
      %swap3A_283 = tpu.vector_load %arg6[%swap3A] {strides = array<i32>} : memref<6656xi32, #tpu.memory_space<vmem>>, vector<16xi32>,
      tpu.vector_store %arg6[%swap3A], %add3A_282 {strides = array<i32>} : memref<6656xi32, #tpu.memory_space<vmem>>, vector<16xi32>,
      %swap3A_284 = arith.index_cast %add3A_252 : i32 to index
      %swap3A_285 = tpu.vector_load %arg7[%swap3A_284] {strides = array<i32>} : memref<6656xf32, #tpu.memory_space<vmem>>, vector<16xf32>,
      tpu.vector_store %arg7[%swap3A_284], %broadcast_in_dim3A_3 {strides = array<i32>} : memref<6656xf32, #tpu.memory_space<vmem>>, vector<16xf32>,
      %scan3A_286 = arith.constant 0 : i32
      scf.yield %scan3A_286 : i32
    }
    %scan3A_131 = arith.constant 32 : i32
    %scan3A_132 = arith.constant 0 : i32
    %scan3A_133 = arith.constant 0 : i32
    %scan3A_134 = arith.constant 32 : i32
    %scan3A_135 = arith.addi %scan3A_133, %scan3A_134 : i32
    %scan3A_136 = arith.constant 1 : i32
    %scan3A_137 = scf.for %scan3A_243 = %scan3A_133 to %scan3A_135 step %scan3A_136 iter_args(%scan3A_244 = %scan3A_132) -> (i32)  : i32 {
      %mul3A_245 = arith.constant 16 : i32
      %mul3A_246 = arith.muli %scan3A_243, %mul3A_245 : i32
      %add3A_247 = arith.constant 5632 : i32
      %add3A_248 = arith.addi %add3A_247, %mul3A_246 : i32
      %mul3A_249 = arith.constant 16 : i32
      %mul3A_250 = arith.muli %scan3A_243, %mul3A_249 : i32
      %add3A_251 = arith.constant 5632 : i32
      %add3A_252 = arith.addi %add3A_251, %mul3A_250 : i32
      %get3A = arith.index_cast %add3A_248 : i32 to index
      %get3A_253 = tpu.vector_load %arg5[%get3A] {strides = array<i32>} : memref<13312xi32, #tpu.memory_space<vmem>>, vector<16xi32>,
      %mul3A_254 = arith.constant 16 : i32
      %mul3A_255 = arith.muli %scan3A_243, %mul3A_254 : i32
      %add3A_256 = arith.addi %mul3A_2, %mul3A_255 : i32
      %add3A_257 = vector.broadcast %add3A_256 : i32 to vector<16xi32>
      %add3A_258 = arith.addi %add3A_257, %iota3A : vector<16xi32>
      %shift_right_arithmetic3A = arith.constant 3 : i32
      %shift_right_arithmetic3A_259 = vector.broadcast %shift_right_arithmetic3A : i32 to vector<16xi32>
      %shift_right_arithmetic3A_260 = arith.shrsi %get3A_253, %shift_right_arithmetic3A_259 : vector<16xi32>
      %add3A_261 = arith.constant 1375 : i32
      %add3A_262 = vector.broadcast %add3A_261 : i32 to vector<16xi32>
      %add3A_263 = arith.addi %add3A_262, %shift_right_arithmetic3A_260 : vector<16xi32>
      %shift_left3A = arith.constant 17 : i32
      %shift_left3A_264 = vector.broadcast %shift_left3A : i32 to vector<16xi32>
      %shift_left3A_265 = arith.shli %add3A_263, %shift_left3A_264 : vector<16xi32>
      %shift_right_arithmetic3A_266 = arith.constant 7 : i32
      %shift_right_arithmetic3A_267 = vector.broadcast %shift_right_arithmetic3A_266 : i32 to vector<16xi32>
      %shift_right_arithmetic3A_268 = arith.shrsi %add3A_258, %shift_right_arithmetic3A_267 : vector<16xi32>
      %shift_left3A_269 = arith.constant 10 : i32
      %shift_left3A_270 = vector.broadcast %shift_left3A_269 : i32 to vector<16xi32>
      %shift_left3A_271 = arith.shli %shift_right_arithmetic3A_268, %shift_left3A_270 : vector<16xi32>
      %add3A_272 = arith.addi %shift_left3A_265, %shift_left3A_271 : vector<16xi32>
      %and3A = arith.constant 7 : i32
      %and3A_273 = vector.broadcast %and3A : i32 to vector<16xi32>
      %and3A_274 = arith.andi %get3A_253, %and3A_273 : vector<16xi32>
      %shift_left3A_275 = arith.constant 7 : i32
      %shift_left3A_276 = vector.broadcast %shift_left3A_275 : i32 to vector<16xi32>
      %shift_left3A_277 = arith.shli %and3A_274, %shift_left3A_276 : vector<16xi32>
      %add3A_278 = arith.addi %add3A_272, %shift_left3A_277 : vector<16xi32>
      %and3A_279 = arith.constant 127 : i32
      %and3A_280 = vector.broadcast %and3A_279 : i32 to vector<16xi32>
      %and3A_281 = arith.andi %add3A_258, %and3A_280 : vector<16xi32>
      %add3A_282 = arith.addi %add3A_278, %and3A_281 : vector<16xi32>
      %swap3A = arith.index_cast %add3A_252 : i32 to index
      %swap3A_283 = tpu.vector_load %arg6[%swap3A] {strides = array<i32>} : memref<6656xi32, #tpu.memory_space<vmem>>, vector<16xi32>,
      tpu.vector_store %arg6[%swap3A], %add3A_282 {strides = array<i32>} : memref<6656xi32, #tpu.memory_space<vmem>>, vector<16xi32>,
      %swap3A_284 = arith.index_cast %add3A_252 : i32 to index
      %swap3A_285 = tpu.vector_load %arg7[%swap3A_284] {strides = array<i32>} : memref<6656xf32, #tpu.memory_space<vmem>>, vector<16xf32>,
      tpu.vector_store %arg7[%swap3A_284], %broadcast_in_dim3A_3 {strides = array<i32>} : memref<6656xf32, #tpu.memory_space<vmem>>, vector<16xf32>,
      %scan3A_286 = arith.constant 0 : i32
      scf.yield %scan3A_286 : i32
    }
    %scan3A_138 = arith.constant 32 : i32
    %scan3A_139 = arith.constant 0 : i32
    %scan3A_140 = arith.constant 0 : i32
    %scan3A_141 = arith.constant 32 : i32
    %scan3A_142 = arith.addi %scan3A_140, %scan3A_141 : i32
    %scan3A_143 = arith.constant 1 : i32
    %scan3A_144 = scf.for %scan3A_243 = %scan3A_140 to %scan3A_142 step %scan3A_143 iter_args(%scan3A_244 = %scan3A_139) -> (i32)  : i32 {
      %mul3A_245 = arith.constant 16 : i32
      %mul3A_246 = arith.muli %scan3A_243, %mul3A_245 : i32
      %add3A_247 = arith.constant 6144 : i32
      %add3A_248 = arith.addi %add3A_247, %mul3A_246 : i32
      %mul3A_249 = arith.constant 16 : i32
      %mul3A_250 = arith.muli %scan3A_243, %mul3A_249 : i32
      %add3A_251 = arith.constant 6144 : i32
      %add3A_252 = arith.addi %add3A_251, %mul3A_250 : i32
      %get3A = arith.index_cast %add3A_248 : i32 to index
      %get3A_253 = tpu.vector_load %arg5[%get3A] {strides = array<i32>} : memref<13312xi32, #tpu.memory_space<vmem>>, vector<16xi32>,
      %mul3A_254 = arith.constant 16 : i32
      %mul3A_255 = arith.muli %scan3A_243, %mul3A_254 : i32
      %add3A_256 = arith.addi %mul3A_2, %mul3A_255 : i32
      %add3A_257 = vector.broadcast %add3A_256 : i32 to vector<16xi32>
      %add3A_258 = arith.addi %add3A_257, %iota3A : vector<16xi32>
      %shift_right_arithmetic3A = arith.constant 3 : i32
      %shift_right_arithmetic3A_259 = vector.broadcast %shift_right_arithmetic3A : i32 to vector<16xi32>
      %shift_right_arithmetic3A_260 = arith.shrsi %get3A_253, %shift_right_arithmetic3A_259 : vector<16xi32>
      %add3A_261 = arith.constant 1500 : i32
      %add3A_262 = vector.broadcast %add3A_261 : i32 to vector<16xi32>
      %add3A_263 = arith.addi %add3A_262, %shift_right_arithmetic3A_260 : vector<16xi32>
      %shift_left3A = arith.constant 17 : i32
      %shift_left3A_264 = vector.broadcast %shift_left3A : i32 to vector<16xi32>
      %shift_left3A_265 = arith.shli %add3A_263, %shift_left3A_264 : vector<16xi32>
      %shift_right_arithmetic3A_266 = arith.constant 7 : i32
      %shift_right_arithmetic3A_267 = vector.broadcast %shift_right_arithmetic3A_266 : i32 to vector<16xi32>
      %shift_right_arithmetic3A_268 = arith.shrsi %add3A_258, %shift_right_arithmetic3A_267 : vector<16xi32>
      %shift_left3A_269 = arith.constant 10 : i32
      %shift_left3A_270 = vector.broadcast %shift_left3A_269 : i32 to vector<16xi32>
      %shift_left3A_271 = arith.shli %shift_right_arithmetic3A_268, %shift_left3A_270 : vector<16xi32>
      %add3A_272 = arith.addi %shift_left3A_265, %shift_left3A_271 : vector<16xi32>
      %and3A = arith.constant 7 : i32
      %and3A_273 = vector.broadcast %and3A : i32 to vector<16xi32>
      %and3A_274 = arith.andi %get3A_253, %and3A_273 : vector<16xi32>
      %shift_left3A_275 = arith.constant 7 : i32
      %shift_left3A_276 = vector.broadcast %shift_left3A_275 : i32 to vector<16xi32>
      %shift_left3A_277 = arith.shli %and3A_274, %shift_left3A_276 : vector<16xi32>
      %add3A_278 = arith.addi %add3A_272, %shift_left3A_277 : vector<16xi32>
      %and3A_279 = arith.constant 127 : i32
      %and3A_280 = vector.broadcast %and3A_279 : i32 to vector<16xi32>
      %and3A_281 = arith.andi %add3A_258, %and3A_280 : vector<16xi32>
      %add3A_282 = arith.addi %add3A_278, %and3A_281 : vector<16xi32>
      %swap3A = arith.index_cast %add3A_252 : i32 to index
      %swap3A_283 = tpu.vector_load %arg6[%swap3A] {strides = array<i32>} : memref<6656xi32, #tpu.memory_space<vmem>>, vector<16xi32>,
      tpu.vector_store %arg6[%swap3A], %add3A_282 {strides = array<i32>} : memref<6656xi32, #tpu.memory_space<vmem>>, vector<16xi32>,
      %swap3A_284 = arith.index_cast %add3A_252 : i32 to index
      %swap3A_285 = tpu.vector_load %arg7[%swap3A_284] {strides = array<i32>} : memref<6656xf32, #tpu.memory_space<vmem>>, vector<16xf32>,
      tpu.vector_store %arg7[%swap3A_284], %broadcast_in_dim3A_3 {strides = array<i32>} : memref<6656xf32, #tpu.memory_space<vmem>>, vector<16xf32>,
      %scan3A_286 = arith.constant 0 : i32
      scf.yield %scan3A_286 : i32
    }
    %scan3A_145 = arith.constant 32 : i32
    %scan3A_146 = arith.constant 0 : i32
    %scan3A_147 = arith.constant 0 : i32
    %scan3A_148 = arith.constant 32 : i32
    %scan3A_149 = arith.addi %scan3A_147, %scan3A_148 : i32
    %scan3A_150 = arith.constant 1 : i32
    %scan3A_151 = scf.for %scan3A_243 = %scan3A_147 to %scan3A_149 step %scan3A_150 iter_args(%scan3A_244 = %scan3A_146) -> (i32)  : i32 {
      %mul3A_245 = arith.constant 16 : i32
      %mul3A_246 = arith.muli %scan3A_243, %mul3A_245 : i32
      %add3A_247 = arith.constant 6656 : i32
      %add3A_248 = arith.addi %add3A_247, %mul3A_246 : i32
      %mul3A_249 = arith.constant 16 : i32
      %mul3A_250 = arith.muli %scan3A_243, %mul3A_249 : i32
      %add3A_251 = arith.constant 0 : i32
      %add3A_252 = arith.addi %add3A_251, %mul3A_250 : i32
      %get3A = arith.index_cast %add3A_248 : i32 to index
      %get3A_253 = tpu.vector_load %arg5[%get3A] {strides = array<i32>} : memref<13312xi32, #tpu.memory_space<vmem>>, vector<16xi32>,
      %mul3A_254 = arith.constant 16 : i32
      %mul3A_255 = arith.muli %scan3A_243, %mul3A_254 : i32
      %add3A_256 = arith.addi %mul3A_2, %mul3A_255 : i32
      %add3A_257 = vector.broadcast %add3A_256 : i32 to vector<16xi32>
      %add3A_258 = arith.addi %add3A_257, %iota3A : vector<16xi32>
      %shift_right_arithmetic3A = arith.constant 3 : i32
      %shift_right_arithmetic3A_259 = vector.broadcast %shift_right_arithmetic3A : i32 to vector<16xi32>
      %shift_right_arithmetic3A_260 = arith.shrsi %get3A_253, %shift_right_arithmetic3A_259 : vector<16xi32>
      %add3A_261 = arith.constant 1625 : i32
      %add3A_262 = vector.broadcast %add3A_261 : i32 to vector<16xi32>
      %add3A_263 = arith.addi %add3A_262, %shift_right_arithmetic3A_260 : vector<16xi32>
      %shift_left3A = arith.constant 17 : i32
      %shift_left3A_264 = vector.broadcast %shift_left3A : i32 to vector<16xi32>
      %shift_left3A_265 = arith.shli %add3A_263, %shift_left3A_264 : vector<16xi32>
      %shift_right_arithmetic3A_266 = arith.constant 7 : i32
      %shift_right_arithmetic3A_267 = vector.broadcast %shift_right_arithmetic3A_266 : i32 to vector<16xi32>
      %shift_right_arithmetic3A_268 = arith.shrsi %add3A_258, %shift_right_arithmetic3A_267 : vector<16xi32>
      %shift_left3A_269 = arith.constant 10 : i32
      %shift_left3A_270 = vector.broadcast %shift_left3A_269 : i32 to vector<16xi32>
      %shift_left3A_271 = arith.shli %shift_right_arithmetic3A_268, %shift_left3A_270 : vector<16xi32>
      %add3A_272 = arith.addi %shift_left3A_265, %shift_left3A_271 : vector<16xi32>
      %and3A = arith.constant 7 : i32
      %and3A_273 = vector.broadcast %and3A : i32 to vector<16xi32>
      %and3A_274 = arith.andi %get3A_253, %and3A_273 : vector<16xi32>
      %shift_left3A_275 = arith.constant 7 : i32
      %shift_left3A_276 = vector.broadcast %shift_left3A_275 : i32 to vector<16xi32>
      %shift_left3A_277 = arith.shli %and3A_274, %shift_left3A_276 : vector<16xi32>
      %add3A_278 = arith.addi %add3A_272, %shift_left3A_277 : vector<16xi32>
      %and3A_279 = arith.constant 127 : i32
      %and3A_280 = vector.broadcast %and3A_279 : i32 to vector<16xi32>
      %and3A_281 = arith.andi %add3A_258, %and3A_280 : vector<16xi32>
      %add3A_282 = arith.addi %add3A_278, %and3A_281 : vector<16xi32>
      %swap3A = arith.index_cast %add3A_252 : i32 to index
      %swap3A_283 = tpu.vector_load %arg8[%swap3A] {strides = array<i32>} : memref<6656xi32, #tpu.memory_space<vmem>>, vector<16xi32>,
      tpu.vector_store %arg8[%swap3A], %add3A_282 {strides = array<i32>} : memref<6656xi32, #tpu.memory_space<vmem>>, vector<16xi32>,
      %swap3A_284 = arith.index_cast %add3A_252 : i32 to index
      %swap3A_285 = tpu.vector_load %arg9[%swap3A_284] {strides = array<i32>} : memref<6656xf32, #tpu.memory_space<vmem>>, vector<16xf32>,
      tpu.vector_store %arg9[%swap3A_284], %broadcast_in_dim3A_3 {strides = array<i32>} : memref<6656xf32, #tpu.memory_space<vmem>>, vector<16xf32>,
      %scan3A_286 = arith.constant 0 : i32
      scf.yield %scan3A_286 : i32
    }
    %scan3A_152 = arith.constant 32 : i32
    %scan3A_153 = arith.constant 0 : i32
    %scan3A_154 = arith.constant 0 : i32
    %scan3A_155 = arith.constant 32 : i32
    %scan3A_156 = arith.addi %scan3A_154, %scan3A_155 : i32
    %scan3A_157 = arith.constant 1 : i32
    %scan3A_158 = scf.for %scan3A_243 = %scan3A_154 to %scan3A_156 step %scan3A_157 iter_args(%scan3A_244 = %scan3A_153) -> (i32)  : i32 {
      %mul3A_245 = arith.constant 16 : i32
      %mul3A_246 = arith.muli %scan3A_243, %mul3A_245 : i32
      %add3A_247 = arith.constant 7168 : i32
      %add3A_248 = arith.addi %add3A_247, %mul3A_246 : i32
      %mul3A_249 = arith.constant 16 : i32
      %mul3A_250 = arith.muli %scan3A_243, %mul3A_249 : i32
      %add3A_251 = arith.constant 512 : i32
      %add3A_252 = arith.addi %add3A_251, %mul3A_250 : i32
      %get3A = arith.index_cast %add3A_248 : i32 to index
      %get3A_253 = tpu.vector_load %arg5[%get3A] {strides = array<i32>} : memref<13312xi32, #tpu.memory_space<vmem>>, vector<16xi32>,
      %mul3A_254 = arith.constant 16 : i32
      %mul3A_255 = arith.muli %scan3A_243, %mul3A_254 : i32
      %add3A_256 = arith.addi %mul3A_2, %mul3A_255 : i32
      %add3A_257 = vector.broadcast %add3A_256 : i32 to vector<16xi32>
      %add3A_258 = arith.addi %add3A_257, %iota3A : vector<16xi32>
      %shift_right_arithmetic3A = arith.constant 3 : i32
      %shift_right_arithmetic3A_259 = vector.broadcast %shift_right_arithmetic3A : i32 to vector<16xi32>
      %shift_right_arithmetic3A_260 = arith.shrsi %get3A_253, %shift_right_arithmetic3A_259 : vector<16xi32>
      %add3A_261 = arith.constant 1750 : i32
      %add3A_262 = vector.broadcast %add3A_261 : i32 to vector<16xi32>
      %add3A_263 = arith.addi %add3A_262, %shift_right_arithmetic3A_260 : vector<16xi32>
      %shift_left3A = arith.constant 17 : i32
      %shift_left3A_264 = vector.broadcast %shift_left3A : i32 to vector<16xi32>
      %shift_left3A_265 = arith.shli %add3A_263, %shift_left3A_264 : vector<16xi32>
      %shift_right_arithmetic3A_266 = arith.constant 7 : i32
      %shift_right_arithmetic3A_267 = vector.broadcast %shift_right_arithmetic3A_266 : i32 to vector<16xi32>
      %shift_right_arithmetic3A_268 = arith.shrsi %add3A_258, %shift_right_arithmetic3A_267 : vector<16xi32>
      %shift_left3A_269 = arith.constant 10 : i32
      %shift_left3A_270 = vector.broadcast %shift_left3A_269 : i32 to vector<16xi32>
      %shift_left3A_271 = arith.shli %shift_right_arithmetic3A_268, %shift_left3A_270 : vector<16xi32>
      %add3A_272 = arith.addi %shift_left3A_265, %shift_left3A_271 : vector<16xi32>
      %and3A = arith.constant 7 : i32
      %and3A_273 = vector.broadcast %and3A : i32 to vector<16xi32>
      %and3A_274 = arith.andi %get3A_253, %and3A_273 : vector<16xi32>
      %shift_left3A_275 = arith.constant 7 : i32
      %shift_left3A_276 = vector.broadcast %shift_left3A_275 : i32 to vector<16xi32>
      %shift_left3A_277 = arith.shli %and3A_274, %shift_left3A_276 : vector<16xi32>
      %add3A_278 = arith.addi %add3A_272, %shift_left3A_277 : vector<16xi32>
      %and3A_279 = arith.constant 127 : i32
      %and3A_280 = vector.broadcast %and3A_279 : i32 to vector<16xi32>
      %and3A_281 = arith.andi %add3A_258, %and3A_280 : vector<16xi32>
      %add3A_282 = arith.addi %add3A_278, %and3A_281 : vector<16xi32>
      %swap3A = arith.index_cast %add3A_252 : i32 to index
      %swap3A_283 = tpu.vector_load %arg8[%swap3A] {strides = array<i32>} : memref<6656xi32, #tpu.memory_space<vmem>>, vector<16xi32>,
      tpu.vector_store %arg8[%swap3A], %add3A_282 {strides = array<i32>} : memref<6656xi32, #tpu.memory_space<vmem>>, vector<16xi32>,
      %swap3A_284 = arith.index_cast %add3A_252 : i32 to index
      %swap3A_285 = tpu.vector_load %arg9[%swap3A_284] {strides = array<i32>} : memref<6656xf32, #tpu.memory_space<vmem>>, vector<16xf32>,
      tpu.vector_store %arg9[%swap3A_284], %broadcast_in_dim3A_3 {strides = array<i32>} : memref<6656xf32, #tpu.memory_space<vmem>>, vector<16xf32>,
      %scan3A_286 = arith.constant 0 : i32
      scf.yield %scan3A_286 : i32
    }
    %scan3A_159 = arith.constant 32 : i32
    %scan3A_160 = arith.constant 0 : i32
    %scan3A_161 = arith.constant 0 : i32
    %scan3A_162 = arith.constant 32 : i32
    %scan3A_163 = arith.addi %scan3A_161, %scan3A_162 : i32
    %scan3A_164 = arith.constant 1 : i32
    %scan3A_165 = scf.for %scan3A_243 = %scan3A_161 to %scan3A_163 step %scan3A_164 iter_args(%scan3A_244 = %scan3A_160) -> (i32)  : i32 {
      %mul3A_245 = arith.constant 16 : i32
      %mul3A_246 = arith.muli %scan3A_243, %mul3A_245 : i32
      %add3A_247 = arith.constant 7680 : i32
      %add3A_248 = arith.addi %add3A_247, %mul3A_246 : i32
      %mul3A_249 = arith.constant 16 : i32
      %mul3A_250 = arith.muli %scan3A_243, %mul3A_249 : i32
      %add3A_251 = arith.constant 1024 : i32
      %add3A_252 = arith.addi %add3A_251, %mul3A_250 : i32
      %get3A = arith.index_cast %add3A_248 : i32 to index
      %get3A_253 = tpu.vector_load %arg5[%get3A] {strides = array<i32>} : memref<13312xi32, #tpu.memory_space<vmem>>, vector<16xi32>,
      %mul3A_254 = arith.constant 16 : i32
      %mul3A_255 = arith.muli %scan3A_243, %mul3A_254 : i32
      %add3A_256 = arith.addi %mul3A_2, %mul3A_255 : i32
      %add3A_257 = vector.broadcast %add3A_256 : i32 to vector<16xi32>
      %add3A_258 = arith.addi %add3A_257, %iota3A : vector<16xi32>
      %shift_right_arithmetic3A = arith.constant 3 : i32
      %shift_right_arithmetic3A_259 = vector.broadcast %shift_right_arithmetic3A : i32 to vector<16xi32>
      %shift_right_arithmetic3A_260 = arith.shrsi %get3A_253, %shift_right_arithmetic3A_259 : vector<16xi32>
      %add3A_261 = arith.constant 1875 : i32
      %add3A_262 = vector.broadcast %add3A_261 : i32 to vector<16xi32>
      %add3A_263 = arith.addi %add3A_262, %shift_right_arithmetic3A_260 : vector<16xi32>
      %shift_left3A = arith.constant 17 : i32
      %shift_left3A_264 = vector.broadcast %shift_left3A : i32 to vector<16xi32>
      %shift_left3A_265 = arith.shli %add3A_263, %shift_left3A_264 : vector<16xi32>
      %shift_right_arithmetic3A_266 = arith.constant 7 : i32
      %shift_right_arithmetic3A_267 = vector.broadcast %shift_right_arithmetic3A_266 : i32 to vector<16xi32>
      %shift_right_arithmetic3A_268 = arith.shrsi %add3A_258, %shift_right_arithmetic3A_267 : vector<16xi32>
      %shift_left3A_269 = arith.constant 10 : i32
      %shift_left3A_270 = vector.broadcast %shift_left3A_269 : i32 to vector<16xi32>
      %shift_left3A_271 = arith.shli %shift_right_arithmetic3A_268, %shift_left3A_270 : vector<16xi32>
      %add3A_272 = arith.addi %shift_left3A_265, %shift_left3A_271 : vector<16xi32>
      %and3A = arith.constant 7 : i32
      %and3A_273 = vector.broadcast %and3A : i32 to vector<16xi32>
      %and3A_274 = arith.andi %get3A_253, %and3A_273 : vector<16xi32>
      %shift_left3A_275 = arith.constant 7 : i32
      %shift_left3A_276 = vector.broadcast %shift_left3A_275 : i32 to vector<16xi32>
      %shift_left3A_277 = arith.shli %and3A_274, %shift_left3A_276 : vector<16xi32>
      %add3A_278 = arith.addi %add3A_272, %shift_left3A_277 : vector<16xi32>
      %and3A_279 = arith.constant 127 : i32
      %and3A_280 = vector.broadcast %and3A_279 : i32 to vector<16xi32>
      %and3A_281 = arith.andi %add3A_258, %and3A_280 : vector<16xi32>
      %add3A_282 = arith.addi %add3A_278, %and3A_281 : vector<16xi32>
      %swap3A = arith.index_cast %add3A_252 : i32 to index
      %swap3A_283 = tpu.vector_load %arg8[%swap3A] {strides = array<i32>} : memref<6656xi32, #tpu.memory_space<vmem>>, vector<16xi32>,
      tpu.vector_store %arg8[%swap3A], %add3A_282 {strides = array<i32>} : memref<6656xi32, #tpu.memory_space<vmem>>, vector<16xi32>,
      %swap3A_284 = arith.index_cast %add3A_252 : i32 to index
      %swap3A_285 = tpu.vector_load %arg9[%swap3A_284] {strides = array<i32>} : memref<6656xf32, #tpu.memory_space<vmem>>, vector<16xf32>,
      tpu.vector_store %arg9[%swap3A_284], %broadcast_in_dim3A_3 {strides = array<i32>} : memref<6656xf32, #tpu.memory_space<vmem>>, vector<16xf32>,
      %scan3A_286 = arith.constant 0 : i32
      scf.yield %scan3A_286 : i32
    }
    %scan3A_166 = arith.constant 32 : i32
    %scan3A_167 = arith.constant 0 : i32
    %scan3A_168 = arith.constant 0 : i32
    %scan3A_169 = arith.constant 32 : i32
    %scan3A_170 = arith.addi %scan3A_168, %scan3A_169 : i32
    %scan3A_171 = arith.constant 1 : i32
    %scan3A_172 = scf.for %scan3A_243 = %scan3A_168 to %scan3A_170 step %scan3A_171 iter_args(%scan3A_244 = %scan3A_167) -> (i32)  : i32 {
      %mul3A_245 = arith.constant 16 : i32
      %mul3A_246 = arith.muli %scan3A_243, %mul3A_245 : i32
      %add3A_247 = arith.constant 8192 : i32
      %add3A_248 = arith.addi %add3A_247, %mul3A_246 : i32
      %mul3A_249 = arith.constant 16 : i32
      %mul3A_250 = arith.muli %scan3A_243, %mul3A_249 : i32
      %add3A_251 = arith.constant 1536 : i32
      %add3A_252 = arith.addi %add3A_251, %mul3A_250 : i32
      %get3A = arith.index_cast %add3A_248 : i32 to index
      %get3A_253 = tpu.vector_load %arg5[%get3A] {strides = array<i32>} : memref<13312xi32, #tpu.memory_space<vmem>>, vector<16xi32>,
      %mul3A_254 = arith.constant 16 : i32
      %mul3A_255 = arith.muli %scan3A_243, %mul3A_254 : i32
      %add3A_256 = arith.addi %mul3A_2, %mul3A_255 : i32
      %add3A_257 = vector.broadcast %add3A_256 : i32 to vector<16xi32>
      %add3A_258 = arith.addi %add3A_257, %iota3A : vector<16xi32>
      %shift_right_arithmetic3A = arith.constant 3 : i32
      %shift_right_arithmetic3A_259 = vector.broadcast %shift_right_arithmetic3A : i32 to vector<16xi32>
      %shift_right_arithmetic3A_260 = arith.shrsi %get3A_253, %shift_right_arithmetic3A_259 : vector<16xi32>
      %add3A_261 = arith.constant 2000 : i32
      %add3A_262 = vector.broadcast %add3A_261 : i32 to vector<16xi32>
      %add3A_263 = arith.addi %add3A_262, %shift_right_arithmetic3A_260 : vector<16xi32>
      %shift_left3A = arith.constant 17 : i32
      %shift_left3A_264 = vector.broadcast %shift_left3A : i32 to vector<16xi32>
      %shift_left3A_265 = arith.shli %add3A_263, %shift_left3A_264 : vector<16xi32>
      %shift_right_arithmetic3A_266 = arith.constant 7 : i32
      %shift_right_arithmetic3A_267 = vector.broadcast %shift_right_arithmetic3A_266 : i32 to vector<16xi32>
      %shift_right_arithmetic3A_268 = arith.shrsi %add3A_258, %shift_right_arithmetic3A_267 : vector<16xi32>
      %shift_left3A_269 = arith.constant 10 : i32
      %shift_left3A_270 = vector.broadcast %shift_left3A_269 : i32 to vector<16xi32>
      %shift_left3A_271 = arith.shli %shift_right_arithmetic3A_268, %shift_left3A_270 : vector<16xi32>
      %add3A_272 = arith.addi %shift_left3A_265, %shift_left3A_271 : vector<16xi32>
      %and3A = arith.constant 7 : i32
      %and3A_273 = vector.broadcast %and3A : i32 to vector<16xi32>
      %and3A_274 = arith.andi %get3A_253, %and3A_273 : vector<16xi32>
      %shift_left3A_275 = arith.constant 7 : i32
      %shift_left3A_276 = vector.broadcast %shift_left3A_275 : i32 to vector<16xi32>
      %shift_left3A_277 = arith.shli %and3A_274, %shift_left3A_276 : vector<16xi32>
      %add3A_278 = arith.addi %add3A_272, %shift_left3A_277 : vector<16xi32>
      %and3A_279 = arith.constant 127 : i32
      %and3A_280 = vector.broadcast %and3A_279 : i32 to vector<16xi32>
      %and3A_281 = arith.andi %add3A_258, %and3A_280 : vector<16xi32>
      %add3A_282 = arith.addi %add3A_278, %and3A_281 : vector<16xi32>
      %swap3A = arith.index_cast %add3A_252 : i32 to index
      %swap3A_283 = tpu.vector_load %arg8[%swap3A] {strides = array<i32>} : memref<6656xi32, #tpu.memory_space<vmem>>, vector<16xi32>,
      tpu.vector_store %arg8[%swap3A], %add3A_282 {strides = array<i32>} : memref<6656xi32, #tpu.memory_space<vmem>>, vector<16xi32>,
      %swap3A_284 = arith.index_cast %add3A_252 : i32 to index
      %swap3A_285 = tpu.vector_load %arg9[%swap3A_284] {strides = array<i32>} : memref<6656xf32, #tpu.memory_space<vmem>>, vector<16xf32>,
      tpu.vector_store %arg9[%swap3A_284], %broadcast_in_dim3A_3 {strides = array<i32>} : memref<6656xf32, #tpu.memory_space<vmem>>, vector<16xf32>,
      %scan3A_286 = arith.constant 0 : i32
      scf.yield %scan3A_286 : i32
    }
    %scan3A_173 = arith.constant 32 : i32
    %scan3A_174 = arith.constant 0 : i32
    %scan3A_175 = arith.constant 0 : i32
    %scan3A_176 = arith.constant 32 : i32
    %scan3A_177 = arith.addi %scan3A_175, %scan3A_176 : i32
    %scan3A_178 = arith.constant 1 : i32
    %scan3A_179 = scf.for %scan3A_243 = %scan3A_175 to %scan3A_177 step %scan3A_178 iter_args(%scan3A_244 = %scan3A_174) -> (i32)  : i32 {
      %mul3A_245 = arith.constant 16 : i32
      %mul3A_246 = arith.muli %scan3A_243, %mul3A_245 : i32
      %add3A_247 = arith.constant 8704 : i32
      %add3A_248 = arith.addi %add3A_247, %mul3A_246 : i32
      %mul3A_249 = arith.constant 16 : i32
      %mul3A_250 = arith.muli %scan3A_243, %mul3A_249 : i32
      %add3A_251 = arith.constant 2048 : i32
      %add3A_252 = arith.addi %add3A_251, %mul3A_250 : i32
      %get3A = arith.index_cast %add3A_248 : i32 to index
      %get3A_253 = tpu.vector_load %arg5[%get3A] {strides = array<i32>} : memref<13312xi32, #tpu.memory_space<vmem>>, vector<16xi32>,
      %mul3A_254 = arith.constant 16 : i32
      %mul3A_255 = arith.muli %scan3A_243, %mul3A_254 : i32
      %add3A_256 = arith.addi %mul3A_2, %mul3A_255 : i32
      %add3A_257 = vector.broadcast %add3A_256 : i32 to vector<16xi32>
      %add3A_258 = arith.addi %add3A_257, %iota3A : vector<16xi32>
      %shift_right_arithmetic3A = arith.constant 3 : i32
      %shift_right_arithmetic3A_259 = vector.broadcast %shift_right_arithmetic3A : i32 to vector<16xi32>
      %shift_right_arithmetic3A_260 = arith.shrsi %get3A_253, %shift_right_arithmetic3A_259 : vector<16xi32>
      %add3A_261 = arith.constant 2125 : i32
      %add3A_262 = vector.broadcast %add3A_261 : i32 to vector<16xi32>
      %add3A_263 = arith.addi %add3A_262, %shift_right_arithmetic3A_260 : vector<16xi32>
      %shift_left3A = arith.constant 17 : i32
      %shift_left3A_264 = vector.broadcast %shift_left3A : i32 to vector<16xi32>
      %shift_left3A_265 = arith.shli %add3A_263, %shift_left3A_264 : vector<16xi32>
      %shift_right_arithmetic3A_266 = arith.constant 7 : i32
      %shift_right_arithmetic3A_267 = vector.broadcast %shift_right_arithmetic3A_266 : i32 to vector<16xi32>
      %shift_right_arithmetic3A_268 = arith.shrsi %add3A_258, %shift_right_arithmetic3A_267 : vector<16xi32>
      %shift_left3A_269 = arith.constant 10 : i32
      %shift_left3A_270 = vector.broadcast %shift_left3A_269 : i32 to vector<16xi32>
      %shift_left3A_271 = arith.shli %shift_right_arithmetic3A_268, %shift_left3A_270 : vector<16xi32>
      %add3A_272 = arith.addi %shift_left3A_265, %shift_left3A_271 : vector<16xi32>
      %and3A = arith.constant 7 : i32
      %and3A_273 = vector.broadcast %and3A : i32 to vector<16xi32>
      %and3A_274 = arith.andi %get3A_253, %and3A_273 : vector<16xi32>
      %shift_left3A_275 = arith.constant 7 : i32
      %shift_left3A_276 = vector.broadcast %shift_left3A_275 : i32 to vector<16xi32>
      %shift_left3A_277 = arith.shli %and3A_274, %shift_left3A_276 : vector<16xi32>
      %add3A_278 = arith.addi %add3A_272, %shift_left3A_277 : vector<16xi32>
      %and3A_279 = arith.constant 127 : i32
      %and3A_280 = vector.broadcast %and3A_279 : i32 to vector<16xi32>
      %and3A_281 = arith.andi %add3A_258, %and3A_280 : vector<16xi32>
      %add3A_282 = arith.addi %add3A_278, %and3A_281 : vector<16xi32>
      %swap3A = arith.index_cast %add3A_252 : i32 to index
      %swap3A_283 = tpu.vector_load %arg8[%swap3A] {strides = array<i32>} : memref<6656xi32, #tpu.memory_space<vmem>>, vector<16xi32>,
      tpu.vector_store %arg8[%swap3A], %add3A_282 {strides = array<i32>} : memref<6656xi32, #tpu.memory_space<vmem>>, vector<16xi32>,
      %swap3A_284 = arith.index_cast %add3A_252 : i32 to index
      %swap3A_285 = tpu.vector_load %arg9[%swap3A_284] {strides = array<i32>} : memref<6656xf32, #tpu.memory_space<vmem>>, vector<16xf32>,
      tpu.vector_store %arg9[%swap3A_284], %broadcast_in_dim3A_3 {strides = array<i32>} : memref<6656xf32, #tpu.memory_space<vmem>>, vector<16xf32>,
      %scan3A_286 = arith.constant 0 : i32
      scf.yield %scan3A_286 : i32
    }
    %scan3A_180 = arith.constant 32 : i32
    %scan3A_181 = arith.constant 0 : i32
    %scan3A_182 = arith.constant 0 : i32
    %scan3A_183 = arith.constant 32 : i32
    %scan3A_184 = arith.addi %scan3A_182, %scan3A_183 : i32
    %scan3A_185 = arith.constant 1 : i32
    %scan3A_186 = scf.for %scan3A_243 = %scan3A_182 to %scan3A_184 step %scan3A_185 iter_args(%scan3A_244 = %scan3A_181) -> (i32)  : i32 {
      %mul3A_245 = arith.constant 16 : i32
      %mul3A_246 = arith.muli %scan3A_243, %mul3A_245 : i32
      %add3A_247 = arith.constant 9216 : i32
      %add3A_248 = arith.addi %add3A_247, %mul3A_246 : i32
      %mul3A_249 = arith.constant 16 : i32
      %mul3A_250 = arith.muli %scan3A_243, %mul3A_249 : i32
      %add3A_251 = arith.constant 2560 : i32
      %add3A_252 = arith.addi %add3A_251, %mul3A_250 : i32
      %get3A = arith.index_cast %add3A_248 : i32 to index
      %get3A_253 = tpu.vector_load %arg5[%get3A] {strides = array<i32>} : memref<13312xi32, #tpu.memory_space<vmem>>, vector<16xi32>,
      %mul3A_254 = arith.constant 16 : i32
      %mul3A_255 = arith.muli %scan3A_243, %mul3A_254 : i32
      %add3A_256 = arith.addi %mul3A_2, %mul3A_255 : i32
      %add3A_257 = vector.broadcast %add3A_256 : i32 to vector<16xi32>
      %add3A_258 = arith.addi %add3A_257, %iota3A : vector<16xi32>
      %shift_right_arithmetic3A = arith.constant 3 : i32
      %shift_right_arithmetic3A_259 = vector.broadcast %shift_right_arithmetic3A : i32 to vector<16xi32>
      %shift_right_arithmetic3A_260 = arith.shrsi %get3A_253, %shift_right_arithmetic3A_259 : vector<16xi32>
      %add3A_261 = arith.constant 2250 : i32
      %add3A_262 = vector.broadcast %add3A_261 : i32 to vector<16xi32>
      %add3A_263 = arith.addi %add3A_262, %shift_right_arithmetic3A_260 : vector<16xi32>
      %shift_left3A = arith.constant 17 : i32
      %shift_left3A_264 = vector.broadcast %shift_left3A : i32 to vector<16xi32>
      %shift_left3A_265 = arith.shli %add3A_263, %shift_left3A_264 : vector<16xi32>
      %shift_right_arithmetic3A_266 = arith.constant 7 : i32
      %shift_right_arithmetic3A_267 = vector.broadcast %shift_right_arithmetic3A_266 : i32 to vector<16xi32>
      %shift_right_arithmetic3A_268 = arith.shrsi %add3A_258, %shift_right_arithmetic3A_267 : vector<16xi32>
      %shift_left3A_269 = arith.constant 10 : i32
      %shift_left3A_270 = vector.broadcast %shift_left3A_269 : i32 to vector<16xi32>
      %shift_left3A_271 = arith.shli %shift_right_arithmetic3A_268, %shift_left3A_270 : vector<16xi32>
      %add3A_272 = arith.addi %shift_left3A_265, %shift_left3A_271 : vector<16xi32>
      %and3A = arith.constant 7 : i32
      %and3A_273 = vector.broadcast %and3A : i32 to vector<16xi32>
      %and3A_274 = arith.andi %get3A_253, %and3A_273 : vector<16xi32>
      %shift_left3A_275 = arith.constant 7 : i32
      %shift_left3A_276 = vector.broadcast %shift_left3A_275 : i32 to vector<16xi32>
      %shift_left3A_277 = arith.shli %and3A_274, %shift_left3A_276 : vector<16xi32>
      %add3A_278 = arith.addi %add3A_272, %shift_left3A_277 : vector<16xi32>
      %and3A_279 = arith.constant 127 : i32
      %and3A_280 = vector.broadcast %and3A_279 : i32 to vector<16xi32>
      %and3A_281 = arith.andi %add3A_258, %and3A_280 : vector<16xi32>
      %add3A_282 = arith.addi %add3A_278, %and3A_281 : vector<16xi32>
      %swap3A = arith.index_cast %add3A_252 : i32 to index
      %swap3A_283 = tpu.vector_load %arg8[%swap3A] {strides = array<i32>} : memref<6656xi32, #tpu.memory_space<vmem>>, vector<16xi32>,
      tpu.vector_store %arg8[%swap3A], %add3A_282 {strides = array<i32>} : memref<6656xi32, #tpu.memory_space<vmem>>, vector<16xi32>,
      %swap3A_284 = arith.index_cast %add3A_252 : i32 to index
      %swap3A_285 = tpu.vector_load %arg9[%swap3A_284] {strides = array<i32>} : memref<6656xf32, #tpu.memory_space<vmem>>, vector<16xf32>,
      tpu.vector_store %arg9[%swap3A_284], %broadcast_in_dim3A_3 {strides = array<i32>} : memref<6656xf32, #tpu.memory_space<vmem>>, vector<16xf32>,
      %scan3A_286 = arith.constant 0 : i32
      scf.yield %scan3A_286 : i32
    }
    %scan3A_187 = arith.constant 32 : i32
    %scan3A_188 = arith.constant 0 : i32
    %scan3A_189 = arith.constant 0 : i32
    %scan3A_190 = arith.constant 32 : i32
    %scan3A_191 = arith.addi %scan3A_189, %scan3A_190 : i32
    %scan3A_192 = arith.constant 1 : i32
    %scan3A_193 = scf.for %scan3A_243 = %scan3A_189 to %scan3A_191 step %scan3A_192 iter_args(%scan3A_244 = %scan3A_188) -> (i32)  : i32 {
      %mul3A_245 = arith.constant 16 : i32
      %mul3A_246 = arith.muli %scan3A_243, %mul3A_245 : i32
      %add3A_247 = arith.constant 9728 : i32
      %add3A_248 = arith.addi %add3A_247, %mul3A_246 : i32
      %mul3A_249 = arith.constant 16 : i32
      %mul3A_250 = arith.muli %scan3A_243, %mul3A_249 : i32
      %add3A_251 = arith.constant 3072 : i32
      %add3A_252 = arith.addi %add3A_251, %mul3A_250 : i32
      %get3A = arith.index_cast %add3A_248 : i32 to index
      %get3A_253 = tpu.vector_load %arg5[%get3A] {strides = array<i32>} : memref<13312xi32, #tpu.memory_space<vmem>>, vector<16xi32>,
      %mul3A_254 = arith.constant 16 : i32
      %mul3A_255 = arith.muli %scan3A_243, %mul3A_254 : i32
      %add3A_256 = arith.addi %mul3A_2, %mul3A_255 : i32
      %add3A_257 = vector.broadcast %add3A_256 : i32 to vector<16xi32>
      %add3A_258 = arith.addi %add3A_257, %iota3A : vector<16xi32>
      %shift_right_arithmetic3A = arith.constant 3 : i32
      %shift_right_arithmetic3A_259 = vector.broadcast %shift_right_arithmetic3A : i32 to vector<16xi32>
      %shift_right_arithmetic3A_260 = arith.shrsi %get3A_253, %shift_right_arithmetic3A_259 : vector<16xi32>
      %add3A_261 = arith.constant 2375 : i32
      %add3A_262 = vector.broadcast %add3A_261 : i32 to vector<16xi32>
      %add3A_263 = arith.addi %add3A_262, %shift_right_arithmetic3A_260 : vector<16xi32>
      %shift_left3A = arith.constant 17 : i32
      %shift_left3A_264 = vector.broadcast %shift_left3A : i32 to vector<16xi32>
      %shift_left3A_265 = arith.shli %add3A_263, %shift_left3A_264 : vector<16xi32>
      %shift_right_arithmetic3A_266 = arith.constant 7 : i32
      %shift_right_arithmetic3A_267 = vector.broadcast %shift_right_arithmetic3A_266 : i32 to vector<16xi32>
      %shift_right_arithmetic3A_268 = arith.shrsi %add3A_258, %shift_right_arithmetic3A_267 : vector<16xi32>
      %shift_left3A_269 = arith.constant 10 : i32
      %shift_left3A_270 = vector.broadcast %shift_left3A_269 : i32 to vector<16xi32>
      %shift_left3A_271 = arith.shli %shift_right_arithmetic3A_268, %shift_left3A_270 : vector<16xi32>
      %add3A_272 = arith.addi %shift_left3A_265, %shift_left3A_271 : vector<16xi32>
      %and3A = arith.constant 7 : i32
      %and3A_273 = vector.broadcast %and3A : i32 to vector<16xi32>
      %and3A_274 = arith.andi %get3A_253, %and3A_273 : vector<16xi32>
      %shift_left3A_275 = arith.constant 7 : i32
      %shift_left3A_276 = vector.broadcast %shift_left3A_275 : i32 to vector<16xi32>
      %shift_left3A_277 = arith.shli %and3A_274, %shift_left3A_276 : vector<16xi32>
      %add3A_278 = arith.addi %add3A_272, %shift_left3A_277 : vector<16xi32>
      %and3A_279 = arith.constant 127 : i32
      %and3A_280 = vector.broadcast %and3A_279 : i32 to vector<16xi32>
      %and3A_281 = arith.andi %add3A_258, %and3A_280 : vector<16xi32>
      %add3A_282 = arith.addi %add3A_278, %and3A_281 : vector<16xi32>
      %swap3A = arith.index_cast %add3A_252 : i32 to index
      %swap3A_283 = tpu.vector_load %arg8[%swap3A] {strides = array<i32>} : memref<6656xi32, #tpu.memory_space<vmem>>, vector<16xi32>,
      tpu.vector_store %arg8[%swap3A], %add3A_282 {strides = array<i32>} : memref<6656xi32, #tpu.memory_space<vmem>>, vector<16xi32>,
      %swap3A_284 = arith.index_cast %add3A_252 : i32 to index
      %swap3A_285 = tpu.vector_load %arg9[%swap3A_284] {strides = array<i32>} : memref<6656xf32, #tpu.memory_space<vmem>>, vector<16xf32>,
      tpu.vector_store %arg9[%swap3A_284], %broadcast_in_dim3A_3 {strides = array<i32>} : memref<6656xf32, #tpu.memory_space<vmem>>, vector<16xf32>,
      %scan3A_286 = arith.constant 0 : i32
      scf.yield %scan3A_286 : i32
    }
    %scan3A_194 = arith.constant 32 : i32
    %scan3A_195 = arith.constant 0 : i32
    %scan3A_196 = arith.constant 0 : i32
    %scan3A_197 = arith.constant 32 : i32
    %scan3A_198 = arith.addi %scan3A_196, %scan3A_197 : i32
    %scan3A_199 = arith.constant 1 : i32
    %scan3A_200 = scf.for %scan3A_243 = %scan3A_196 to %scan3A_198 step %scan3A_199 iter_args(%scan3A_244 = %scan3A_195) -> (i32)  : i32 {
      %mul3A_245 = arith.constant 16 : i32
      %mul3A_246 = arith.muli %scan3A_243, %mul3A_245 : i32
      %add3A_247 = arith.constant 10240 : i32
      %add3A_248 = arith.addi %add3A_247, %mul3A_246 : i32
      %mul3A_249 = arith.constant 16 : i32
      %mul3A_250 = arith.muli %scan3A_243, %mul3A_249 : i32
      %add3A_251 = arith.constant 3584 : i32
      %add3A_252 = arith.addi %add3A_251, %mul3A_250 : i32
      %get3A = arith.index_cast %add3A_248 : i32 to index
      %get3A_253 = tpu.vector_load %arg5[%get3A] {strides = array<i32>} : memref<13312xi32, #tpu.memory_space<vmem>>, vector<16xi32>,
      %mul3A_254 = arith.constant 16 : i32
      %mul3A_255 = arith.muli %scan3A_243, %mul3A_254 : i32
      %add3A_256 = arith.addi %mul3A_2, %mul3A_255 : i32
      %add3A_257 = vector.broadcast %add3A_256 : i32 to vector<16xi32>
      %add3A_258 = arith.addi %add3A_257, %iota3A : vector<16xi32>
      %shift_right_arithmetic3A = arith.constant 3 : i32
      %shift_right_arithmetic3A_259 = vector.broadcast %shift_right_arithmetic3A : i32 to vector<16xi32>
      %shift_right_arithmetic3A_260 = arith.shrsi %get3A_253, %shift_right_arithmetic3A_259 : vector<16xi32>
      %add3A_261 = arith.constant 2500 : i32
      %add3A_262 = vector.broadcast %add3A_261 : i32 to vector<16xi32>
      %add3A_263 = arith.addi %add3A_262, %shift_right_arithmetic3A_260 : vector<16xi32>
      %shift_left3A = arith.constant 17 : i32
      %shift_left3A_264 = vector.broadcast %shift_left3A : i32 to vector<16xi32>
      %shift_left3A_265 = arith.shli %add3A_263, %shift_left3A_264 : vector<16xi32>
      %shift_right_arithmetic3A_266 = arith.constant 7 : i32
      %shift_right_arithmetic3A_267 = vector.broadcast %shift_right_arithmetic3A_266 : i32 to vector<16xi32>
      %shift_right_arithmetic3A_268 = arith.shrsi %add3A_258, %shift_right_arithmetic3A_267 : vector<16xi32>
      %shift_left3A_269 = arith.constant 10 : i32
      %shift_left3A_270 = vector.broadcast %shift_left3A_269 : i32 to vector<16xi32>
      %shift_left3A_271 = arith.shli %shift_right_arithmetic3A_268, %shift_left3A_270 : vector<16xi32>
      %add3A_272 = arith.addi %shift_left3A_265, %shift_left3A_271 : vector<16xi32>
      %and3A = arith.constant 7 : i32
      %and3A_273 = vector.broadcast %and3A : i32 to vector<16xi32>
      %and3A_274 = arith.andi %get3A_253, %and3A_273 : vector<16xi32>
      %shift_left3A_275 = arith.constant 7 : i32
      %shift_left3A_276 = vector.broadcast %shift_left3A_275 : i32 to vector<16xi32>
      %shift_left3A_277 = arith.shli %and3A_274, %shift_left3A_276 : vector<16xi32>
      %add3A_278 = arith.addi %add3A_272, %shift_left3A_277 : vector<16xi32>
      %and3A_279 = arith.constant 127 : i32
      %and3A_280 = vector.broadcast %and3A_279 : i32 to vector<16xi32>
      %and3A_281 = arith.andi %add3A_258, %and3A_280 : vector<16xi32>
      %add3A_282 = arith.addi %add3A_278, %and3A_281 : vector<16xi32>
      %swap3A = arith.index_cast %add3A_252 : i32 to index
      %swap3A_283 = tpu.vector_load %arg8[%swap3A] {strides = array<i32>} : memref<6656xi32, #tpu.memory_space<vmem>>, vector<16xi32>,
      tpu.vector_store %arg8[%swap3A], %add3A_282 {strides = array<i32>} : memref<6656xi32, #tpu.memory_space<vmem>>, vector<16xi32>,
      %swap3A_284 = arith.index_cast %add3A_252 : i32 to index
      %swap3A_285 = tpu.vector_load %arg9[%swap3A_284] {strides = array<i32>} : memref<6656xf32, #tpu.memory_space<vmem>>, vector<16xf32>,
      tpu.vector_store %arg9[%swap3A_284], %broadcast_in_dim3A_3 {strides = array<i32>} : memref<6656xf32, #tpu.memory_space<vmem>>, vector<16xf32>,
      %scan3A_286 = arith.constant 0 : i32
      scf.yield %scan3A_286 : i32
    }
    %scan3A_201 = arith.constant 32 : i32
    %scan3A_202 = arith.constant 0 : i32
    %scan3A_203 = arith.constant 0 : i32
    %scan3A_204 = arith.constant 32 : i32
    %scan3A_205 = arith.addi %scan3A_203, %scan3A_204 : i32
    %scan3A_206 = arith.constant 1 : i32
    %scan3A_207 = scf.for %scan3A_243 = %scan3A_203 to %scan3A_205 step %scan3A_206 iter_args(%scan3A_244 = %scan3A_202) -> (i32)  : i32 {
      %mul3A_245 = arith.constant 16 : i32
      %mul3A_246 = arith.muli %scan3A_243, %mul3A_245 : i32
      %add3A_247 = arith.constant 10752 : i32
      %add3A_248 = arith.addi %add3A_247, %mul3A_246 : i32
      %mul3A_249 = arith.constant 16 : i32
      %mul3A_250 = arith.muli %scan3A_243, %mul3A_249 : i32
      %add3A_251 = arith.constant 4096 : i32
      %add3A_252 = arith.addi %add3A_251, %mul3A_250 : i32
      %get3A = arith.index_cast %add3A_248 : i32 to index
      %get3A_253 = tpu.vector_load %arg5[%get3A] {strides = array<i32>} : memref<13312xi32, #tpu.memory_space<vmem>>, vector<16xi32>,
      %mul3A_254 = arith.constant 16 : i32
      %mul3A_255 = arith.muli %scan3A_243, %mul3A_254 : i32
      %add3A_256 = arith.addi %mul3A_2, %mul3A_255 : i32
      %add3A_257 = vector.broadcast %add3A_256 : i32 to vector<16xi32>
      %add3A_258 = arith.addi %add3A_257, %iota3A : vector<16xi32>
      %shift_right_arithmetic3A = arith.constant 3 : i32
      %shift_right_arithmetic3A_259 = vector.broadcast %shift_right_arithmetic3A : i32 to vector<16xi32>
      %shift_right_arithmetic3A_260 = arith.shrsi %get3A_253, %shift_right_arithmetic3A_259 : vector<16xi32>
      %add3A_261 = arith.constant 2625 : i32
      %add3A_262 = vector.broadcast %add3A_261 : i32 to vector<16xi32>
      %add3A_263 = arith.addi %add3A_262, %shift_right_arithmetic3A_260 : vector<16xi32>
      %shift_left3A = arith.constant 17 : i32
      %shift_left3A_264 = vector.broadcast %shift_left3A : i32 to vector<16xi32>
      %shift_left3A_265 = arith.shli %add3A_263, %shift_left3A_264 : vector<16xi32>
      %shift_right_arithmetic3A_266 = arith.constant 7 : i32
      %shift_right_arithmetic3A_267 = vector.broadcast %shift_right_arithmetic3A_266 : i32 to vector<16xi32>
      %shift_right_arithmetic3A_268 = arith.shrsi %add3A_258, %shift_right_arithmetic3A_267 : vector<16xi32>
      %shift_left3A_269 = arith.constant 10 : i32
      %shift_left3A_270 = vector.broadcast %shift_left3A_269 : i32 to vector<16xi32>
      %shift_left3A_271 = arith.shli %shift_right_arithmetic3A_268, %shift_left3A_270 : vector<16xi32>
      %add3A_272 = arith.addi %shift_left3A_265, %shift_left3A_271 : vector<16xi32>
      %and3A = arith.constant 7 : i32
      %and3A_273 = vector.broadcast %and3A : i32 to vector<16xi32>
      %and3A_274 = arith.andi %get3A_253, %and3A_273 : vector<16xi32>
      %shift_left3A_275 = arith.constant 7 : i32
      %shift_left3A_276 = vector.broadcast %shift_left3A_275 : i32 to vector<16xi32>
      %shift_left3A_277 = arith.shli %and3A_274, %shift_left3A_276 : vector<16xi32>
      %add3A_278 = arith.addi %add3A_272, %shift_left3A_277 : vector<16xi32>
      %and3A_279 = arith.constant 127 : i32
      %and3A_280 = vector.broadcast %and3A_279 : i32 to vector<16xi32>
      %and3A_281 = arith.andi %add3A_258, %and3A_280 : vector<16xi32>
      %add3A_282 = arith.addi %add3A_278, %and3A_281 : vector<16xi32>
      %swap3A = arith.index_cast %add3A_252 : i32 to index
      %swap3A_283 = tpu.vector_load %arg8[%swap3A] {strides = array<i32>} : memref<6656xi32, #tpu.memory_space<vmem>>, vector<16xi32>,
      tpu.vector_store %arg8[%swap3A], %add3A_282 {strides = array<i32>} : memref<6656xi32, #tpu.memory_space<vmem>>, vector<16xi32>,
      %swap3A_284 = arith.index_cast %add3A_252 : i32 to index
      %swap3A_285 = tpu.vector_load %arg9[%swap3A_284] {strides = array<i32>} : memref<6656xf32, #tpu.memory_space<vmem>>, vector<16xf32>,
      tpu.vector_store %arg9[%swap3A_284], %broadcast_in_dim3A_3 {strides = array<i32>} : memref<6656xf32, #tpu.memory_space<vmem>>, vector<16xf32>,
      %scan3A_286 = arith.constant 0 : i32
      scf.yield %scan3A_286 : i32
    }
    %scan3A_208 = arith.constant 32 : i32
    %scan3A_209 = arith.constant 0 : i32
    %scan3A_210 = arith.constant 0 : i32
    %scan3A_211 = arith.constant 32 : i32
    %scan3A_212 = arith.addi %scan3A_210, %scan3A_211 : i32
    %scan3A_213 = arith.constant 1 : i32
    %scan3A_214 = scf.for %scan3A_243 = %scan3A_210 to %scan3A_212 step %scan3A_213 iter_args(%scan3A_244 = %scan3A_209) -> (i32)  : i32 {
      %mul3A_245 = arith.constant 16 : i32
      %mul3A_246 = arith.muli %scan3A_243, %mul3A_245 : i32
      %add3A_247 = arith.constant 11264 : i32
      %add3A_248 = arith.addi %add3A_247, %mul3A_246 : i32
      %mul3A_249 = arith.constant 16 : i32
      %mul3A_250 = arith.muli %scan3A_243, %mul3A_249 : i32
      %add3A_251 = arith.constant 4608 : i32
      %add3A_252 = arith.addi %add3A_251, %mul3A_250 : i32
      %get3A = arith.index_cast %add3A_248 : i32 to index
      %get3A_253 = tpu.vector_load %arg5[%get3A] {strides = array<i32>} : memref<13312xi32, #tpu.memory_space<vmem>>, vector<16xi32>,
      %mul3A_254 = arith.constant 16 : i32
      %mul3A_255 = arith.muli %scan3A_243, %mul3A_254 : i32
      %add3A_256 = arith.addi %mul3A_2, %mul3A_255 : i32
      %add3A_257 = vector.broadcast %add3A_256 : i32 to vector<16xi32>
      %add3A_258 = arith.addi %add3A_257, %iota3A : vector<16xi32>
      %shift_right_arithmetic3A = arith.constant 3 : i32
      %shift_right_arithmetic3A_259 = vector.broadcast %shift_right_arithmetic3A : i32 to vector<16xi32>
      %shift_right_arithmetic3A_260 = arith.shrsi %get3A_253, %shift_right_arithmetic3A_259 : vector<16xi32>
      %add3A_261 = arith.constant 2750 : i32
      %add3A_262 = vector.broadcast %add3A_261 : i32 to vector<16xi32>
      %add3A_263 = arith.addi %add3A_262, %shift_right_arithmetic3A_260 : vector<16xi32>
      %shift_left3A = arith.constant 17 : i32
      %shift_left3A_264 = vector.broadcast %shift_left3A : i32 to vector<16xi32>
      %shift_left3A_265 = arith.shli %add3A_263, %shift_left3A_264 : vector<16xi32>
      %shift_right_arithmetic3A_266 = arith.constant 7 : i32
      %shift_right_arithmetic3A_267 = vector.broadcast %shift_right_arithmetic3A_266 : i32 to vector<16xi32>
      %shift_right_arithmetic3A_268 = arith.shrsi %add3A_258, %shift_right_arithmetic3A_267 : vector<16xi32>
      %shift_left3A_269 = arith.constant 10 : i32
      %shift_left3A_270 = vector.broadcast %shift_left3A_269 : i32 to vector<16xi32>
      %shift_left3A_271 = arith.shli %shift_right_arithmetic3A_268, %shift_left3A_270 : vector<16xi32>
      %add3A_272 = arith.addi %shift_left3A_265, %shift_left3A_271 : vector<16xi32>
      %and3A = arith.constant 7 : i32
      %and3A_273 = vector.broadcast %and3A : i32 to vector<16xi32>
      %and3A_274 = arith.andi %get3A_253, %and3A_273 : vector<16xi32>
      %shift_left3A_275 = arith.constant 7 : i32
      %shift_left3A_276 = vector.broadcast %shift_left3A_275 : i32 to vector<16xi32>
      %shift_left3A_277 = arith.shli %and3A_274, %shift_left3A_276 : vector<16xi32>
      %add3A_278 = arith.addi %add3A_272, %shift_left3A_277 : vector<16xi32>
      %and3A_279 = arith.constant 127 : i32
      %and3A_280 = vector.broadcast %and3A_279 : i32 to vector<16xi32>
      %and3A_281 = arith.andi %add3A_258, %and3A_280 : vector<16xi32>
      %add3A_282 = arith.addi %add3A_278, %and3A_281 : vector<16xi32>
      %swap3A = arith.index_cast %add3A_252 : i32 to index
      %swap3A_283 = tpu.vector_load %arg8[%swap3A] {strides = array<i32>} : memref<6656xi32, #tpu.memory_space<vmem>>, vector<16xi32>,
      tpu.vector_store %arg8[%swap3A], %add3A_282 {strides = array<i32>} : memref<6656xi32, #tpu.memory_space<vmem>>, vector<16xi32>,
      %swap3A_284 = arith.index_cast %add3A_252 : i32 to index
      %swap3A_285 = tpu.vector_load %arg9[%swap3A_284] {strides = array<i32>} : memref<6656xf32, #tpu.memory_space<vmem>>, vector<16xf32>,
      tpu.vector_store %arg9[%swap3A_284], %broadcast_in_dim3A_3 {strides = array<i32>} : memref<6656xf32, #tpu.memory_space<vmem>>, vector<16xf32>,
      %scan3A_286 = arith.constant 0 : i32
      scf.yield %scan3A_286 : i32
    }
    %scan3A_215 = arith.constant 32 : i32
    %scan3A_216 = arith.constant 0 : i32
    %scan3A_217 = arith.constant 0 : i32
    %scan3A_218 = arith.constant 32 : i32
    %scan3A_219 = arith.addi %scan3A_217, %scan3A_218 : i32
    %scan3A_220 = arith.constant 1 : i32
    %scan3A_221 = scf.for %scan3A_243 = %scan3A_217 to %scan3A_219 step %scan3A_220 iter_args(%scan3A_244 = %scan3A_216) -> (i32)  : i32 {
      %mul3A_245 = arith.constant 16 : i32
      %mul3A_246 = arith.muli %scan3A_243, %mul3A_245 : i32
      %add3A_247 = arith.constant 11776 : i32
      %add3A_248 = arith.addi %add3A_247, %mul3A_246 : i32
      %mul3A_249 = arith.constant 16 : i32
      %mul3A_250 = arith.muli %scan3A_243, %mul3A_249 : i32
      %add3A_251 = arith.constant 5120 : i32
      %add3A_252 = arith.addi %add3A_251, %mul3A_250 : i32
      %get3A = arith.index_cast %add3A_248 : i32 to index
      %get3A_253 = tpu.vector_load %arg5[%get3A] {strides = array<i32>} : memref<13312xi32, #tpu.memory_space<vmem>>, vector<16xi32>,
      %mul3A_254 = arith.constant 16 : i32
      %mul3A_255 = arith.muli %scan3A_243, %mul3A_254 : i32
      %add3A_256 = arith.addi %mul3A_2, %mul3A_255 : i32
      %add3A_257 = vector.broadcast %add3A_256 : i32 to vector<16xi32>
      %add3A_258 = arith.addi %add3A_257, %iota3A : vector<16xi32>
      %shift_right_arithmetic3A = arith.constant 3 : i32
      %shift_right_arithmetic3A_259 = vector.broadcast %shift_right_arithmetic3A : i32 to vector<16xi32>
      %shift_right_arithmetic3A_260 = arith.shrsi %get3A_253, %shift_right_arithmetic3A_259 : vector<16xi32>
      %add3A_261 = arith.constant 2875 : i32
      %add3A_262 = vector.broadcast %add3A_261 : i32 to vector<16xi32>
      %add3A_263 = arith.addi %add3A_262, %shift_right_arithmetic3A_260 : vector<16xi32>
      %shift_left3A = arith.constant 17 : i32
      %shift_left3A_264 = vector.broadcast %shift_left3A : i32 to vector<16xi32>
      %shift_left3A_265 = arith.shli %add3A_263, %shift_left3A_264 : vector<16xi32>
      %shift_right_arithmetic3A_266 = arith.constant 7 : i32
      %shift_right_arithmetic3A_267 = vector.broadcast %shift_right_arithmetic3A_266 : i32 to vector<16xi32>
      %shift_right_arithmetic3A_268 = arith.shrsi %add3A_258, %shift_right_arithmetic3A_267 : vector<16xi32>
      %shift_left3A_269 = arith.constant 10 : i32
      %shift_left3A_270 = vector.broadcast %shift_left3A_269 : i32 to vector<16xi32>
      %shift_left3A_271 = arith.shli %shift_right_arithmetic3A_268, %shift_left3A_270 : vector<16xi32>
      %add3A_272 = arith.addi %shift_left3A_265, %shift_left3A_271 : vector<16xi32>
      %and3A = arith.constant 7 : i32
      %and3A_273 = vector.broadcast %and3A : i32 to vector<16xi32>
      %and3A_274 = arith.andi %get3A_253, %and3A_273 : vector<16xi32>
      %shift_left3A_275 = arith.constant 7 : i32
      %shift_left3A_276 = vector.broadcast %shift_left3A_275 : i32 to vector<16xi32>
      %shift_left3A_277 = arith.shli %and3A_274, %shift_left3A_276 : vector<16xi32>
      %add3A_278 = arith.addi %add3A_272, %shift_left3A_277 : vector<16xi32>
      %and3A_279 = arith.constant 127 : i32
      %and3A_280 = vector.broadcast %and3A_279 : i32 to vector<16xi32>
      %and3A_281 = arith.andi %add3A_258, %and3A_280 : vector<16xi32>
      %add3A_282 = arith.addi %add3A_278, %and3A_281 : vector<16xi32>
      %swap3A = arith.index_cast %add3A_252 : i32 to index
      %swap3A_283 = tpu.vector_load %arg8[%swap3A] {strides = array<i32>} : memref<6656xi32, #tpu.memory_space<vmem>>, vector<16xi32>,
      tpu.vector_store %arg8[%swap3A], %add3A_282 {strides = array<i32>} : memref<6656xi32, #tpu.memory_space<vmem>>, vector<16xi32>,
      %swap3A_284 = arith.index_cast %add3A_252 : i32 to index
      %swap3A_285 = tpu.vector_load %arg9[%swap3A_284] {strides = array<i32>} : memref<6656xf32, #tpu.memory_space<vmem>>, vector<16xf32>,
      tpu.vector_store %arg9[%swap3A_284], %broadcast_in_dim3A_3 {strides = array<i32>} : memref<6656xf32, #tpu.memory_space<vmem>>, vector<16xf32>,
      %scan3A_286 = arith.constant 0 : i32
      scf.yield %scan3A_286 : i32
    }
    %scan3A_222 = arith.constant 32 : i32
    %scan3A_223 = arith.constant 0 : i32
    %scan3A_224 = arith.constant 0 : i32
    %scan3A_225 = arith.constant 32 : i32
    %scan3A_226 = arith.addi %scan3A_224, %scan3A_225 : i32
    %scan3A_227 = arith.constant 1 : i32
    %scan3A_228 = scf.for %scan3A_243 = %scan3A_224 to %scan3A_226 step %scan3A_227 iter_args(%scan3A_244 = %scan3A_223) -> (i32)  : i32 {
      %mul3A_245 = arith.constant 16 : i32
      %mul3A_246 = arith.muli %scan3A_243, %mul3A_245 : i32
      %add3A_247 = arith.constant 12288 : i32
      %add3A_248 = arith.addi %add3A_247, %mul3A_246 : i32
      %mul3A_249 = arith.constant 16 : i32
      %mul3A_250 = arith.muli %scan3A_243, %mul3A_249 : i32
      %add3A_251 = arith.constant 5632 : i32
      %add3A_252 = arith.addi %add3A_251, %mul3A_250 : i32
      %get3A = arith.index_cast %add3A_248 : i32 to index
      %get3A_253 = tpu.vector_load %arg5[%get3A] {strides = array<i32>} : memref<13312xi32, #tpu.memory_space<vmem>>, vector<16xi32>,
      %mul3A_254 = arith.constant 16 : i32
      %mul3A_255 = arith.muli %scan3A_243, %mul3A_254 : i32
      %add3A_256 = arith.addi %mul3A_2, %mul3A_255 : i32
      %add3A_257 = vector.broadcast %add3A_256 : i32 to vector<16xi32>
      %add3A_258 = arith.addi %add3A_257, %iota3A : vector<16xi32>
      %shift_right_arithmetic3A = arith.constant 3 : i32
      %shift_right_arithmetic3A_259 = vector.broadcast %shift_right_arithmetic3A : i32 to vector<16xi32>
      %shift_right_arithmetic3A_260 = arith.shrsi %get3A_253, %shift_right_arithmetic3A_259 : vector<16xi32>
      %add3A_261 = arith.constant 3000 : i32
      %add3A_262 = vector.broadcast %add3A_261 : i32 to vector<16xi32>
      %add3A_263 = arith.addi %add3A_262, %shift_right_arithmetic3A_260 : vector<16xi32>
      %shift_left3A = arith.constant 17 : i32
      %shift_left3A_264 = vector.broadcast %shift_left3A : i32 to vector<16xi32>
      %shift_left3A_265 = arith.shli %add3A_263, %shift_left3A_264 : vector<16xi32>
      %shift_right_arithmetic3A_266 = arith.constant 7 : i32
      %shift_right_arithmetic3A_267 = vector.broadcast %shift_right_arithmetic3A_266 : i32 to vector<16xi32>
      %shift_right_arithmetic3A_268 = arith.shrsi %add3A_258, %shift_right_arithmetic3A_267 : vector<16xi32>
      %shift_left3A_269 = arith.constant 10 : i32
      %shift_left3A_270 = vector.broadcast %shift_left3A_269 : i32 to vector<16xi32>
      %shift_left3A_271 = arith.shli %shift_right_arithmetic3A_268, %shift_left3A_270 : vector<16xi32>
      %add3A_272 = arith.addi %shift_left3A_265, %shift_left3A_271 : vector<16xi32>
      %and3A = arith.constant 7 : i32
      %and3A_273 = vector.broadcast %and3A : i32 to vector<16xi32>
      %and3A_274 = arith.andi %get3A_253, %and3A_273 : vector<16xi32>
      %shift_left3A_275 = arith.constant 7 : i32
      %shift_left3A_276 = vector.broadcast %shift_left3A_275 : i32 to vector<16xi32>
      %shift_left3A_277 = arith.shli %and3A_274, %shift_left3A_276 : vector<16xi32>
      %add3A_278 = arith.addi %add3A_272, %shift_left3A_277 : vector<16xi32>
      %and3A_279 = arith.constant 127 : i32
      %and3A_280 = vector.broadcast %and3A_279 : i32 to vector<16xi32>
      %and3A_281 = arith.andi %add3A_258, %and3A_280 : vector<16xi32>
      %add3A_282 = arith.addi %add3A_278, %and3A_281 : vector<16xi32>
      %swap3A = arith.index_cast %add3A_252 : i32 to index
      %swap3A_283 = tpu.vector_load %arg8[%swap3A] {strides = array<i32>} : memref<6656xi32, #tpu.memory_space<vmem>>, vector<16xi32>,
      tpu.vector_store %arg8[%swap3A], %add3A_282 {strides = array<i32>} : memref<6656xi32, #tpu.memory_space<vmem>>, vector<16xi32>,
      %swap3A_284 = arith.index_cast %add3A_252 : i32 to index
      %swap3A_285 = tpu.vector_load %arg9[%swap3A_284] {strides = array<i32>} : memref<6656xf32, #tpu.memory_space<vmem>>, vector<16xf32>,
      tpu.vector_store %arg9[%swap3A_284], %broadcast_in_dim3A_3 {strides = array<i32>} : memref<6656xf32, #tpu.memory_space<vmem>>, vector<16xf32>,
      %scan3A_286 = arith.constant 0 : i32
      scf.yield %scan3A_286 : i32
    }
    %scan3A_229 = arith.constant 32 : i32
    %scan3A_230 = arith.constant 0 : i32
    %scan3A_231 = arith.constant 0 : i32
    %scan3A_232 = arith.constant 32 : i32
    %scan3A_233 = arith.addi %scan3A_231, %scan3A_232 : i32
    %scan3A_234 = arith.constant 1 : i32
    %scan3A_235 = scf.for %scan3A_243 = %scan3A_231 to %scan3A_233 step %scan3A_234 iter_args(%scan3A_244 = %scan3A_230) -> (i32)  : i32 {
      %mul3A_245 = arith.constant 16 : i32
      %mul3A_246 = arith.muli %scan3A_243, %mul3A_245 : i32
      %add3A_247 = arith.constant 12800 : i32
      %add3A_248 = arith.addi %add3A_247, %mul3A_246 : i32
      %mul3A_249 = arith.constant 16 : i32
      %mul3A_250 = arith.muli %scan3A_243, %mul3A_249 : i32
      %add3A_251 = arith.constant 6144 : i32
      %add3A_252 = arith.addi %add3A_251, %mul3A_250 : i32
      %get3A = arith.index_cast %add3A_248 : i32 to index
      %get3A_253 = tpu.vector_load %arg5[%get3A] {strides = array<i32>} : memref<13312xi32, #tpu.memory_space<vmem>>, vector<16xi32>,
      %mul3A_254 = arith.constant 16 : i32
      %mul3A_255 = arith.muli %scan3A_243, %mul3A_254 : i32
      %add3A_256 = arith.addi %mul3A_2, %mul3A_255 : i32
      %add3A_257 = vector.broadcast %add3A_256 : i32 to vector<16xi32>
      %add3A_258 = arith.addi %add3A_257, %iota3A : vector<16xi32>
      %shift_right_arithmetic3A = arith.constant 3 : i32
      %shift_right_arithmetic3A_259 = vector.broadcast %shift_right_arithmetic3A : i32 to vector<16xi32>
      %shift_right_arithmetic3A_260 = arith.shrsi %get3A_253, %shift_right_arithmetic3A_259 : vector<16xi32>
      %add3A_261 = arith.constant 3125 : i32
      %add3A_262 = vector.broadcast %add3A_261 : i32 to vector<16xi32>
      %add3A_263 = arith.addi %add3A_262, %shift_right_arithmetic3A_260 : vector<16xi32>
      %shift_left3A = arith.constant 17 : i32
      %shift_left3A_264 = vector.broadcast %shift_left3A : i32 to vector<16xi32>
      %shift_left3A_265 = arith.shli %add3A_263, %shift_left3A_264 : vector<16xi32>
      %shift_right_arithmetic3A_266 = arith.constant 7 : i32
      %shift_right_arithmetic3A_267 = vector.broadcast %shift_right_arithmetic3A_266 : i32 to vector<16xi32>
      %shift_right_arithmetic3A_268 = arith.shrsi %add3A_258, %shift_right_arithmetic3A_267 : vector<16xi32>
      %shift_left3A_269 = arith.constant 10 : i32
      %shift_left3A_270 = vector.broadcast %shift_left3A_269 : i32 to vector<16xi32>
      %shift_left3A_271 = arith.shli %shift_right_arithmetic3A_268, %shift_left3A_270 : vector<16xi32>
      %add3A_272 = arith.addi %shift_left3A_265, %shift_left3A_271 : vector<16xi32>
      %and3A = arith.constant 7 : i32
      %and3A_273 = vector.broadcast %and3A : i32 to vector<16xi32>
      %and3A_274 = arith.andi %get3A_253, %and3A_273 : vector<16xi32>
      %shift_left3A_275 = arith.constant 7 : i32
      %shift_left3A_276 = vector.broadcast %shift_left3A_275 : i32 to vector<16xi32>
      %shift_left3A_277 = arith.shli %and3A_274, %shift_left3A_276 : vector<16xi32>
      %add3A_278 = arith.addi %add3A_272, %shift_left3A_277 : vector<16xi32>
      %and3A_279 = arith.constant 127 : i32
      %and3A_280 = vector.broadcast %and3A_279 : i32 to vector<16xi32>
      %and3A_281 = arith.andi %add3A_258, %and3A_280 : vector<16xi32>
      %add3A_282 = arith.addi %add3A_278, %and3A_281 : vector<16xi32>
      %swap3A = arith.index_cast %add3A_252 : i32 to index
      %swap3A_283 = tpu.vector_load %arg8[%swap3A] {strides = array<i32>} : memref<6656xi32, #tpu.memory_space<vmem>>, vector<16xi32>,
      tpu.vector_store %arg8[%swap3A], %add3A_282 {strides = array<i32>} : memref<6656xi32, #tpu.memory_space<vmem>>, vector<16xi32>,
      %swap3A_284 = arith.index_cast %add3A_252 : i32 to index
      %swap3A_285 = tpu.vector_load %arg9[%swap3A_284] {strides = array<i32>} : memref<6656xf32, #tpu.memory_space<vmem>>, vector<16xf32>,
      tpu.vector_store %arg9[%swap3A_284], %broadcast_in_dim3A_3 {strides = array<i32>} : memref<6656xf32, #tpu.memory_space<vmem>>, vector<16xf32>,
      %scan3A_286 = arith.constant 0 : i32
      scf.yield %scan3A_286 : i32
    }
    %scan3A_236 = arith.constant 32 : i32
    %dma_start3A = arith.constant 0 : i32
    %dma_start3A_237 = tpu.memref_slice %arg3[%dma_start3A] : memref<425984000xf32, #tpu.memory_space<hbm>> -> memref<425984000xf32, #tpu.memory_space<hbm>>
    tpu.enqueue_indirect_dma source(%arg7 : memref<6656xf32, #tpu.memory_space<vmem>>) target(%dma_start3A_237 : memref<425984000xf32, #tpu.memory_space<hbm>>) offsets(%arg6 : memref<6656xi32, #tpu.memory_space<vmem>>) semaphore(%arg10 : memref<!tpu.dma_semaphore, #tpu.memory_space<semaphore_mem>>)
    %dma_start3A_238 = arith.constant 0 : i32
    %dma_start3A_239 = tpu.memref_slice %arg3[%dma_start3A_238] : memref<425984000xf32, #tpu.memory_space<hbm>> -> memref<425984000xf32, #tpu.memory_space<hbm>>
    tpu.enqueue_indirect_dma source(%arg9 : memref<6656xf32, #tpu.memory_space<vmem>>) target(%dma_start3A_239 : memref<425984000xf32, #tpu.memory_space<hbm>>) offsets(%arg8 : memref<6656xi32, #tpu.memory_space<vmem>>) semaphore(%arg11 : memref<!tpu.dma_semaphore, #tpu.memory_space<semaphore_mem>>)
    %dma_wait3A = arith.constant 0 : i32
    %dma_wait3A_240 = tpu.memref_slice %arg3[%dma_wait3A] : memref<425984000xf32, #tpu.memory_space<hbm>> -> memref<425984000xf32, #tpu.memory_space<hbm>>
    tpu.wait_indirect_dma semaphore(%arg10 : memref<!tpu.dma_semaphore, #tpu.memory_space<semaphore_mem>>) src(%arg7 : memref<6656xf32, #tpu.memory_space<vmem>>) dst(%dma_wait3A_240 : memref<425984000xf32, #tpu.memory_space<hbm>>)
    %dma_wait3A_241 = arith.constant 0 : i32
    %dma_wait3A_242 = tpu.memref_slice %arg3[%dma_wait3A_241] : memref<425984000xf32, #tpu.memory_space<hbm>> -> memref<425984000xf32, #tpu.memory_space<hbm>>
    tpu.wait_indirect_dma semaphore(%arg11 : memref<!tpu.dma_semaphore, #tpu.memory_space<semaphore_mem>>) src(%arg9 : memref<6656xf32, #tpu.memory_space<vmem>>) dst(%dma_wait3A_242 : memref<425984000xf32, #tpu.memory_space<hbm>>)
    return
  }
}

module attributes {stable_mosaic.version = 14 : i64} {
  func.func @_zero_block(%arg0: i32, %arg1: memref<3328000xf32, #tpu.memory_space<vmem>>) attributes {dimension_semantics = [#tpu.dimension_semantics<arbitrary>], iteration_bounds = array<i64: 128>, scalar_prefetch = 0 : i64, scratch_operands = 0 : i64, tpu.core_type = #tpu.core_type<tc>, window_params = [{transform_indices = @transform_0, window_bounds = array<i64: 3328000>}]} {
    %broadcast_in_dim3A = arith.constant 0.000000e+00 : f32
    %broadcast_in_dim3A_0 = vector.broadcast %broadcast_in_dim3A : f32 to vector<3328000xf32>
    %swap3A = arith.constant 0 : index
    %swap3A_1 = vector.load %arg1[%swap3A] : memref<3328000xf32, #tpu.memory_space<vmem>>, vector<3328000xf32>
    tpu.vector_store %arg1[%swap3A], %broadcast_in_dim3A_0 {strides = array<i32>} : memref<3328000xf32, #tpu.memory_space<vmem>>, vector<3328000xf32>,
    return
  }
  func.func @transform_0(%arg0: i32) -> i32 {
    %c0_i32 = arith.constant 0 : i32
    return %arg0 : i32
  }
}

</mosaic_0001>

<sc_bundles>
// kernel: kernel.4.cloned.1.call-start
scs
__scs_entry_jumppad:
0x0: {  	(pc) =	sbr.rel $0x88, $3  }
0x1: {  	(tag) =	ssettag $0x0;
	lr =	simm.s32 $0x1  }
0x2: {  	[smem:$0x3FA0] =	sst lr;
	_ =	strace $0xD0000000  }
0x3: {  	_ = 	snop  }
0x4: {  	_ = 	snop  }
0x5: {  	_ = 	snop  }
0x6: {  	_ = 	snop  }
0x7: {  	_ = 	snop  }
__scs_overlays_trampoline_lowered:
0x8: {  	[smem:$0x3FAF] =	sst s0  }
0x9: {  	[smem:$0x3FB0] =	sst s1  }
0xa: {  	[smem:$0x3FB1] =	sst s2  }
0xb: {  	[smem:$0x3FB2] =	sst s3  }
0xc: {  	[smem:$0x3FB3] =	sst s4  }
0xd: {  	[smem:$0x3FB4] =	sst s5  }
0xe: {  	[smem:$0x3FB5] =	sst s6  }
0xf: {  	[smem:$0x3FB6] =	sst s7  }
0x10: {  	[smem:$0x3FB7] =	sst s8  }
0x11: {  	[smem:$0x3FB8] =	sst s9;
	s0 =	simm.s32 @!p0 $0x0  }
0x12: {  	s1 =	sld [smem:$0x3F9E];
	s0 =	simm.s32 @p0 $0x1  }
0x13: {  	[smem:$0x3FB9] =	sst s0;
	s0 =	simm.s32 @!p1 $0x0  }
0x14: {  	s2 =	sld [smem:$0x3F9D];
	s0 =	simm.s32 @p1 $0x1  }
0x15: {  	[smem:$0x3FBA] =	sst s0;
	s0 =	simm.s32 @!p2 $0x0  }
0x16: {  	s3 =	sld [smem:$0x3FDB];
	s0 =	simm.s32 @p2 $0x1  }
0x17: {  	s4 =	simm.s32 $0x1BF5;
	[smem:$0x3FBC] =	sst s0  }
0x18: {  	s0 =	sld [smem:$0x3F9F];
	_ =	swait.ge [sflag:s4], $0x0  }
0x19: {  	s7 =	sld [smem:$0x3FA0]  }
0x1a: {  	s8 =	sadd.s32 $0xFFFFE003, lr  }
0x1b: {  	s9 =	sadd.s32 $0xFFFFFEF7, lr;
	s5 =	simm.s32 $0xFFFFFFFF;
	p2 =	slt.u32 s8, $0xFFFFF086  }
0x1c: {  	p1 =	slt.u32 s9, $0xF7A;
	s5 =	simm.s32 @!p2 $0x0  }
0x1d: {  	s5 =	simm.s32 @p1 $0x1;
	p0 =	seq.s32 s7, s2  }
0x1e: {  	s7 =	smul.u32 @!p0 $0xF7A, s2;
	p2 =	seq.s32 @!p0 s5, $0x0  }
0x1f: {  	s9 =	smul.u32 $0xF7A, s1;
	s8 =	simm.s32 @!p0 $0x1BF5;
	p2 =	por !p2, p0  }
0x20: {  	[sflag:s8] =	ssyncset.s32 @!p0 $0xFFFFF086;
	s6 =	sadd.s32 @!p0 s3, s7;
	s7 =	simm.s32 @!p0 $0x108  }
0x21: {  	s3 =	sadd.s32 s3, s9;
	s6 =	sadd.s32 @!p0 $0x88, s6;
	s7 =	simm.s32 @p2 $0x1082  }
0x22: {  	[simem:s7], [sflag:s8] =	dma.local @!p0 [hbm:s6], $0xF7A  }
0x23: {  	s9 =	sor.u32 $0xD0000000, s2;
	s6 =	simm.s32 $0x108;
	_ =	swait.ge @!p0 [sflag:s8], $0x0  }
0x24: {  	s3 =	sadd.s32 $0x88, s3;
	s6 =	simm.s32 @!p1 $0x1082;
	[sflag:s4] =	ssyncset.s32 $0xFFFFF086  }
0x25: {  	[simem:s6], [sflag:s4] =	dma.local [hbm:s3], $0xF7A  }
0x26: {  	[smem:$0x3FA0] =	sst s1;
	(tag) =	ssettag s2;
	_ =	strace s9  }
0x27: {  	s1 =	sld [smem:$0x3FB0]  }
0x28: {  	s2 =	sld [smem:$0x3FB1]  }
0x29: {  	s4 =	sld [smem:$0x3FB3]  }
0x2a: {  	p0 =	seq.s32 s5, $0x0;
	s5 =	sld [smem:$0x3FB4]  }
0x2b: {  	s6 =	sld [smem:$0x3FB5]  }
0x2c: {  	s7 =	sld [smem:$0x3FB6]  }
0x2d: {  	s3 =	simm.s32 $0x108;
	s8 =	sld [smem:$0x3FB7]  }
0x2e: {  	s3 =	simm.s32 @!p0 $0x1082;
	s9 =	sld [smem:$0x3FB8]  }
0x2f: {  	lr =	sadd.s32 s0, s3;
	s0 =	sld [smem:$0x3FAF]  }
0x30: {  	s3 =	sld [smem:$0x3FB2]  }
0x31: {  	[smem:$0x3FBB] =	sst s10  }
0x32: {  	s10 =	sld [smem:$0x3FB9];
	_ =	sdelay $0x3  }
0x33: {  	p0 =	seq.s32 s10, $0x1;
	s10 =	sld [smem:$0x3FBB];
	_ =	sdelay $0x3  }
0x34: {  	[smem:$0x3FBB] =	sst s10  }
0x35: {  	s10 =	sld [smem:$0x3FBA];
	_ =	sdelay $0x3  }
0x36: {  	p1 =	seq.s32 s10, $0x1;
	s10 =	sld [smem:$0x3FBB];
	_ =	sdelay $0x3  }
0x37: {  	[smem:$0x3FBB] =	sst s10  }
0x38: {  	s10 =	sld [smem:$0x3FBC]  }
0x39: {  	_ = 	snop;
	(pc) =	sbr.ind lr, $3  }
0x3a: {  	_ = 	snop  }
0x3b: {  	_ = 	snop  }
0x3c: {  	p2 =	seq.s32 s10, $0x1;
	s10 =	sld [smem:$0x3FBB]  }
0x3d: {  	_ =	shalt  }
0x3e: {  	_ =	shalt  }
0x3f: {  	_ =	shalt  }
0x40: {  	_ =	shalt  }
0x41: {  	_ =	shalt  }
0x42: {  	_ =	shalt  }
0x43: {  	_ =	shalt  }
0x44: {  	_ =	shalt  }
0x45: {  	_ =	shalt  }
0x46: {  	_ =	shalt  }
0x47: {  	_ =	shalt  }
0x48: {  	_ =	shalt  }
0x49: {  	_ =	shalt  }
0x4a: {  	_ =	shalt  }
0x4b: {  	_ =	shalt  }
0x4c: {  	_ =	shalt  }
0x4d: {  	_ =	shalt  }
0x4e: {  	_ =	shalt  }
0x4f: {  	_ =	shalt  }
0x50: {  	_ =	shalt  }
0x51: {  	_ =	shalt  }
0x52: {  	_ =	shalt  }
0x53: {  	_ =	shalt  }
0x54: {  	_ =	shalt  }
0x55: {  	_ =	shalt  }
0x56: {  	_ =	shalt  }
0x57: {  	_ =	shalt  }
0x58: {  	_ =	shalt  }
0x59: {  	_ =	shalt  }
0x5a: {  	_ =	shalt  }
0x5b: {  	_ =	shalt  }
0x5c: {  	_ =	shalt  }
0x5d: {  	_ =	shalt  }
0x5e: {  	_ =	shalt  }
0x5f: {  	_ =	shalt  }
0x60: {  	_ =	shalt  }
0x61: {  	_ =	shalt  }
0x62: {  	_ =	shalt  }
0x63: {  	_ =	shalt  }
0x64: {  	_ =	shalt  }
0x65: {  	_ =	shalt  }
0x66: {  	_ =	shalt  }
0x67: {  	_ =	shalt  }
0x68: {  	_ =	shalt  }
0x69: {  	_ =	shalt  }
0x6a: {  	_ =	shalt  }
0x6b: {  	_ =	shalt  }
0x6c: {  	_ =	shalt  }
0x6d: {  	_ =	shalt  }
0x6e: {  	_ =	shalt  }
0x6f: {  	_ =	shalt  }
0x70: {  	_ =	shalt  }
0x71: {  	_ =	shalt  }
0x72: {  	_ =	shalt  }
0x73: {  	_ =	shalt  }
0x74: {  	_ =	shalt  }
0x75: {  	_ =	shalt  }
0x76: {  	_ =	shalt  }
0x77: {  	_ =	shalt  }
0x78: {  	_ =	shalt  }
0x79: {  	_ =	shalt  }
0x7a: {  	_ =	shalt  }
0x7b: {  	_ =	shalt  }
0x7c: {  	_ =	shalt  }
0x7d: {  	_ =	shalt  }
0x7e: {  	_ =	shalt  }
0x7f: {  	_ =	shalt  }
0x80: {  	_ =	shalt  }
0x81: {  	_ =	shalt  }
0x82: {  	_ =	shalt  }
0x83: {  	_ =	shalt  }
0x84: {  	_ =	shalt  }
0x85: {  	_ =	shalt  }
0x86: {  	_ =	shalt  }
0x87: {  	_ =	shalt  }
.Lfunc_end0:
.L_simem_size_0:
called_computation_lowered:
.L_overlay_start_0:
0x88: {  	s2 =	sld [smem:$0x3FD9]  }
0x89: {  	s3 =	sld [smem:$0x3FFE];
	_ =	sdelay $0x1  }
0x8a: {  	s1 =	srdreg.scid  }
0x8b: {  	s0 =	sand.u32 $0x1, s1  }
0x8c: {  	s17 =	sshll.u32 s0, $0xA;
	s2 =	sadd.s32 s3, s2  }
0x8d: {  	s2 =	sadd.s32 s2, s17  }
0x8e: {  	[smem:$0x3FC7] =	sst s2  }
0x8f: {  	_ = 	snop  }
0x90: {  	s2 =	sld [smem:$0x3FD0];
	(tm) =	ssettm $0x1  }
0x91: {  	s18 =	sld [smem:$0x3FFB];
	_ =	sdelay $0x3  }
0x92: {  	_ =	strace s18  }
0x93: {  	s3 =	sld [smem:$0x3FFC];
	_ =	sdelay $0x3  }
0x94: {  	_ =	strace s3  }
0x95: {  	s3 =	sld [smem:$0x3FFD];
	_ =	sdelay $0x3  }
0x96: {  	_ =	strace s3  }
0x97: {  	_ =	strace $0x8FFFFFFF  }
0x98: {  	s19 =	sld [smem:$0x3FDB];
	_ =	sdelay $0x1  }
0x99: {  	s4 =	simm.s32 $_scs_section_size  }
0x9a: {  	s5 =	simm.s32 $_size__tile_overlayer_lowered;
	s6 =	simm.s32 $_tile_overlayer_lowered  }
0x9b: {  	s22 =	simm.s32 $0x1BFF;
	s21 =	sshll.u32 s6, $0x1;
	s3 =	sadd.s32 s4, s19  }
0x9c: {  	s7 =	simm.s32 $0x0;
	s20 =	sshll.u32 s5, $0x1;
	s5 =	sadd.s32 s21, s3  }
0x9d: {  	[timem:s7], [sflag:s22] =	dma.local [hbm:s5], s20  }
0x9e: {  	_ =	swait.ge [sflag:s22], s20  }
0x9f: {  	s4 =	ssub.s32 $0x0, s20;
	[sflag:s22] =	ssyncset.done $0x0  }
0xa0: {  	[sflag:s22] =	ssyncadd.s32 s4;
	_ =	sdelay $0x1  }
0xa1: {  	s23 =	simm.s32 $0x1B8B  }
0xa2: {  	_ =	swait.ge [sflag:s23], $0x1  }
0xa3: {  	[sflag:s23] =	ssyncset.done $0x0  }
0xa4: {  	s25 =	simm.s32 $0x1B8E;
	s24 =	sld [smem:$0x3FFE];
	[sflag:s23] =	ssyncadd.s32 $0xFFFFFFFF  }
0xa5: {  	s26 =	simm.s32 $execute0_lowered;
	[smem:$0x3FD2] =	sst s25  }
0xa6: {  	s5 =	sshll.u32 s26, $0x1;
	_ =	strace $0x80000046;
	[dreg:$0x1] =	wrdreg $0xFFFFFFFF  }
0xa7: {  	s28 =	simm.s32 $_size_execute0_lowered;
	s3 =	sadd.s32 s3, s5;
	[dreg:$0x0] =	wrdreg $0x0  }
0xa8: {  	s5 =	sshll.u32 s28, $0x1;
	[dreg:$0x2] =	wrdreg s3  }
0xa9: {  	[dreg:$0x3] =	wrdreg s5  }
0xaa: {  	[dreg:$0x4] =	wrdreg $0xC0  }
0xab: {  	_ =	task [dreg:s7], $0x5FFFF  }
0xac: {  	[dreg:$0x1] =	wrdreg $0xFFFFFFFF  }
0xad: {  	[dreg:$0x0] =	wrdreg $0x60  }
0xae: {  	[dreg:$0x2] =	wrdreg s24  }
0xaf: {  	[dreg:$0x3] =	wrdreg s2  }
0xb0: {  	[dreg:$0x4] =	wrdreg $0x9  }
0xb1: {  	_ =	task.clear_ibuf [dreg:s7], $0x5FFFF;
	_ =	strace $0x90000046  }
0xb2: {  	s29 =	simm.s32 $0x9;
	_ =	strace $0x80000048  }
0xb3: {  	_ =	swait.ge [sflag:s29], $0x1  }
0xb4: {  	[sflag:s29] =	ssyncadd.s32 $0xFFFFFFFF  }
0xb5: {  	_ =	strace $0x90000048  }
0xb6: {  	_ =	sfence  }
0xb7: {  	s30 =	sld [smem:$0x0];
	_ =	sdelay $0x2  }
0xb8: {  	s31 =	sshll.u32 s1, $0xD;
	s1 =	sshrl.u32 s1, $0x2  }
0xb9: {  	s3 =	sand.u32 $0x4000, s31;
	s1 =	sadd.s32 s1, s30  }
0xba: {  	s0 =	sor.u32 s3, s0;
	s1 =	sshll.u32 s1, $0x11  }
0xbb: {  	s0 =	sor.u32 s1, s0  }
0xbc: {  	s0 =	sadd.s32 $0x8F2B, s0  }
0xbd: {  	[sflag:s0] =	ssyncadd.remote.s32 $0x1  }
0xbe: {  	_ =	sfence.sel $0xFFFF  }
0xbf: {  	[dreg:$0x0] =	wrdreg $0xFFFFFFFF;
	(pc) =	sbr.abs _section_cstart, $3  }
0xc0: {  	[dreg:$0x1] =	wrdreg $0xFFFFFFFF  }
0xc1: {  	_ =	task.clear_ibuf [dreg:s7], $0x2FFFF;
	_ =	strace $0x9FFFFFFF  }
0xc2: {  	(tm) =	ssettm $0x7FFFFFFF  }
0xc3: {  	_ =	shalt  }
tec
execute0_lowered:
.L_overlay_start_1:
0x0: {  	(tag) =	ssettag $0x1  }
0x1: {  	s1 =	srdreg.scid  }
0x2: {  	s2 =	stileid.u32;
	s1 =	sand.u32 $0x1, s1  }
0x3: {  	s2 =	sshll.u32 s2, $0xA;
	s4 =	sshll.u32 s1, $0x9  }
0x4: {  	s4 =	sor.u32 s4, s2  }
0x5: {  	s0 =	rddreg [dreg:$0x0];
	s2 =	sshrl.u32 s4, $0x3  }
0x6: {  	s3 =	simm.s32 $0x0;
	s0 =	sadd.s32 s2, s0  }
0x7: {  	s6 =	simm.s32 $0x2;
	[smem:$0x7FF] =	sst s3;
	s2 =	sadd.s32 $0x600, s0  }
0x8: {  	_ =	strace $0x80000047;
	s17 =	sadd.s32 $0xE00, s0;
	[dreg:$0x3] =	wrdreg s2  }
0x9: {  	s7 =	simm.s32 $0x0;
	s18 =	sadd.s32 $0x1600, s0;
	[dreg:$0x4] =	wrdreg s17  }
0xa: {  	s1 =	ssub.s32 $0x2, s1;
	s19 =	sadd.s32 $0x1E00, s0;
	[dreg:$0x5] =	wrdreg s18  }
0xb: {  	s5 =	sshrl.u32 s1, $0x1;
	s20 =	sadd.s32 $0x2600, s0;
	[dreg:$0x6] =	wrdreg s19  }
0xc: {  	s1 =	ssub.s32 s1, s5;
	s21 =	sadd.s32 $0x2E00, s0;
	[dreg:$0x7] =	wrdreg s20  }
0xd: {  	s5 =	simm.s32 $0x1;
	s22 =	sadd.s32 $0x3600, s0;
	[dreg:$0x8] =	wrdreg s21  }
0xe: {  	s23 =	sadd.s32 $0x3E00, s0;
	s24 =	sadd.s32 $0x4600, s0;
	[dreg:$0x9] =	wrdreg s22  }
0xf: {  	s25 =	sadd.s32 $0x4E00, s0;
	s26 =	sadd.s32 $0x5600, s0;
	[dreg:$0xa] =	wrdreg s23  }
0x10: {  	s16 =	sadd.s32 $0x5E00, s0;
	s28 =	sadd.s32 $0xB600, s0;
	[dreg:$0xb] =	wrdreg s24  }
0x11: {  	s29 =	sadd.s32 $0xBE00, s0;
	s30 =	sadd.s32 $0xC600, s0;
	[dreg:$0xc] =	wrdreg s25  }
0x12: {  	s31 =	sadd.s32 $0xCE00, s0;
	[dreg:$0xd] =	wrdreg s26;
	s17 =	sadd.s32 $0x6600, s0  }
0x13: {  	s18 =	sadd.s32 $0x6E00, s0;
	s19 =	sadd.s32 $0x7600, s0;
	s20 =	sadd.s32 $0x7E00, s0  }
0x14: {  	s21 =	sadd.s32 $0x8600, s0;
	s22 =	sadd.s32 $0x8E00, s0;
	s23 =	sadd.s32 $0x9600, s0  }
0x15: {  	s24 =	sadd.s32 $0x9E00, s0;
	s25 =	sadd.s32 $0xA600, s0;
	s26 =	sadd.s32 $0xAE00, s0  }
0x16: {  	v0 =	vlaneseq.u32;
	v1 =	vimm.f32 $1.000000000e+00;
	s0 =	smax.u32 s1, $0x1;
	s1 =	simm.s32 $0x3;
	s2 =	simm.s32 $0x1A00  }
.LBB2_1:
0x17: {  	s8 =	rddreg [dreg:$0x3]  }
0x18: {  	[tilespmem:s3], [sflag:$0x3] =	stream.linear.gather [hbm4b:s8+s3], $0x200, $0x38;
	[tilespmem:$0x9C00] =	vst v63  }
0x19: {  	_ =	swait.ge [sflag:s1], $0x200  }
0x1a: {  	[sflag:s1] =	ssyncset.done $0x0  }
0x1b: {  	s9 =	simm.s32 $0x200;
	s15 =	rddreg [dreg:$0x4];
	[sflag:s1] =	ssyncadd.s32 $0xFFFFFE00  }
0x1c: {  	[tilespmem:s9], [sflag:$0x3] =	stream.linear.gather [hbm4b:s15+s3], $0x200, $0x38;
	[tilespmem:$0x9C00] =	vst v63  }
0x1d: {  	_ =	swait.ge [sflag:s1], $0x200  }
0x1e: {  	[sflag:s1] =	ssyncset.done $0x0  }
0x1f: {  	s11 =	simm.s32 $0x400;
	s10 =	rddreg [dreg:$0x5];
	[sflag:s1] =	ssyncadd.s32 $0xFFFFFE00  }
0x20: {  	[tilespmem:s11], [sflag:$0x3] =	stream.linear.gather [hbm4b:s10+s3], $0x200, $0x38;
	[tilespmem:$0x9C00] =	vst v63  }
0x21: {  	_ =	swait.ge [sflag:s1], $0x200  }
0x22: {  	[sflag:s1] =	ssyncset.done $0x0  }
0x23: {  	s13 =	simm.s32 $0x600;
	s12 =	rddreg [dreg:$0x6];
	[sflag:s1] =	ssyncadd.s32 $0xFFFFFE00  }
0x24: {  	[tilespmem:s13], [sflag:$0x3] =	stream.linear.gather [hbm4b:s12+s3], $0x200, $0x38;
	[tilespmem:$0x9C00] =	vst v63  }
0x25: {  	_ =	swait.ge [sflag:s1], $0x200  }
0x26: {  	[sflag:s1] =	ssyncset.done $0x0  }
0x27: {  	s15 =	simm.s32 $0x800;
	s14 =	rddreg [dreg:$0x7];
	[sflag:s1] =	ssyncadd.s32 $0xFFFFFE00  }
0x28: {  	[tilespmem:s15], [sflag:$0x3] =	stream.linear.gather [hbm4b:s14+s3], $0x200, $0x38;
	[tilespmem:$0x9C00] =	vst v63  }
0x29: {  	_ =	swait.ge [sflag:s1], $0x200  }
0x2a: {  	[sflag:s1] =	ssyncset.done $0x0  }
0x2b: {  	s11 =	simm.s32 $0xA00;
	s10 =	rddreg [dreg:$0x8];
	[sflag:s1] =	ssyncadd.s32 $0xFFFFFE00  }
0x2c: {  	[tilespmem:s11], [sflag:$0x3] =	stream.linear.gather [hbm4b:s10+s3], $0x200, $0x38;
	[tilespmem:$0x9C00] =	vst v63  }
0x2d: {  	_ =	swait.ge [sflag:s1], $0x200  }
0x2e: {  	[sflag:s1] =	ssyncset.done $0x0  }
0x2f: {  	s13 =	simm.s32 $0xC00;
	s12 =	rddreg [dreg:$0x9];
	[sflag:s1] =	ssyncadd.s32 $0xFFFFFE00  }
0x30: {  	[tilespmem:s13], [sflag:$0x3] =	stream.linear.gather [hbm4b:s12+s3], $0x200, $0x38;
	[tilespmem:$0x9C00] =	vst v63  }
0x31: {  	_ =	swait.ge [sflag:s1], $0x200  }
0x32: {  	[sflag:s1] =	ssyncset.done $0x0  }
0x33: {  	s15 =	simm.s32 $0xE00;
	s14 =	rddreg [dreg:$0xa];
	[sflag:s1] =	ssyncadd.s32 $0xFFFFFE00  }
0x34: {  	[tilespmem:s15], [sflag:$0x3] =	stream.linear.gather [hbm4b:s14+s3], $0x200, $0x38;
	[tilespmem:$0x9C00] =	vst v63  }
0x35: {  	_ =	swait.ge [sflag:s1], $0x200  }
0x36: {  	[sflag:s1] =	ssyncset.done $0x0  }
0x37: {  	s11 =	simm.s32 $0x1000;
	s10 =	rddreg [dreg:$0xb];
	[sflag:s1] =	ssyncadd.s32 $0xFFFFFE00  }
0x38: {  	[tilespmem:s11], [sflag:$0x3] =	stream.linear.gather [hbm4b:s10+s3], $0x200, $0x38;
	[tilespmem:$0x9C00] =	vst v63  }
0x39: {  	_ =	swait.ge [sflag:s1], $0x200  }
0x3a: {  	[sflag:s1] =	ssyncset.done $0x0  }
0x3b: {  	s13 =	simm.s32 $0x1200;
	s12 =	rddreg [dreg:$0xc];
	[sflag:s1] =	ssyncadd.s32 $0xFFFFFE00  }
0x3c: {  	[tilespmem:s13], [sflag:$0x3] =	stream.linear.gather [hbm4b:s12+s3], $0x200, $0x38;
	[tilespmem:$0x9C00] =	vst v63  }
0x3d: {  	_ =	swait.ge [sflag:s1], $0x200  }
0x3e: {  	[sflag:s1] =	ssyncset.done $0x0  }
0x3f: {  	s15 =	simm.s32 $0x1400;
	s14 =	rddreg [dreg:$0xd];
	[sflag:s1] =	ssyncadd.s32 $0xFFFFFE00  }
0x40: {  	[tilespmem:s15], [sflag:$0x3] =	stream.linear.gather [hbm4b:s14+s3], $0x200, $0x38;
	[tilespmem:$0x9C00] =	vst v63  }
0x41: {  	_ =	swait.ge [sflag:s1], $0x200  }
0x42: {  	[sflag:s1] =	ssyncset.done $0x0  }
0x43: {  	s9 =	simm.s32 $0x1600;
	[sflag:s1] =	ssyncadd.s32 $0xFFFFFE00  }
0x44: {  	[tilespmem:s9], [sflag:$0x3] =	stream.linear.gather [hbm4b:s16+s3], $0x200, $0x38;
	[tilespmem:$0x9C00] =	vst v63  }
0x45: {  	_ =	swait.ge [sflag:s1], $0x200  }
0x46: {  	[sflag:s1] =	ssyncset.done $0x0  }
0x47: {  	s10 =	simm.s32 $0x1800;
	[sflag:s1] =	ssyncadd.s32 $0xFFFFFE00  }
0x48: {  	[tilespmem:s10], [sflag:$0x3] =	stream.linear.gather [hbm4b:s17+s3], $0x200, $0x38;
	[tilespmem:$0x9C00] =	vst v63  }
0x49: {  	_ =	swait.ge [sflag:s1], $0x200  }
0x4a: {  	[sflag:s1] =	ssyncset.done $0x0  }
0x4b: {  	[sflag:s1] =	ssyncadd.s32 $0xFFFFFE00  }
0x4c: {  	[tilespmem:s2], [sflag:$0x3] =	stream.linear.gather [hbm4b:s18+s3], $0x200, $0x38;
	[tilespmem:$0x9C00] =	vst v63  }
0x4d: {  	_ =	swait.ge [sflag:s1], $0x200  }
0x4e: {  	[sflag:s1] =	ssyncset.done $0x0  }
0x4f: {  	s11 =	simm.s32 $0x1C00;
	[sflag:s1] =	ssyncadd.s32 $0xFFFFFE00  }
0x50: {  	[tilespmem:s11], [sflag:$0x3] =	stream.linear.gather [hbm4b:s19+s3], $0x200, $0x38;
	[tilespmem:$0x9C00] =	vst v63  }
0x51: {  	_ =	swait.ge [sflag:s1], $0x200  }
0x52: {  	[sflag:s1] =	ssyncset.done $0x0  }
0x53: {  	s12 =	simm.s32 $0x1E00;
	[sflag:s1] =	ssyncadd.s32 $0xFFFFFE00  }
0x54: {  	[tilespmem:s12], [sflag:$0x3] =	stream.linear.gather [hbm4b:s20+s3], $0x200, $0x38;
	[tilespmem:$0x9C00] =	vst v63  }
0x55: {  	_ =	swait.ge [sflag:s1], $0x200  }
0x56: {  	[sflag:s1] =	ssyncset.done $0x0  }
0x57: {  	s13 =	simm.s32 $0x2000;
	[sflag:s1] =	ssyncadd.s32 $0xFFFFFE00  }
0x58: {  	[tilespmem:s13], [sflag:$0x3] =	stream.linear.gather [hbm4b:s21+s3], $0x200, $0x38;
	[tilespmem:$0x9C00] =	vst v63  }
0x59: {  	_ =	swait.ge [sflag:s1], $0x200  }
0x5a: {  	[sflag:s1] =	ssyncset.done $0x0  }
0x5b: {  	s14 =	simm.s32 $0x2200;
	[sflag:s1] =	ssyncadd.s32 $0xFFFFFE00  }
0x5c: {  	[tilespmem:s14], [sflag:$0x3] =	stream.linear.gather [hbm4b:s22+s3], $0x200, $0x38;
	[tilespmem:$0x9C00] =	vst v63  }
0x5d: {  	_ =	swait.ge [sflag:s1], $0x200  }
0x5e: {  	[sflag:s1] =	ssyncset.done $0x0  }
0x5f: {  	s15 =	simm.s32 $0x2400;
	[sflag:s1] =	ssyncadd.s32 $0xFFFFFE00  }
0x60: {  	[tilespmem:s15], [sflag:$0x3] =	stream.linear.gather [hbm4b:s23+s3], $0x200, $0x38;
	[tilespmem:$0x9C00] =	vst v63  }
0x61: {  	_ =	swait.ge [sflag:s1], $0x200  }
0x62: {  	[sflag:s1] =	ssyncset.done $0x0  }
0x63: {  	s9 =	simm.s32 $0x2600;
	[sflag:s1] =	ssyncadd.s32 $0xFFFFFE00  }
0x64: {  	[tilespmem:s9], [sflag:$0x3] =	stream.linear.gather [hbm4b:s24+s3], $0x200, $0x38;
	[tilespmem:$0x9C00] =	vst v63  }
0x65: {  	_ =	swait.ge [sflag:s1], $0x200  }
0x66: {  	[sflag:s1] =	ssyncset.done $0x0  }
0x67: {  	s10 =	simm.s32 $0x2800;
	[sflag:s1] =	ssyncadd.s32 $0xFFFFFE00  }
0x68: {  	[tilespmem:s10], [sflag:$0x3] =	stream.linear.gather [hbm4b:s25+s3], $0x200, $0x38;
	[tilespmem:$0x9C00] =	vst v63  }
0x69: {  	_ =	swait.ge [sflag:s1], $0x200  }
0x6a: {  	[sflag:s1] =	ssyncset.done $0x0  }
0x6b: {  	s11 =	simm.s32 $0x2A00;
	[sflag:s1] =	ssyncadd.s32 $0xFFFFFE00  }
0x6c: {  	[tilespmem:s11], [sflag:$0x3] =	stream.linear.gather [hbm4b:s26+s3], $0x200, $0x38;
	[tilespmem:$0x9C00] =	vst v63  }
0x6d: {  	_ =	swait.ge [sflag:s1], $0x200  }
0x6e: {  	[sflag:s1] =	ssyncset.done $0x0  }
0x6f: {  	s12 =	simm.s32 $0x2C00;
	[sflag:s1] =	ssyncadd.s32 $0xFFFFFE00  }
0x70: {  	[tilespmem:s12], [sflag:$0x3] =	stream.linear.gather [hbm4b:s28+s3], $0x200, $0x38;
	[tilespmem:$0x9C00] =	vst v63  }
0x71: {  	_ =	swait.ge [sflag:s1], $0x200  }
0x72: {  	[sflag:s1] =	ssyncset.done $0x0  }
0x73: {  	s13 =	simm.s32 $0x2E00;
	[sflag:s1] =	ssyncadd.s32 $0xFFFFFE00  }
0x74: {  	[tilespmem:s13], [sflag:$0x3] =	stream.linear.gather [hbm4b:s29+s3], $0x200, $0x38;
	[tilespmem:$0x9C00] =	vst v63  }
0x75: {  	_ =	swait.ge [sflag:s1], $0x200  }
0x76: {  	[sflag:s1] =	ssyncset.done $0x0  }
0x77: {  	s14 =	simm.s32 $0x3000;
	[sflag:s1] =	ssyncadd.s32 $0xFFFFFE00  }
0x78: {  	[tilespmem:s14], [sflag:$0x3] =	stream.linear.gather [hbm4b:s30+s3], $0x200, $0x38;
	[tilespmem:$0x9C00] =	vst v63  }
0x79: {  	_ =	swait.ge [sflag:s1], $0x200  }
0x7a: {  	[sflag:s1] =	ssyncset.done $0x0  }
0x7b: {  	s15 =	simm.s32 $0x3200;
	[sflag:s1] =	ssyncadd.s32 $0xFFFFFE00  }
0x7c: {  	[tilespmem:s15], [sflag:$0x3] =	stream.linear.gather [hbm4b:s31+s3], $0x200, $0x38;
	[tilespmem:$0x9C00] =	vst v63  }
0x7d: {  	_ =	swait.ge [sflag:s1], $0x200  }
0x7e: {  	[sflag:s1] =	ssyncset.done $0x0  }
0x7f: {  	s8 =	simm.s32 $0x0;
	[sflag:s1] =	ssyncadd.s32 $0xFFFFFE00  }
0x80: {  	v2 =	vld [tilespmem:s8+$0x0];
	_ =	sdelay $0x3  }
0x81: {  	v3 =	vmov s4;
	s9 =	smov.u32 s4;
	s10 =	simm.s32 $0x40;
	[tilespmem:s8+$0x4E00] =	vst v1  }
.LBB2_2:
0x82: {  	s11 =	sshra.s32 s10, $0x2;
	p0 =	sne.s32 s10, $0x7C0;
	s10 =	sadd.s32 $0x40, s10;
	v4 =	vshll.u32 v2, $0xE;
	v3 =	vshll.u32 v3, $0x3  }
.Ltmp0:
0x83: {  	v5 =	vshll.u32 v2, $0x7;
	[tilespmem:s11+$0x4E00] =	vst v1;
	v4 =	vand.u32 $0xFFFE0000, v4;
	v3 =	vand.u32 $0x7FFFFC00, v3;
	v2 =	vld [tilespmem:s11+$0x0];
	(pc) =	sbr.rel @p0 .LBB2_2-.Ltmp0, $4  }
0x84: {  	v6 =	vor.u32 s9, v0;
	v3 =	vadd.s32 v3, v4;
	v4 =	vand.u32 $0x380, v5  }
0x85: {  	v3 =	vor.u32 v4, v3;
	v4 =	vand.u32 $0x7F, v6  }
0x86: {  	s9 =	sadd.s32 $0x10, s9;
	v4 =	vor.u32 v4, v3  }
0x87: {  	v3 =	vmov s9;
	[tilespmem:s8+$0x3400] =	vst v4;
	s8 =	smov.u32 s11  }
0x88: {  	v4 =	vshll.u32 v2, $0xE;
	v3 =	vshll.u32 v3, $0x3  }
0x89: {  	v2 =	vshll.u32 v2, $0x7;
	v4 =	vand.u32 $0xFFFE0000, v4;
	v3 =	vand.u32 $0x7FFFFC00, v3  }
0x8a: {  	v5 =	vor.u32 s9, v0;
	v2 =	vand.u32 $0x380, v2;
	v3 =	vadd.s32 v3, v4  }
0x8b: {  	v2 =	vor.u32 v2, v3;
	v3 =	vand.u32 $0x7F, v5  }
0x8c: {  	v2 =	vor.u32 v3, v2  }
0x8d: {  	[tilespmem:s8+$0x3400] =	vst v2;
	s8 =	simm.s32 $0x0  }
0x8e: {  	v3 =	vld [tilespmem:s8+$0x200];
	_ =	sdelay $0x2  }
0x8f: {  	v2 =	vmov s4  }
0x90: {  	s10 =	simm.s32 $0x40;
	s11 =	smov.u32 s4;
	s9 =	simm.s32 $0x0;
	v4 =	vor.u32 s4, v0;
	[tilespmem:s8+$0x5000] =	vst v1;
	v5 =	vshll.u32 v2, $0x3  }
.LBB2_4:
0x91: {  	s12 =	sshra.s32 s10, $0x2;
	p0 =	sne.s32 s10, $0x7C0;
	s10 =	sadd.s32 $0x40, s10;
	v6 =	vshll.u32 v3, $0xE;
	v5 =	vand.u32 $0x7FFFFC00, v5;
	v4 =	vand.u32 $0x7F, v4  }
.Ltmp1:
0x92: {  	[tilespmem:s12+$0x5000] =	vst v1;
	v6 =	vand.u32 $0xFFFE0000, v6;
	v4 =	vor.u32 v4, v5;
	v5 =	vshll.u32 v3, $0x7;
	v3 =	vld [tilespmem:s12+$0x200];
	(pc) =	sbr.rel @p0 .LBB2_4-.Ltmp1, $4  }
0x93: {  	v5 =	vand.u32 $0x380, v5;
	v4 =	vadd.s32 v6, v4  }
0x94: {  	s11 =	sadd.s32 $0x10, s11;
	v4 =	vor.u32 v5, v4  }
0x95: {  	v5 =	vmov s11;
	v6 =	vadd.s32 $0xFA0000, v4  }
0x96: {  	v4 =	vor.u32 s11, v0;
	v5 =	vshll.u32 v5, $0x3;
	[tilespmem:s9+$0x3600] =	vst v6;
	s9 =	smov.u32 s12  }
0x97: {  	v6 =	vshll.u32 v3, $0xE;
	v5 =	vand.u32 $0x7FFFFC00, v5;
	v4 =	vand.u32 $0x7F, v4  }
0x98: {  	v3 =	vshll.u32 v3, $0x7;
	v6 =	vand.u32 $0xFFFE0000, v6;
	v4 =	vor.u32 v4, v5  }
0x99: {  	v3 =	vand.u32 $0x380, v3;
	v4 =	vadd.s32 v6, v4  }
0x9a: {  	v3 =	vor.u32 v3, v4  }
0x9b: {  	v3 =	vadd.s32 $0xFA0000, v3  }
0x9c: {  	[tilespmem:s9+$0x3600] =	vst v3  }
0x9d: {  	v3 =	vld [tilespmem:s8+$0x400];
	_ =	sdelay $0x3  }
0x9e: {  	s10 =	smov.u32 s4;
	v5 =	vshll.u32 v2, $0x3;
	v4 =	vor.u32 s4, v0;
	s9 =	simm.s32 $0x40;
	[tilespmem:s8+$0x5200] =	vst v1  }
.LBB2_6:
0x9f: {  	s11 =	sshra.s32 s9, $0x2;
	p0 =	sne.s32 s9, $0x7C0;
	s9 =	sadd.s32 $0x40, s9;
	v6 =	vshll.u32 v3, $0xE;
	v5 =	vand.u32 $0x7FFFFC00, v5;
	v4 =	vand.u32 $0x7F, v4  }
.Ltmp2:
0xa0: {  	[tilespmem:s11+$0x5200] =	vst v1;
	v6 =	vand.u32 $0xFFFE0000, v6;
	v4 =	vor.u32 v4, v5;
	v5 =	vshll.u32 v3, $0x7;
	v3 =	vld [tilespmem:s11+$0x400];
	(pc) =	sbr.rel @p0 .LBB2_6-.Ltmp2, $4  }
0xa1: {  	v5 =	vand.u32 $0x380, v5;
	v4 =	vadd.s32 v6, v4  }
0xa2: {  	s10 =	sadd.s32 $0x10, s10;
	v4 =	vor.u32 v5, v4  }
0xa3: {  	v5 =	vmov s10;
	v6 =	vadd.s32 $0x1F40000, v4  }
0xa4: {  	v4 =	vor.u32 s10, v0;
	v5 =	vshll.u32 v5, $0x3;
	[tilespmem:s8+$0x3800] =	vst v6;
	s8 =	smov.u32 s11  }
0xa5: {  	v6 =	vshll.u32 v3, $0xE;
	v5 =	vand.u32 $0x7FFFFC00, v5;
	v4 =	vand.u32 $0x7F, v4  }
0xa6: {  	v3 =	vshll.u32 v3, $0x7;
	v6 =	vand.u32 $0xFFFE0000, v6;
	v4 =	vor.u32 v4, v5  }
0xa7: {  	v3 =	vand.u32 $0x380, v3;
	v4 =	vadd.s32 v6, v4  }
0xa8: {  	v3 =	vor.u32 v3, v4  }
0xa9: {  	v3 =	vadd.s32 $0x1F40000, v3  }
0xaa: {  	[tilespmem:s8+$0x3800] =	vst v3;
	s8 =	simm.s32 $0x0  }
0xab: {  	v3 =	vld [tilespmem:s8+$0x600];
	_ =	sdelay $0x3  }
0xac: {  	s10 =	simm.s32 $0x40;
	s11 =	smov.u32 s4;
	s9 =	simm.s32 $0x0;
	v5 =	vshll.u32 v2, $0x3;
	v4 =	vor.u32 s4, v0;
	[tilespmem:s8+$0x5400] =	vst v1  }
.LBB2_8:
0xad: {  	s12 =	sshra.s32 s10, $0x2;
	p0 =	sne.s32 s10, $0x7C0;
	s10 =	sadd.s32 $0x40, s10;
	v6 =	vshll.u32 v3, $0xE;
	v5 =	vand.u32 $0x7FFFFC00, v5;
	v4 =	vand.u32 $0x7F, v4  }
.Ltmp3:
0xae: {  	[tilespmem:s12+$0x5400] =	vst v1;
	v6 =	vand.u32 $0xFFFE0000, v6;
	v4 =	vor.u32 v4, v5;
	v5 =	vshll.u32 v3, $0x7;
	v3 =	vld [tilespmem:s12+$0x600];
	(pc) =	sbr.rel @p0 .LBB2_8-.Ltmp3, $4  }
0xaf: {  	v5 =	vand.u32 $0x380, v5;
	v4 =	vadd.s32 v6, v4  }
0xb0: {  	s11 =	sadd.s32 $0x10, s11;
	v4 =	vor.u32 v5, v4  }
0xb1: {  	v5 =	vmov s11;
	v6 =	vadd.s32 $0x2EE0000, v4  }
0xb2: {  	v4 =	vor.u32 s11, v0;
	v5 =	vshll.u32 v5, $0x3;
	[tilespmem:s9+$0x3A00] =	vst v6;
	s9 =	smov.u32 s12  }
0xb3: {  	v6 =	vshll.u32 v3, $0xE;
	v5 =	vand.u32 $0x7FFFFC00, v5;
	v4 =	vand.u32 $0x7F, v4  }
0xb4: {  	v3 =	vshll.u32 v3, $0x7;
	v6 =	vand.u32 $0xFFFE0000, v6;
	v4 =	vor.u32 v4, v5  }
0xb5: {  	v3 =	vand.u32 $0x380, v3;
	v4 =	vadd.s32 v6, v4  }
0xb6: {  	v3 =	vor.u32 v3, v4  }
0xb7: {  	v3 =	vadd.s32 $0x2EE0000, v3  }
0xb8: {  	[tilespmem:s9+$0x3A00] =	vst v3  }
0xb9: {  	v3 =	vld [tilespmem:s8+$0x800];
	_ =	sdelay $0x3  }
0xba: {  	s10 =	smov.u32 s4;
	v5 =	vshll.u32 v2, $0x3;
	v4 =	vor.u32 s4, v0;
	s9 =	simm.s32 $0x40;
	[tilespmem:s8+$0x5600] =	vst v1  }
.LBB2_10:
0xbb: {  	s11 =	sshra.s32 s9, $0x2;
	p0 =	sne.s32 s9, $0x7C0;
	s9 =	sadd.s32 $0x40, s9;
	v6 =	vshll.u32 v3, $0xE;
	v5 =	vand.u32 $0x7FFFFC00, v5;
	v4 =	vand.u32 $0x7F, v4  }
.Ltmp4:
0xbc: {  	[tilespmem:s11+$0x5600] =	vst v1;
	v6 =	vand.u32 $0xFFFE0000, v6;
	v4 =	vor.u32 v4, v5;
	v5 =	vshll.u32 v3, $0x7;
	v3 =	vld [tilespmem:s11+$0x800];
	(pc) =	sbr.rel @p0 .LBB2_10-.Ltmp4, $4  }
0xbd: {  	v5 =	vand.u32 $0x380, v5;
	v4 =	vadd.s32 v6, v4  }
0xbe: {  	s10 =	sadd.s32 $0x10, s10;
	v4 =	vor.u32 v5, v4  }
0xbf: {  	v5 =	vmov s10;
	v6 =	vadd.s32 $0x3E80000, v4  }
0xc0: {  	v4 =	vor.u32 s10, v0;
	v5 =	vshll.u32 v5, $0x3;
	[tilespmem:s8+$0x3C00] =	vst v6;
	s8 =	smov.u32 s11  }
0xc1: {  	v6 =	vshll.u32 v3, $0xE;
	v5 =	vand.u32 $0x7FFFFC00, v5;
	v4 =	vand.u32 $0x7F, v4  }
0xc2: {  	v3 =	vshll.u32 v3, $0x7;
	v6 =	vand.u32 $0xFFFE0000, v6;
	v4 =	vor.u32 v4, v5  }
0xc3: {  	v3 =	vand.u32 $0x380, v3;
	v4 =	vadd.s32 v6, v4  }
0xc4: {  	v3 =	vor.u32 v3, v4  }
0xc5: {  	v3 =	vadd.s32 $0x3E80000, v3  }
0xc6: {  	[tilespmem:s8+$0x3C00] =	vst v3;
	s8 =	simm.s32 $0x0  }
0xc7: {  	v3 =	vld [tilespmem:s8+$0xA00];
	_ =	sdelay $0x3  }
0xc8: {  	s10 =	simm.s32 $0x40;
	s11 =	smov.u32 s4;
	s9 =	simm.s32 $0x0;
	v5 =	vshll.u32 v2, $0x3;
	v4 =	vor.u32 s4, v0;
	[tilespmem:s8+$0x5800] =	vst v1  }
.LBB2_12:
0xc9: {  	s12 =	sshra.s32 s10, $0x2;
	p0 =	sne.s32 s10, $0x7C0;
	s10 =	sadd.s32 $0x40, s10;
	v6 =	vshll.u32 v3, $0xE;
	v5 =	vand.u32 $0x7FFFFC00, v5;
	v4 =	vand.u32 $0x7F, v4  }
.Ltmp5:
0xca: {  	[tilespmem:s12+$0x5800] =	vst v1;
	v6 =	vand.u32 $0xFFFE0000, v6;
	v4 =	vor.u32 v4, v5;
	v5 =	vshll.u32 v3, $0x7;
	v3 =	vld [tilespmem:s12+$0xA00];
	(pc) =	sbr.rel @p0 .LBB2_12-.Ltmp5, $4  }
0xcb: {  	v5 =	vand.u32 $0x380, v5;
	v4 =	vadd.s32 v6, v4  }
0xcc: {  	s11 =	sadd.s32 $0x10, s11;
	v4 =	vor.u32 v5, v4  }
0xcd: {  	v5 =	vmov s11;
	v6 =	vadd.s32 $0x4E20000, v4  }
0xce: {  	v4 =	vor.u32 s11, v0;
	v5 =	vshll.u32 v5, $0x3;
	[tilespmem:s9+$0x3E00] =	vst v6;
	s9 =	smov.u32 s12  }
0xcf: {  	v6 =	vshll.u32 v3, $0xE;
	v5 =	vand.u32 $0x7FFFFC00, v5;
	v4 =	vand.u32 $0x7F, v4  }
0xd0: {  	v3 =	vshll.u32 v3, $0x7;
	v6 =	vand.u32 $0xFFFE0000, v6;
	v4 =	vor.u32 v4, v5  }
0xd1: {  	v3 =	vand.u32 $0x380, v3;
	v4 =	vadd.s32 v6, v4  }
0xd2: {  	v3 =	vor.u32 v3, v4  }
0xd3: {  	v3 =	vadd.s32 $0x4E20000, v3  }
0xd4: {  	[tilespmem:s9+$0x3E00] =	vst v3  }
0xd5: {  	v3 =	vld [tilespmem:s8+$0xC00];
	_ =	sdelay $0x3  }
0xd6: {  	s10 =	smov.u32 s4;
	v5 =	vshll.u32 v2, $0x3;
	v4 =	vor.u32 s4, v0;
	s9 =	simm.s32 $0x40;
	[tilespmem:s8+$0x5A00] =	vst v1  }
.LBB2_14:
0xd7: {  	s11 =	sshra.s32 s9, $0x2;
	p0 =	sne.s32 s9, $0x7C0;
	s9 =	sadd.s32 $0x40, s9;
	v6 =	vshll.u32 v3, $0xE;
	v5 =	vand.u32 $0x7FFFFC00, v5;
	v4 =	vand.u32 $0x7F, v4  }
.Ltmp6:
0xd8: {  	[tilespmem:s11+$0x5A00] =	vst v1;
	v6 =	vand.u32 $0xFFFE0000, v6;
	v4 =	vor.u32 v4, v5;
	v5 =	vshll.u32 v3, $0x7;
	v3 =	vld [tilespmem:s11+$0xC00];
	(pc) =	sbr.rel @p0 .LBB2_14-.Ltmp6, $4  }
0xd9: {  	v5 =	vand.u32 $0x380, v5;
	v4 =	vadd.s32 v6, v4  }
0xda: {  	s10 =	sadd.s32 $0x10, s10;
	v4 =	vor.u32 v5, v4  }
0xdb: {  	v5 =	vmov s10;
	v6 =	vadd.s32 $0x5DC0000, v4  }
0xdc: {  	v4 =	vor.u32 s10, v0;
	v5 =	vshll.u32 v5, $0x3;
	[tilespmem:s8+$0x4000] =	vst v6;
	s8 =	smov.u32 s11  }
0xdd: {  	v6 =	vshll.u32 v3, $0xE;
	v5 =	vand.u32 $0x7FFFFC00, v5;
	v4 =	vand.u32 $0x7F, v4  }
0xde: {  	v3 =	vshll.u32 v3, $0x7;
	v6 =	vand.u32 $0xFFFE0000, v6;
	v4 =	vor.u32 v4, v5  }
0xdf: {  	v3 =	vand.u32 $0x380, v3;
	v4 =	vadd.s32 v6, v4  }
0xe0: {  	v3 =	vor.u32 v3, v4  }
0xe1: {  	v3 =	vadd.s32 $0x5DC0000, v3  }
0xe2: {  	[tilespmem:s8+$0x4000] =	vst v3;
	s8 =	simm.s32 $0x0  }
0xe3: {  	v3 =	vld [tilespmem:s8+$0xE00];
	_ =	sdelay $0x3  }
0xe4: {  	s10 =	simm.s32 $0x40;
	s11 =	smov.u32 s4;
	s9 =	simm.s32 $0x0;
	v5 =	vshll.u32 v2, $0x3;
	v4 =	vor.u32 s4, v0;
	[tilespmem:s8+$0x5C00] =	vst v1  }
.LBB2_16:
0xe5: {  	s12 =	sshra.s32 s10, $0x2;
	p0 =	sne.s32 s10, $0x7C0;
	s10 =	sadd.s32 $0x40, s10;
	v6 =	vshll.u32 v3, $0xE;
	v5 =	vand.u32 $0x7FFFFC00, v5;
	v4 =	vand.u32 $0x7F, v4  }
.Ltmp7:
0xe6: {  	[tilespmem:s12+$0x5C00] =	vst v1;
	v6 =	vand.u32 $0xFFFE0000, v6;
	v4 =	vor.u32 v4, v5;
	v5 =	vshll.u32 v3, $0x7;
	v3 =	vld [tilespmem:s12+$0xE00];
	(pc) =	sbr.rel @p0 .LBB2_16-.Ltmp7, $4  }
0xe7: {  	v5 =	vand.u32 $0x380, v5;
	v4 =	vadd.s32 v6, v4  }
0xe8: {  	s11 =	sadd.s32 $0x10, s11;
	v4 =	vor.u32 v5, v4  }
0xe9: {  	v5 =	vmov s11;
	v6 =	vadd.s32 $0x6D60000, v4  }
0xea: {  	v4 =	vor.u32 s11, v0;
	v5 =	vshll.u32 v5, $0x3;
	[tilespmem:s9+$0x4200] =	vst v6;
	s9 =	smov.u32 s12  }
0xeb: {  	v6 =	vshll.u32 v3, $0xE;
	v5 =	vand.u32 $0x7FFFFC00, v5;
	v4 =	vand.u32 $0x7F, v4  }
0xec: {  	v3 =	vshll.u32 v3, $0x7;
	v6 =	vand.u32 $0xFFFE0000, v6;
	v4 =	vor.u32 v4, v5  }
0xed: {  	v3 =	vand.u32 $0x380, v3;
	v4 =	vadd.s32 v6, v4  }
0xee: {  	v3 =	vor.u32 v3, v4  }
0xef: {  	v3 =	vadd.s32 $0x6D60000, v3  }
0xf0: {  	[tilespmem:s9+$0x4200] =	vst v3  }
0xf1: {  	v3 =	vld [tilespmem:s8+$0x1000];
	_ =	sdelay $0x3  }
0xf2: {  	s10 =	smov.u32 s4;
	v5 =	vshll.u32 v2, $0x3;
	v4 =	vor.u32 s4, v0;
	s9 =	simm.s32 $0x40;
	[tilespmem:s8+$0x5E00] =	vst v1  }
.LBB2_18:
0xf3: {  	s11 =	sshra.s32 s9, $0x2;
	p0 =	sne.s32 s9, $0x7C0;
	s9 =	sadd.s32 $0x40, s9;
	v6 =	vshll.u32 v3, $0xE;
	v5 =	vand.u32 $0x7FFFFC00, v5;
	v4 =	vand.u32 $0x7F, v4  }
.Ltmp8:
0xf4: {  	[tilespmem:s11+$0x5E00] =	vst v1;
	v6 =	vand.u32 $0xFFFE0000, v6;
	v4 =	vor.u32 v4, v5;
	v5 =	vshll.u32 v3, $0x7;
	v3 =	vld [tilespmem:s11+$0x1000];
	(pc) =	sbr.rel @p0 .LBB2_18-.Ltmp8, $4  }
0xf5: {  	v5 =	vand.u32 $0x380, v5;
	v4 =	vadd.s32 v6, v4  }
0xf6: {  	s10 =	sadd.s32 $0x10, s10;
	v4 =	vor.u32 v5, v4  }
0xf7: {  	v5 =	vmov s10;
	v6 =	vadd.s32 $0x7D00000, v4  }
0xf8: {  	v4 =	vor.u32 s10, v0;
	v5 =	vshll.u32 v5, $0x3;
	[tilespmem:s8+$0x4400] =	vst v6;
	s8 =	smov.u32 s11  }
0xf9: {  	v6 =	vshll.u32 v3, $0xE;
	v5 =	vand.u32 $0x7FFFFC00, v5;
	v4 =	vand.u32 $0x7F, v4  }
0xfa: {  	v3 =	vshll.u32 v3, $0x7;
	v6 =	vand.u32 $0xFFFE0000, v6;
	v4 =	vor.u32 v4, v5  }
0xfb: {  	v3 =	vand.u32 $0x380, v3;
	v4 =	vadd.s32 v6, v4  }
0xfc: {  	v3 =	vor.u32 v3, v4  }
0xfd: {  	v3 =	vadd.s32 $0x7D00000, v3  }
0xfe: {  	[tilespmem:s8+$0x4400] =	vst v3;
	s8 =	simm.s32 $0x0  }
0xff: {  	v3 =	vld [tilespmem:s8+$0x1200];
	_ =	sdelay $0x3  }
0x100: {  	s10 =	simm.s32 $0x40;
	s11 =	smov.u32 s4;
	s9 =	simm.s32 $0x0;
	v5 =	vshll.u32 v2, $0x3;
	v4 =	vor.u32 s4, v0;
	[tilespmem:s8+$0x6000] =	vst v1  }
.LBB2_20:
0x101: {  	s12 =	sshra.s32 s10, $0x2;
	p0 =	sne.s32 s10, $0x7C0;
	s10 =	sadd.s32 $0x40, s10;
	v6 =	vshll.u32 v3, $0xE;
	v5 =	vand.u32 $0x7FFFFC00, v5;
	v4 =	vand.u32 $0x7F, v4  }
.Ltmp9:
0x102: {  	[tilespmem:s12+$0x6000] =	vst v1;
	v6 =	vand.u32 $0xFFFE0000, v6;
	v4 =	vor.u32 v4, v5;
	v5 =	vshll.u32 v3, $0x7;
	v3 =	vld [tilespmem:s12+$0x1200];
	(pc) =	sbr.rel @p0 .LBB2_20-.Ltmp9, $4  }
0x103: {  	v5 =	vand.u32 $0x380, v5;
	v4 =	vadd.s32 v6, v4  }
0x104: {  	s11 =	sadd.s32 $0x10, s11;
	v4 =	vor.u32 v5, v4  }
0x105: {  	v5 =	vmov s11;
	v6 =	vadd.s32 $0x8CA0000, v4  }
0x106: {  	v4 =	vor.u32 s11, v0;
	v5 =	vshll.u32 v5, $0x3;
	[tilespmem:s9+$0x4600] =	vst v6;
	s9 =	smov.u32 s12  }
0x107: {  	v6 =	vshll.u32 v3, $0xE;
	v5 =	vand.u32 $0x7FFFFC00, v5;
	v4 =	vand.u32 $0x7F, v4  }
0x108: {  	v3 =	vshll.u32 v3, $0x7;
	v6 =	vand.u32 $0xFFFE0000, v6;
	v4 =	vor.u32 v4, v5  }
0x109: {  	v3 =	vand.u32 $0x380, v3;
	v4 =	vadd.s32 v6, v4  }
0x10a: {  	v3 =	vor.u32 v3, v4  }
0x10b: {  	v3 =	vadd.s32 $0x8CA0000, v3  }
0x10c: {  	[tilespmem:s9+$0x4600] =	vst v3  }
0x10d: {  	v3 =	vld [tilespmem:s8+$0x1400];
	_ =	sdelay $0x3  }
0x10e: {  	s10 =	smov.u32 s4;
	v5 =	vshll.u32 v2, $0x3;
	v4 =	vor.u32 s4, v0;
	s9 =	simm.s32 $0x40;
	[tilespmem:s8+$0x6200] =	vst v1  }
.LBB2_22:
0x10f: {  	s11 =	sshra.s32 s9, $0x2;
	p0 =	sne.s32 s9, $0x7C0;
	s9 =	sadd.s32 $0x40, s9;
	v6 =	vshll.u32 v3, $0xE;
	v5 =	vand.u32 $0x7FFFFC00, v5;
	v4 =	vand.u32 $0x7F, v4  }
.Ltmp10:
0x110: {  	[tilespmem:s11+$0x6200] =	vst v1;
	v6 =	vand.u32 $0xFFFE0000, v6;
	v4 =	vor.u32 v4, v5;
	v5 =	vshll.u32 v3, $0x7;
	v3 =	vld [tilespmem:s11+$0x1400];
	(pc) =	sbr.rel @p0 .LBB2_22-.Ltmp10, $4  }
0x111: {  	v5 =	vand.u32 $0x380, v5;
	v4 =	vadd.s32 v6, v4  }
0x112: {  	s10 =	sadd.s32 $0x10, s10;
	v4 =	vor.u32 v5, v4  }
0x113: {  	v5 =	vmov s10;
	v6 =	vadd.s32 $0x9C40000, v4  }
0x114: {  	v4 =	vor.u32 s10, v0;
	v5 =	vshll.u32 v5, $0x3;
	[tilespmem:s8+$0x4800] =	vst v6;
	s8 =	smov.u32 s11  }
0x115: {  	v6 =	vshll.u32 v3, $0xE;
	v5 =	vand.u32 $0x7FFFFC00, v5;
	v4 =	vand.u32 $0x7F, v4  }
0x116: {  	v3 =	vshll.u32 v3, $0x7;
	v6 =	vand.u32 $0xFFFE0000, v6;
	v4 =	vor.u32 v4, v5  }
0x117: {  	v3 =	vand.u32 $0x380, v3;
	v4 =	vadd.s32 v6, v4  }
0x118: {  	v3 =	vor.u32 v3, v4  }
0x119: {  	v3 =	vadd.s32 $0x9C40000, v3  }
0x11a: {  	[tilespmem:s8+$0x4800] =	vst v3;
	s8 =	simm.s32 $0x0  }
0x11b: {  	v3 =	vld [tilespmem:s8+$0x1600];
	_ =	sdelay $0x3  }
0x11c: {  	s10 =	simm.s32 $0x40;
	s11 =	smov.u32 s4;
	s9 =	simm.s32 $0x0;
	v5 =	vshll.u32 v2, $0x3;
	v4 =	vor.u32 s4, v0;
	[tilespmem:s8+$0x6400] =	vst v1  }
.LBB2_24:
0x11d: {  	s12 =	sshra.s32 s10, $0x2;
	p0 =	sne.s32 s10, $0x7C0;
	s10 =	sadd.s32 $0x40, s10;
	v6 =	vshll.u32 v3, $0xE;
	v5 =	vand.u32 $0x7FFFFC00, v5;
	v4 =	vand.u32 $0x7F, v4  }
.Ltmp11:
0x11e: {  	[tilespmem:s12+$0x6400] =	vst v1;
	v6 =	vand.u32 $0xFFFE0000, v6;
	v4 =	vor.u32 v4, v5;
	v5 =	vshll.u32 v3, $0x7;
	v3 =	vld [tilespmem:s12+$0x1600];
	(pc) =	sbr.rel @p0 .LBB2_24-.Ltmp11, $4  }
0x11f: {  	v5 =	vand.u32 $0x380, v5;
	v4 =	vadd.s32 v6, v4  }
0x120: {  	s11 =	sadd.s32 $0x10, s11;
	v4 =	vor.u32 v5, v4  }
0x121: {  	v5 =	vmov s11;
	v6 =	vadd.s32 $0xABE0000, v4  }
0x122: {  	v4 =	vor.u32 s11, v0;
	v5 =	vshll.u32 v5, $0x3;
	[tilespmem:s9+$0x4A00] =	vst v6;
	s9 =	smov.u32 s12  }
0x123: {  	v6 =	vshll.u32 v3, $0xE;
	v5 =	vand.u32 $0x7FFFFC00, v5;
	v4 =	vand.u32 $0x7F, v4  }
0x124: {  	v3 =	vshll.u32 v3, $0x7;
	v6 =	vand.u32 $0xFFFE0000, v6;
	v4 =	vor.u32 v4, v5  }
0x125: {  	v3 =	vand.u32 $0x380, v3;
	v4 =	vadd.s32 v6, v4  }
0x126: {  	v3 =	vor.u32 v3, v4  }
0x127: {  	v3 =	vadd.s32 $0xABE0000, v3  }
0x128: {  	[tilespmem:s9+$0x4A00] =	vst v3  }
0x129: {  	v3 =	vld [tilespmem:s8+$0x1800];
	_ =	sdelay $0x3  }
0x12a: {  	v2 =	vshll.u32 v2, $0x3;
	s10 =	smov.u32 s4;
	v4 =	vor.u32 s4, v0;
	s9 =	simm.s32 $0x40;
	[tilespmem:s8+$0x6600] =	vst v1  }
.LBB2_26:
0x12b: {  	s11 =	sshra.s32 s9, $0x2;
	p0 =	sne.s32 s9, $0x7C0;
	s9 =	sadd.s32 $0x40, s9;
	v5 =	vshll.u32 v3, $0xE;
	v2 =	vand.u32 $0x7FFFFC00, v2;
	v4 =	vand.u32 $0x7F, v4  }
.Ltmp12:
0x12c: {  	[tilespmem:s11+$0x6600] =	vst v1;
	v5 =	vand.u32 $0xFFFE0000, v5;
	v2 =	vor.u32 v4, v2;
	v4 =	vshll.u32 v3, $0x7;
	v3 =	vld [tilespmem:s11+$0x1800];
	(pc) =	sbr.rel @p0 .LBB2_26-.Ltmp12, $4  }
0x12d: {  	v4 =	vand.u32 $0x380, v4;
	v2 =	vadd.s32 v5, v2  }
0x12e: {  	s10 =	sadd.s32 $0x10, s10;
	v2 =	vor.u32 v4, v2  }
0x12f: {  	v5 =	vmov s10;
	v6 =	vadd.s32 $0xBB80000, v2  }
0x130: {  	v4 =	vor.u32 s10, v0;
	v2 =	vshll.u32 v5, $0x3;
	[tilespmem:s8+$0x4C00] =	vst v6;
	s8 =	smov.u32 s11  }
0x131: {  	v5 =	vshll.u32 v3, $0xE;
	v2 =	vand.u32 $0x7FFFFC00, v2;
	v4 =	vand.u32 $0x7F, v4  }
0x132: {  	v3 =	vshll.u32 v3, $0x7;
	v5 =	vand.u32 $0xFFFE0000, v5;
	v2 =	vor.u32 v4, v2  }
0x133: {  	v3 =	vand.u32 $0x380, v3;
	v2 =	vadd.s32 v5, v2  }
0x134: {  	v2 =	vor.u32 v3, v2  }
0x135: {  	s9 =	simm.s32 $0x0;
	v2 =	vadd.s32 $0xBB80000, v2  }
0x136: {  	s9 =	sand.u32 $0x1F0, s9;
	[tilespmem:s8+$0x4C00] =	vst v2  }
0x137: {  	v3 =	vld [tilespmem:s9+$0x1A00];
	_ =	sdelay $0x1  }
0x138: {  	s15 =	sadd.s32 $0x0, s4  }
0x139: {  	v2 =	vmov s15  }
0x13a: {  	v4 =	vor.u32 s15, v0;
	v2 =	vshll.u32 v2, $0x3  }
0x13b: {  	v4 =	vand.u32 $0x7F, v4;
	v2 =	vand.u32 $0x7FFFFC00, v2;
	v5 =	vshll.u32 v3, $0xE  }
0x13c: {  	v2 =	vor.u32 v4, v2;
	v3 =	vshll.u32 v3, $0x7;
	v5 =	vand.u32 $0xFFFE0000, v5  }
0x13d: {  	v3 =	vand.u32 $0x380, v3;
	v4 =	vadd.s32 v5, v2  }
0x13e: {  	v3 =	vor.u32 v3, v4  }
0x13f: {  	s11 =	simm.s32 $0x6800;
	v3 =	vadd.s32 $0xCB20000, v3  }
0x140: {  	s12 =	simm.s32 $0x8200;
	s8 =	simm.s32 $0x10;
	[tilespmem:s11+$0x0] =	vst v3  }
0x141: {  	s10 =	sand.u32 $0x1F0, s8;
	[tilespmem:s12+$0x0] =	vst v1  }
0x142: {  	s13 =	simm.s32 $0x20;
	s14 =	simm.s32 $0x10;
	v3 =	vld [tilespmem:s10+$0x1A00]  }
.LBB2_28:
0x143: {  	p0 =	sne.s32 s13, $0x1F0  }
0x144: {  	s15 =	sadd.s32 s14, s4;
	s14 =	smov.u32 s13  }
0x145: {  	v4 =	vmov s15  }
0x146: {  	v5 =	vor.u32 s15, v0;
	v4 =	vshll.u32 v4, $0x3  }
0x147: {  	v5 =	vand.u32 $0x7F, v5;
	v4 =	vand.u32 $0x7FFFFC00, v4;
	v6 =	vshll.u32 v3, $0xE  }
0x148: {  	v4 =	vor.u32 v5, v4;
	v3 =	vshll.u32 v3, $0x7;
	v6 =	vand.u32 $0xFFFE0000, v6  }
0x149: {  	v3 =	vand.u32 $0x380, v3;
	v4 =	vadd.s32 v6, v4  }
.Ltmp13:
0x14a: {  	v3 =	vor.u32 v3, v4;
	(pc) =	sbr.rel @p0 .LBB2_28-.Ltmp13, $4  }
0x14b: {  	s11 =	sadd.s32 $0x10, s11;
	v3 =	vadd.s32 $0xCB20000, v3  }
0x14c: {  	s12 =	sadd.s32 $0x10, s12;
	[tilespmem:s11+$0x0] =	vst v3  }
0x14d: {  	s15 =	sand.u32 $0x1F0, s13;
	[tilespmem:s12+$0x0] =	vst v1  }
0x14e: {  	s13 =	sadd.s32 $0x10, s13;
	v3 =	vld [tilespmem:s15+$0x1A00]  }
0x14f: {  	_ = 	snop  }
0x150: {  	s13 =	sadd.s32 s14, s4  }
0x151: {  	v4 =	vmov s13  }
0x152: {  	v5 =	vor.u32 s13, v0;
	v4 =	vshll.u32 v4, $0x3  }
0x153: {  	v5 =	vand.u32 $0x7F, v5;
	v4 =	vand.u32 $0x7FFFFC00, v4;
	v6 =	vshll.u32 v3, $0xE  }
0x154: {  	v4 =	vor.u32 v5, v4;
	v3 =	vshll.u32 v3, $0x7;
	v6 =	vand.u32 $0xFFFE0000, v6  }
0x155: {  	v3 =	vand.u32 $0x380, v3;
	v4 =	vadd.s32 v6, v4  }
0x156: {  	v3 =	vor.u32 v3, v4  }
0x157: {  	s11 =	sadd.s32 $0x10, s11;
	v3 =	vadd.s32 $0xCB20000, v3  }
0x158: {  	s15 =	sadd.s32 $0x10, s12;
	[tilespmem:s11+$0x0] =	vst v3  }
0x159: {  	[tilespmem:s15+$0x0] =	vst v1  }
0x15a: {  	v3 =	vld [tilespmem:s9+$0x1C00];
	_ =	sdelay $0x4  }
0x15b: {  	v63 =	vshll.u32 v3, $0xE  }
0x15c: {  	v3 =	vshll.u32 v3, $0x7;
	v4 =	vand.u32 $0xFFFE0000, v63  }
0x15d: {  	v3 =	vand.u32 $0x380, v3;
	v2 =	vadd.s32 v4, v2  }
0x15e: {  	v2 =	vor.u32 v3, v2  }
0x15f: {  	s9 =	simm.s32 $0x6A00;
	v2 =	vadd.s32 $0xDAC0000, v2  }
0x160: {  	s11 =	simm.s32 $0x8400;
	[tilespmem:s9+$0x0] =	vst v2  }
0x161: {  	[tilespmem:s11+$0x0] =	vst v1  }
0x162: {  	v2 =	vld [tilespmem:s10+$0x1C00];
	s10 =	simm.s32 $0x20  }
.LBB2_30:
0x163: {  	p0 =	sne.s32 s10, $0x1F0  }
0x164: {  	s12 =	sadd.s32 s8, s4;
	s8 =	smov.u32 s10  }
0x165: {  	v3 =	vmov s12  }
0x166: {  	v4 =	vor.u32 s12, v0;
	v3 =	vshll.u32 v3, $0x3  }
0x167: {  	v4 =	vand.u32 $0x7F, v4;
	v3 =	vand.u32 $0x7FFFFC00, v3;
	v5 =	vshll.u32 v2, $0xE  }
0x168: {  	v3 =	vor.u32 v4, v3;
	v2 =	vshll.u32 v2, $0x7;
	v5 =	vand.u32 $0xFFFE0000, v5  }
0x169: {  	v2 =	vand.u32 $0x380, v2;
	v3 =	vadd.s32 v5, v3  }
.Ltmp14:
0x16a: {  	v2 =	vor.u32 v2, v3;
	(pc) =	sbr.rel @p0 .LBB2_30-.Ltmp14, $4  }
0x16b: {  	s9 =	sadd.s32 $0x10, s9;
	v2 =	vadd.s32 $0xDAC0000, v2  }
0x16c: {  	s11 =	sadd.s32 $0x10, s11;
	[tilespmem:s9+$0x0] =	vst v2  }
0x16d: {  	s12 =	sand.u32 $0x1F0, s10;
	[tilespmem:s11+$0x0] =	vst v1  }
0x16e: {  	s10 =	sadd.s32 $0x10, s10;
	v2 =	vld [tilespmem:s12+$0x1C00]  }
0x16f: {  	_ = 	snop  }
0x170: {  	s8 =	sadd.s32 s8, s4  }
0x171: {  	v3 =	vmov s8  }
0x172: {  	v4 =	vor.u32 s8, v0;
	v3 =	vshll.u32 v3, $0x3  }
0x173: {  	v4 =	vand.u32 $0x7F, v4;
	v3 =	vand.u32 $0x7FFFFC00, v3;
	v5 =	vshll.u32 v2, $0xE  }
0x174: {  	v3 =	vor.u32 v4, v3;
	v2 =	vshll.u32 v2, $0x7;
	v5 =	vand.u32 $0xFFFE0000, v5  }
0x175: {  	v2 =	vand.u32 $0x380, v2;
	v3 =	vadd.s32 v5, v3  }
0x176: {  	v2 =	vor.u32 v2, v3  }
0x177: {  	s12 =	sadd.s32 $0x10, s9;
	v2 =	vadd.s32 $0xDAC0000, v2  }
0x178: {  	s13 =	sadd.s32 $0x10, s11;
	s14 =	simm.s32 $0x0;
	[tilespmem:s12+$0x0] =	vst v2  }
0x179: {  	s9 =	sand.u32 $0x1F0, s14;
	[tilespmem:s13+$0x0] =	vst v1  }
0x17a: {  	v3 =	vld [tilespmem:s9+$0x1E00];
	_ =	sdelay $0x1  }
0x17b: {  	s15 =	sadd.s32 $0x0, s4  }
0x17c: {  	v2 =	vmov s15  }
0x17d: {  	v4 =	vor.u32 s15, v0;
	v2 =	vshll.u32 v2, $0x3  }
0x17e: {  	v4 =	vand.u32 $0x7F, v4;
	v2 =	vand.u32 $0x7FFFFC00, v2;
	v5 =	vshll.u32 v3, $0xE  }
0x17f: {  	v2 =	vor.u32 v4, v2;
	v3 =	vshll.u32 v3, $0x7;
	v5 =	vand.u32 $0xFFFE0000, v5  }
0x180: {  	v3 =	vand.u32 $0x380, v3;
	v4 =	vadd.s32 v5, v2  }
0x181: {  	v3 =	vor.u32 v3, v4  }
0x182: {  	s11 =	simm.s32 $0x6C00;
	v3 =	vadd.s32 $0xEA60000, v3  }
0x183: {  	s8 =	simm.s32 $0x10;
	s12 =	simm.s32 $0x8600;
	[tilespmem:s11+$0x0] =	vst v3  }
0x184: {  	s10 =	sand.u32 $0x1F0, s8;
	[tilespmem:s12+$0x0] =	vst v1  }
0x185: {  	s14 =	simm.s32 $0x10;
	s13 =	simm.s32 $0x20;
	v3 =	vld [tilespmem:s10+$0x1E00]  }
.LBB2_32:
0x186: {  	p0 =	sne.s32 s13, $0x1F0  }
0x187: {  	s15 =	sadd.s32 s14, s4;
	s14 =	smov.u32 s13  }
0x188: {  	v4 =	vmov s15  }
0x189: {  	v5 =	vor.u32 s15, v0;
	v4 =	vshll.u32 v4, $0x3  }
0x18a: {  	v5 =	vand.u32 $0x7F, v5;
	v4 =	vand.u32 $0x7FFFFC00, v4;
	v6 =	vshll.u32 v3, $0xE  }
0x18b: {  	v4 =	vor.u32 v5, v4;
	v3 =	vshll.u32 v3, $0x7;
	v6 =	vand.u32 $0xFFFE0000, v6  }
0x18c: {  	v3 =	vand.u32 $0x380, v3;
	v4 =	vadd.s32 v6, v4  }
.Ltmp15:
0x18d: {  	v3 =	vor.u32 v3, v4;
	(pc) =	sbr.rel @p0 .LBB2_32-.Ltmp15, $4  }
0x18e: {  	s11 =	sadd.s32 $0x10, s11;
	v3 =	vadd.s32 $0xEA60000, v3  }
0x18f: {  	s12 =	sadd.s32 $0x10, s12;
	[tilespmem:s11+$0x0] =	vst v3  }
0x190: {  	s15 =	sand.u32 $0x1F0, s13;
	[tilespmem:s12+$0x0] =	vst v1  }
0x191: {  	s13 =	sadd.s32 $0x10, s13;
	v3 =	vld [tilespmem:s15+$0x1E00]  }
0x192: {  	_ = 	snop  }
0x193: {  	s13 =	sadd.s32 s14, s4  }
0x194: {  	v4 =	vmov s13  }
0x195: {  	v5 =	vor.u32 s13, v0;
	v4 =	vshll.u32 v4, $0x3  }
0x196: {  	v5 =	vand.u32 $0x7F, v5;
	v4 =	vand.u32 $0x7FFFFC00, v4;
	v6 =	vshll.u32 v3, $0xE  }
0x197: {  	v4 =	vor.u32 v5, v4;
	v3 =	vshll.u32 v3, $0x7;
	v6 =	vand.u32 $0xFFFE0000, v6  }
0x198: {  	v3 =	vand.u32 $0x380, v3;
	v4 =	vadd.s32 v6, v4  }
0x199: {  	v3 =	vor.u32 v3, v4  }
0x19a: {  	s11 =	sadd.s32 $0x10, s11;
	v3 =	vadd.s32 $0xEA60000, v3  }
0x19b: {  	s15 =	sadd.s32 $0x10, s12;
	[tilespmem:s11+$0x0] =	vst v3  }
0x19c: {  	[tilespmem:s15+$0x0] =	vst v1  }
0x19d: {  	v3 =	vld [tilespmem:s9+$0x2000];
	_ =	sdelay $0x4  }
0x19e: {  	v63 =	vshll.u32 v3, $0xE  }
0x19f: {  	v3 =	vshll.u32 v3, $0x7;
	v4 =	vand.u32 $0xFFFE0000, v63  }
0x1a0: {  	v3 =	vand.u32 $0x380, v3;
	v2 =	vadd.s32 v4, v2  }
0x1a1: {  	v2 =	vor.u32 v3, v2  }
0x1a2: {  	s9 =	simm.s32 $0x6E00;
	v2 =	vadd.s32 $0xFA00000, v2  }
0x1a3: {  	s11 =	simm.s32 $0x8800;
	[tilespmem:s9+$0x0] =	vst v2  }
0x1a4: {  	[tilespmem:s11+$0x0] =	vst v1  }
0x1a5: {  	v2 =	vld [tilespmem:s10+$0x2000];
	s10 =	simm.s32 $0x20  }
.LBB2_34:
0x1a6: {  	p0 =	sne.s32 s10, $0x1F0  }
0x1a7: {  	s12 =	sadd.s32 s8, s4;
	s8 =	smov.u32 s10  }
0x1a8: {  	v3 =	vmov s12  }
0x1a9: {  	v4 =	vor.u32 s12, v0;
	v3 =	vshll.u32 v3, $0x3  }
0x1aa: {  	v4 =	vand.u32 $0x7F, v4;
	v3 =	vand.u32 $0x7FFFFC00, v3;
	v5 =	vshll.u32 v2, $0xE  }
0x1ab: {  	v3 =	vor.u32 v4, v3;
	v2 =	vshll.u32 v2, $0x7;
	v5 =	vand.u32 $0xFFFE0000, v5  }
0x1ac: {  	v2 =	vand.u32 $0x380, v2;
	v3 =	vadd.s32 v5, v3  }
.Ltmp16:
0x1ad: {  	v2 =	vor.u32 v2, v3;
	(pc) =	sbr.rel @p0 .LBB2_34-.Ltmp16, $4  }
0x1ae: {  	s9 =	sadd.s32 $0x10, s9;
	v2 =	vadd.s32 $0xFA00000, v2  }
0x1af: {  	s11 =	sadd.s32 $0x10, s11;
	[tilespmem:s9+$0x0] =	vst v2  }
0x1b0: {  	s12 =	sand.u32 $0x1F0, s10;
	[tilespmem:s11+$0x0] =	vst v1  }
0x1b1: {  	s10 =	sadd.s32 $0x10, s10;
	v2 =	vld [tilespmem:s12+$0x2000]  }
0x1b2: {  	_ = 	snop  }
0x1b3: {  	s8 =	sadd.s32 s8, s4  }
0x1b4: {  	v3 =	vmov s8  }
0x1b5: {  	v4 =	vor.u32 s8, v0;
	v3 =	vshll.u32 v3, $0x3  }
0x1b6: {  	v4 =	vand.u32 $0x7F, v4;
	v3 =	vand.u32 $0x7FFFFC00, v3;
	v5 =	vshll.u32 v2, $0xE  }
0x1b7: {  	v3 =	vor.u32 v4, v3;
	v2 =	vshll.u32 v2, $0x7;
	v5 =	vand.u32 $0xFFFE0000, v5  }
0x1b8: {  	v2 =	vand.u32 $0x380, v2;
	v3 =	vadd.s32 v5, v3  }
0x1b9: {  	v2 =	vor.u32 v2, v3  }
0x1ba: {  	s12 =	sadd.s32 $0x10, s9;
	v2 =	vadd.s32 $0xFA00000, v2  }
0x1bb: {  	s13 =	sadd.s32 $0x10, s11;
	s14 =	simm.s32 $0x0;
	[tilespmem:s12+$0x0] =	vst v2  }
0x1bc: {  	s9 =	sand.u32 $0x1F0, s14;
	[tilespmem:s13+$0x0] =	vst v1  }
0x1bd: {  	v3 =	vld [tilespmem:s9+$0x2200];
	_ =	sdelay $0x1  }
0x1be: {  	s15 =	sadd.s32 $0x0, s4  }
0x1bf: {  	v2 =	vmov s15  }
0x1c0: {  	v4 =	vor.u32 s15, v0;
	v2 =	vshll.u32 v2, $0x3  }
0x1c1: {  	v4 =	vand.u32 $0x7F, v4;
	v2 =	vand.u32 $0x7FFFFC00, v2;
	v5 =	vshll.u32 v3, $0xE  }
0x1c2: {  	v2 =	vor.u32 v4, v2;
	v3 =	vshll.u32 v3, $0x7;
	v5 =	vand.u32 $0xFFFE0000, v5  }
0x1c3: {  	v3 =	vand.u32 $0x380, v3;
	v4 =	vadd.s32 v5, v2  }
0x1c4: {  	v3 =	vor.u32 v3, v4  }
0x1c5: {  	s11 =	simm.s32 $0x7000;
	v3 =	vadd.s32 $0x109A0000, v3  }
0x1c6: {  	s8 =	simm.s32 $0x10;
	s12 =	simm.s32 $0x8A00;
	[tilespmem:s11+$0x0] =	vst v3  }
0x1c7: {  	s10 =	sand.u32 $0x1F0, s8;
	[tilespmem:s12+$0x0] =	vst v1  }
0x1c8: {  	s14 =	simm.s32 $0x10;
	s13 =	simm.s32 $0x20;
	v3 =	vld [tilespmem:s10+$0x2200]  }
.LBB2_36:
0x1c9: {  	p0 =	sne.s32 s13, $0x1F0  }
0x1ca: {  	s15 =	sadd.s32 s14, s4;
	s14 =	smov.u32 s13  }
0x1cb: {  	v4 =	vmov s15  }
0x1cc: {  	v5 =	vor.u32 s15, v0;
	v4 =	vshll.u32 v4, $0x3  }
0x1cd: {  	v5 =	vand.u32 $0x7F, v5;
	v4 =	vand.u32 $0x7FFFFC00, v4;
	v6 =	vshll.u32 v3, $0xE  }
0x1ce: {  	v4 =	vor.u32 v5, v4;
	v3 =	vshll.u32 v3, $0x7;
	v6 =	vand.u32 $0xFFFE0000, v6  }
0x1cf: {  	v3 =	vand.u32 $0x380, v3;
	v4 =	vadd.s32 v6, v4  }
.Ltmp17:
0x1d0: {  	v3 =	vor.u32 v3, v4;
	(pc) =	sbr.rel @p0 .LBB2_36-.Ltmp17, $4  }
0x1d1: {  	s11 =	sadd.s32 $0x10, s11;
	v3 =	vadd.s32 $0x109A0000, v3  }
0x1d2: {  	s12 =	sadd.s32 $0x10, s12;
	[tilespmem:s11+$0x0] =	vst v3  }
0x1d3: {  	s15 =	sand.u32 $0x1F0, s13;
	[tilespmem:s12+$0x0] =	vst v1  }
0x1d4: {  	s13 =	sadd.s32 $0x10, s13;
	v3 =	vld [tilespmem:s15+$0x2200]  }
0x1d5: {  	_ = 	snop  }
0x1d6: {  	s13 =	sadd.s32 s14, s4  }
0x1d7: {  	v4 =	vmov s13  }
0x1d8: {  	v5 =	vor.u32 s13, v0;
	v4 =	vshll.u32 v4, $0x3  }
0x1d9: {  	v5 =	vand.u32 $0x7F, v5;
	v4 =	vand.u32 $0x7FFFFC00, v4;
	v6 =	vshll.u32 v3, $0xE  }
0x1da: {  	v4 =	vor.u32 v5, v4;
	v3 =	vshll.u32 v3, $0x7;
	v6 =	vand.u32 $0xFFFE0000, v6  }
0x1db: {  	v3 =	vand.u32 $0x380, v3;
	v4 =	vadd.s32 v6, v4  }
0x1dc: {  	v3 =	vor.u32 v3, v4  }
0x1dd: {  	s11 =	sadd.s32 $0x10, s11;
	v3 =	vadd.s32 $0x109A0000, v3  }
0x1de: {  	s15 =	sadd.s32 $0x10, s12;
	[tilespmem:s11+$0x0] =	vst v3  }
0x1df: {  	[tilespmem:s15+$0x0] =	vst v1  }
0x1e0: {  	v3 =	vld [tilespmem:s9+$0x2400];
	_ =	sdelay $0x4  }
0x1e1: {  	v63 =	vshll.u32 v3, $0xE  }
0x1e2: {  	v3 =	vshll.u32 v3, $0x7;
	v4 =	vand.u32 $0xFFFE0000, v63  }
0x1e3: {  	v3 =	vand.u32 $0x380, v3;
	v2 =	vadd.s32 v4, v2  }
0x1e4: {  	v2 =	vor.u32 v3, v2  }
0x1e5: {  	s9 =	simm.s32 $0x7200;
	v2 =	vadd.s32 $0x11940000, v2  }
0x1e6: {  	s11 =	simm.s32 $0x8C00;
	[tilespmem:s9+$0x0] =	vst v2  }
0x1e7: {  	[tilespmem:s11+$0x0] =	vst v1  }
0x1e8: {  	v2 =	vld [tilespmem:s10+$0x2400];
	s10 =	simm.s32 $0x20  }
.LBB2_38:
0x1e9: {  	p0 =	sne.s32 s10, $0x1F0  }
0x1ea: {  	s12 =	sadd.s32 s8, s4;
	s8 =	smov.u32 s10  }
0x1eb: {  	v3 =	vmov s12  }
0x1ec: {  	v4 =	vor.u32 s12, v0;
	v3 =	vshll.u32 v3, $0x3  }
0x1ed: {  	v4 =	vand.u32 $0x7F, v4;
	v3 =	vand.u32 $0x7FFFFC00, v3;
	v5 =	vshll.u32 v2, $0xE  }
0x1ee: {  	v3 =	vor.u32 v4, v3;
	v2 =	vshll.u32 v2, $0x7;
	v5 =	vand.u32 $0xFFFE0000, v5  }
0x1ef: {  	v2 =	vand.u32 $0x380, v2;
	v3 =	vadd.s32 v5, v3  }
.Ltmp18:
0x1f0: {  	v2 =	vor.u32 v2, v3;
	(pc) =	sbr.rel @p0 .LBB2_38-.Ltmp18, $4  }
0x1f1: {  	s9 =	sadd.s32 $0x10, s9;
	v2 =	vadd.s32 $0x11940000, v2  }
0x1f2: {  	s11 =	sadd.s32 $0x10, s11;
	[tilespmem:s9+$0x0] =	vst v2  }
0x1f3: {  	s12 =	sand.u32 $0x1F0, s10;
	[tilespmem:s11+$0x0] =	vst v1  }
0x1f4: {  	s10 =	sadd.s32 $0x10, s10;
	v2 =	vld [tilespmem:s12+$0x2400]  }
0x1f5: {  	_ = 	snop  }
0x1f6: {  	s8 =	sadd.s32 s8, s4  }
0x1f7: {  	v3 =	vmov s8  }
0x1f8: {  	v4 =	vor.u32 s8, v0;
	v3 =	vshll.u32 v3, $0x3  }
0x1f9: {  	v4 =	vand.u32 $0x7F, v4;
	v3 =	vand.u32 $0x7FFFFC00, v3;
	v5 =	vshll.u32 v2, $0xE  }
0x1fa: {  	v3 =	vor.u32 v4, v3;
	v2 =	vshll.u32 v2, $0x7;
	v5 =	vand.u32 $0xFFFE0000, v5  }
0x1fb: {  	v2 =	vand.u32 $0x380, v2;
	v3 =	vadd.s32 v5, v3  }
0x1fc: {  	v2 =	vor.u32 v2, v3  }
0x1fd: {  	s12 =	sadd.s32 $0x10, s9;
	v2 =	vadd.s32 $0x11940000, v2  }
0x1fe: {  	s13 =	sadd.s32 $0x10, s11;
	s14 =	simm.s32 $0x0;
	[tilespmem:s12+$0x0] =	vst v2  }
0x1ff: {  	s9 =	sand.u32 $0x1F0, s14;
	[tilespmem:s13+$0x0] =	vst v1  }
0x200: {  	v3 =	vld [tilespmem:s9+$0x2600];
	_ =	sdelay $0x1  }
0x201: {  	s15 =	sadd.s32 $0x0, s4  }
0x202: {  	v2 =	vmov s15  }
0x203: {  	v4 =	vor.u32 s15, v0;
	v2 =	vshll.u32 v2, $0x3  }
0x204: {  	v4 =	vand.u32 $0x7F, v4;
	v2 =	vand.u32 $0x7FFFFC00, v2;
	v5 =	vshll.u32 v3, $0xE  }
0x205: {  	v2 =	vor.u32 v4, v2;
	v3 =	vshll.u32 v3, $0x7;
	v5 =	vand.u32 $0xFFFE0000, v5  }
0x206: {  	v3 =	vand.u32 $0x380, v3;
	v4 =	vadd.s32 v5, v2  }
0x207: {  	v3 =	vor.u32 v3, v4  }
0x208: {  	s11 =	simm.s32 $0x7400;
	v3 =	vadd.s32 $0x128E0000, v3  }
0x209: {  	s8 =	simm.s32 $0x10;
	s12 =	simm.s32 $0x8E00;
	[tilespmem:s11+$0x0] =	vst v3  }
0x20a: {  	s10 =	sand.u32 $0x1F0, s8;
	[tilespmem:s12+$0x0] =	vst v1  }
0x20b: {  	s14 =	simm.s32 $0x10;
	s13 =	simm.s32 $0x20;
	v3 =	vld [tilespmem:s10+$0x2600]  }
.LBB2_40:
0x20c: {  	p0 =	sne.s32 s13, $0x1F0  }
0x20d: {  	s15 =	sadd.s32 s14, s4;
	s14 =	smov.u32 s13  }
0x20e: {  	v4 =	vmov s15  }
0x20f: {  	v5 =	vor.u32 s15, v0;
	v4 =	vshll.u32 v4, $0x3  }
0x210: {  	v5 =	vand.u32 $0x7F, v5;
	v4 =	vand.u32 $0x7FFFFC00, v4;
	v6 =	vshll.u32 v3, $0xE  }
0x211: {  	v4 =	vor.u32 v5, v4;
	v3 =	vshll.u32 v3, $0x7;
	v6 =	vand.u32 $0xFFFE0000, v6  }
0x212: {  	v3 =	vand.u32 $0x380, v3;
	v4 =	vadd.s32 v6, v4  }
.Ltmp19:
0x213: {  	v3 =	vor.u32 v3, v4;
	(pc) =	sbr.rel @p0 .LBB2_40-.Ltmp19, $4  }
0x214: {  	s11 =	sadd.s32 $0x10, s11;
	v3 =	vadd.s32 $0x128E0000, v3  }
0x215: {  	s12 =	sadd.s32 $0x10, s12;
	[tilespmem:s11+$0x0] =	vst v3  }
0x216: {  	s15 =	sand.u32 $0x1F0, s13;
	[tilespmem:s12+$0x0] =	vst v1  }
0x217: {  	s13 =	sadd.s32 $0x10, s13;
	v3 =	vld [tilespmem:s15+$0x2600]  }
0x218: {  	_ = 	snop  }
0x219: {  	s13 =	sadd.s32 s14, s4  }
0x21a: {  	v4 =	vmov s13  }
0x21b: {  	v5 =	vor.u32 s13, v0;
	v4 =	vshll.u32 v4, $0x3  }
0x21c: {  	v5 =	vand.u32 $0x7F, v5;
	v4 =	vand.u32 $0x7FFFFC00, v4;
	v6 =	vshll.u32 v3, $0xE  }
0x21d: {  	v4 =	vor.u32 v5, v4;
	v3 =	vshll.u32 v3, $0x7;
	v6 =	vand.u32 $0xFFFE0000, v6  }
0x21e: {  	v3 =	vand.u32 $0x380, v3;
	v4 =	vadd.s32 v6, v4  }
0x21f: {  	v3 =	vor.u32 v3, v4  }
0x220: {  	s11 =	sadd.s32 $0x10, s11;
	v3 =	vadd.s32 $0x128E0000, v3  }
0x221: {  	s15 =	sadd.s32 $0x10, s12;
	[tilespmem:s11+$0x0] =	vst v3  }
0x222: {  	[tilespmem:s15+$0x0] =	vst v1  }
0x223: {  	v3 =	vld [tilespmem:s9+$0x2800];
	_ =	sdelay $0x4  }
0x224: {  	v63 =	vshll.u32 v3, $0xE  }
0x225: {  	v3 =	vshll.u32 v3, $0x7;
	v4 =	vand.u32 $0xFFFE0000, v63  }
0x226: {  	v3 =	vand.u32 $0x380, v3;
	v2 =	vadd.s32 v4, v2  }
0x227: {  	v2 =	vor.u32 v3, v2  }
0x228: {  	s9 =	simm.s32 $0x7600;
	v2 =	vadd.s32 $0x13880000, v2  }
0x229: {  	s11 =	simm.s32 $0x9000;
	[tilespmem:s9+$0x0] =	vst v2  }
0x22a: {  	[tilespmem:s11+$0x0] =	vst v1  }
0x22b: {  	v2 =	vld [tilespmem:s10+$0x2800];
	s10 =	simm.s32 $0x20  }
.LBB2_42:
0x22c: {  	p0 =	sne.s32 s10, $0x1F0  }
0x22d: {  	s12 =	sadd.s32 s8, s4;
	s8 =	smov.u32 s10  }
0x22e: {  	v3 =	vmov s12  }
0x22f: {  	v4 =	vor.u32 s12, v0;
	v3 =	vshll.u32 v3, $0x3  }
0x230: {  	v4 =	vand.u32 $0x7F, v4;
	v3 =	vand.u32 $0x7FFFFC00, v3;
	v5 =	vshll.u32 v2, $0xE  }
0x231: {  	v3 =	vor.u32 v4, v3;
	v2 =	vshll.u32 v2, $0x7;
	v5 =	vand.u32 $0xFFFE0000, v5  }
0x232: {  	v2 =	vand.u32 $0x380, v2;
	v3 =	vadd.s32 v5, v3  }
.Ltmp20:
0x233: {  	v2 =	vor.u32 v2, v3;
	(pc) =	sbr.rel @p0 .LBB2_42-.Ltmp20, $4  }
0x234: {  	s9 =	sadd.s32 $0x10, s9;
	v2 =	vadd.s32 $0x13880000, v2  }
0x235: {  	s11 =	sadd.s32 $0x10, s11;
	[tilespmem:s9+$0x0] =	vst v2  }
0x236: {  	s12 =	sand.u32 $0x1F0, s10;
	[tilespmem:s11+$0x0] =	vst v1  }
0x237: {  	s10 =	sadd.s32 $0x10, s10;
	v2 =	vld [tilespmem:s12+$0x2800]  }
0x238: {  	_ = 	snop  }
0x239: {  	s8 =	sadd.s32 s8, s4  }
0x23a: {  	v3 =	vmov s8  }
0x23b: {  	v4 =	vor.u32 s8, v0;
	v3 =	vshll.u32 v3, $0x3  }
0x23c: {  	v4 =	vand.u32 $0x7F, v4;
	v3 =	vand.u32 $0x7FFFFC00, v3;
	v5 =	vshll.u32 v2, $0xE  }
0x23d: {  	v3 =	vor.u32 v4, v3;
	v2 =	vshll.u32 v2, $0x7;
	v5 =	vand.u32 $0xFFFE0000, v5  }
0x23e: {  	v2 =	vand.u32 $0x380, v2;
	v3 =	vadd.s32 v5, v3  }
0x23f: {  	v2 =	vor.u32 v2, v3  }
0x240: {  	s12 =	sadd.s32 $0x10, s9;
	v2 =	vadd.s32 $0x13880000, v2  }
0x241: {  	s13 =	sadd.s32 $0x10, s11;
	s14 =	simm.s32 $0x0;
	[tilespmem:s12+$0x0] =	vst v2  }
0x242: {  	s9 =	sand.u32 $0x1F0, s14;
	[tilespmem:s13+$0x0] =	vst v1  }
0x243: {  	v3 =	vld [tilespmem:s9+$0x2A00];
	_ =	sdelay $0x1  }
0x244: {  	s15 =	sadd.s32 $0x0, s4  }
0x245: {  	v2 =	vmov s15  }
0x246: {  	v4 =	vor.u32 s15, v0;
	v2 =	vshll.u32 v2, $0x3  }
0x247: {  	v4 =	vand.u32 $0x7F, v4;
	v2 =	vand.u32 $0x7FFFFC00, v2;
	v5 =	vshll.u32 v3, $0xE  }
0x248: {  	v2 =	vor.u32 v4, v2;
	v3 =	vshll.u32 v3, $0x7;
	v5 =	vand.u32 $0xFFFE0000, v5  }
0x249: {  	v3 =	vand.u32 $0x380, v3;
	v4 =	vadd.s32 v5, v2  }
0x24a: {  	v3 =	vor.u32 v3, v4  }
0x24b: {  	s11 =	simm.s32 $0x7800;
	v3 =	vadd.s32 $0x14820000, v3  }
0x24c: {  	s8 =	simm.s32 $0x10;
	s12 =	simm.s32 $0x9200;
	[tilespmem:s11+$0x0] =	vst v3  }
0x24d: {  	s10 =	sand.u32 $0x1F0, s8;
	[tilespmem:s12+$0x0] =	vst v1  }
0x24e: {  	s14 =	simm.s32 $0x10;
	s13 =	simm.s32 $0x20;
	v3 =	vld [tilespmem:s10+$0x2A00]  }
.LBB2_44:
0x24f: {  	p0 =	sne.s32 s13, $0x1F0  }
0x250: {  	s15 =	sadd.s32 s14, s4;
	s14 =	smov.u32 s13  }
0x251: {  	v4 =	vmov s15  }
0x252: {  	v5 =	vor.u32 s15, v0;
	v4 =	vshll.u32 v4, $0x3  }
0x253: {  	v5 =	vand.u32 $0x7F, v5;
	v4 =	vand.u32 $0x7FFFFC00, v4;
	v6 =	vshll.u32 v3, $0xE  }
0x254: {  	v4 =	vor.u32 v5, v4;
	v3 =	vshll.u32 v3, $0x7;
	v6 =	vand.u32 $0xFFFE0000, v6  }
0x255: {  	v3 =	vand.u32 $0x380, v3;
	v4 =	vadd.s32 v6, v4  }
.Ltmp21:
0x256: {  	v3 =	vor.u32 v3, v4;
	(pc) =	sbr.rel @p0 .LBB2_44-.Ltmp21, $4  }
0x257: {  	s11 =	sadd.s32 $0x10, s11;
	v3 =	vadd.s32 $0x14820000, v3  }
0x258: {  	s12 =	sadd.s32 $0x10, s12;
	[tilespmem:s11+$0x0] =	vst v3  }
0x259: {  	s15 =	sand.u32 $0x1F0, s13;
	[tilespmem:s12+$0x0] =	vst v1  }
0x25a: {  	s13 =	sadd.s32 $0x10, s13;
	v3 =	vld [tilespmem:s15+$0x2A00]  }
0x25b: {  	_ = 	snop  }
0x25c: {  	s13 =	sadd.s32 s14, s4  }
0x25d: {  	v4 =	vmov s13  }
0x25e: {  	v5 =	vor.u32 s13, v0;
	v4 =	vshll.u32 v4, $0x3  }
0x25f: {  	v5 =	vand.u32 $0x7F, v5;
	v4 =	vand.u32 $0x7FFFFC00, v4;
	v6 =	vshll.u32 v3, $0xE  }
0x260: {  	v4 =	vor.u32 v5, v4;
	v3 =	vshll.u32 v3, $0x7;
	v6 =	vand.u32 $0xFFFE0000, v6  }
0x261: {  	v3 =	vand.u32 $0x380, v3;
	v4 =	vadd.s32 v6, v4  }
0x262: {  	v3 =	vor.u32 v3, v4  }
0x263: {  	s11 =	sadd.s32 $0x10, s11;
	v3 =	vadd.s32 $0x14820000, v3  }
0x264: {  	s15 =	sadd.s32 $0x10, s12;
	[tilespmem:s11+$0x0] =	vst v3  }
0x265: {  	[tilespmem:s15+$0x0] =	vst v1  }
0x266: {  	v3 =	vld [tilespmem:s9+$0x2C00];
	_ =	sdelay $0x4  }
0x267: {  	v63 =	vshll.u32 v3, $0xE  }
0x268: {  	v3 =	vshll.u32 v3, $0x7;
	v4 =	vand.u32 $0xFFFE0000, v63  }
0x269: {  	v3 =	vand.u32 $0x380, v3;
	v2 =	vadd.s32 v4, v2  }
0x26a: {  	v2 =	vor.u32 v3, v2  }
0x26b: {  	s9 =	simm.s32 $0x7A00;
	v2 =	vadd.s32 $0x157C0000, v2  }
0x26c: {  	s11 =	simm.s32 $0x9400;
	[tilespmem:s9+$0x0] =	vst v2  }
0x26d: {  	[tilespmem:s11+$0x0] =	vst v1  }
0x26e: {  	v2 =	vld [tilespmem:s10+$0x2C00];
	s10 =	simm.s32 $0x20  }
.LBB2_46:
0x26f: {  	p0 =	sne.s32 s10, $0x1F0  }
0x270: {  	s12 =	sadd.s32 s8, s4;
	s8 =	smov.u32 s10  }
0x271: {  	v3 =	vmov s12  }
0x272: {  	v4 =	vor.u32 s12, v0;
	v3 =	vshll.u32 v3, $0x3  }
0x273: {  	v4 =	vand.u32 $0x7F, v4;
	v3 =	vand.u32 $0x7FFFFC00, v3;
	v5 =	vshll.u32 v2, $0xE  }
0x274: {  	v3 =	vor.u32 v4, v3;
	v2 =	vshll.u32 v2, $0x7;
	v5 =	vand.u32 $0xFFFE0000, v5  }
0x275: {  	v2 =	vand.u32 $0x380, v2;
	v3 =	vadd.s32 v5, v3  }
.Ltmp22:
0x276: {  	v2 =	vor.u32 v2, v3;
	(pc) =	sbr.rel @p0 .LBB2_46-.Ltmp22, $4  }
0x277: {  	s9 =	sadd.s32 $0x10, s9;
	v2 =	vadd.s32 $0x157C0000, v2  }
0x278: {  	s11 =	sadd.s32 $0x10, s11;
	[tilespmem:s9+$0x0] =	vst v2  }
0x279: {  	s12 =	sand.u32 $0x1F0, s10;
	[tilespmem:s11+$0x0] =	vst v1  }
0x27a: {  	s10 =	sadd.s32 $0x10, s10;
	v2 =	vld [tilespmem:s12+$0x2C00]  }
0x27b: {  	_ = 	snop  }
0x27c: {  	s8 =	sadd.s32 s8, s4  }
0x27d: {  	v3 =	vmov s8  }
0x27e: {  	v4 =	vor.u32 s8, v0;
	v3 =	vshll.u32 v3, $0x3  }
0x27f: {  	v4 =	vand.u32 $0x7F, v4;
	v3 =	vand.u32 $0x7FFFFC00, v3;
	v5 =	vshll.u32 v2, $0xE  }
0x280: {  	v3 =	vor.u32 v4, v3;
	v2 =	vshll.u32 v2, $0x7;
	v5 =	vand.u32 $0xFFFE0000, v5  }
0x281: {  	v2 =	vand.u32 $0x380, v2;
	v3 =	vadd.s32 v5, v3  }
0x282: {  	v2 =	vor.u32 v2, v3  }
0x283: {  	s12 =	sadd.s32 $0x10, s9;
	v2 =	vadd.s32 $0x157C0000, v2  }
0x284: {  	s13 =	sadd.s32 $0x10, s11;
	s14 =	simm.s32 $0x0;
	[tilespmem:s12+$0x0] =	vst v2  }
0x285: {  	s9 =	sand.u32 $0x1F0, s14;
	[tilespmem:s13+$0x0] =	vst v1  }
0x286: {  	v3 =	vld [tilespmem:s9+$0x2E00];
	_ =	sdelay $0x1  }
0x287: {  	s15 =	sadd.s32 $0x0, s4  }
0x288: {  	v2 =	vmov s15  }
0x289: {  	v4 =	vor.u32 s15, v0;
	v2 =	vshll.u32 v2, $0x3  }
0x28a: {  	v4 =	vand.u32 $0x7F, v4;
	v2 =	vand.u32 $0x7FFFFC00, v2;
	v5 =	vshll.u32 v3, $0xE  }
0x28b: {  	v2 =	vor.u32 v4, v2;
	v3 =	vshll.u32 v3, $0x7;
	v5 =	vand.u32 $0xFFFE0000, v5  }
0x28c: {  	v3 =	vand.u32 $0x380, v3;
	v4 =	vadd.s32 v5, v2  }
0x28d: {  	v3 =	vor.u32 v3, v4  }
0x28e: {  	s11 =	simm.s32 $0x7C00;
	v3 =	vadd.s32 $0x16760000, v3  }
0x28f: {  	s8 =	simm.s32 $0x10;
	s12 =	simm.s32 $0x9600;
	[tilespmem:s11+$0x0] =	vst v3  }
0x290: {  	s10 =	sand.u32 $0x1F0, s8;
	[tilespmem:s12+$0x0] =	vst v1  }
0x291: {  	s14 =	simm.s32 $0x10;
	s13 =	simm.s32 $0x20;
	v3 =	vld [tilespmem:s10+$0x2E00]  }
.LBB2_48:
0x292: {  	p0 =	sne.s32 s13, $0x1F0  }
0x293: {  	s15 =	sadd.s32 s14, s4;
	s14 =	smov.u32 s13  }
0x294: {  	v4 =	vmov s15  }
0x295: {  	v5 =	vor.u32 s15, v0;
	v4 =	vshll.u32 v4, $0x3  }
0x296: {  	v5 =	vand.u32 $0x7F, v5;
	v4 =	vand.u32 $0x7FFFFC00, v4;
	v6 =	vshll.u32 v3, $0xE  }
0x297: {  	v4 =	vor.u32 v5, v4;
	v3 =	vshll.u32 v3, $0x7;
	v6 =	vand.u32 $0xFFFE0000, v6  }
0x298: {  	v3 =	vand.u32 $0x380, v3;
	v4 =	vadd.s32 v6, v4  }
.Ltmp23:
0x299: {  	v3 =	vor.u32 v3, v4;
	(pc) =	sbr.rel @p0 .LBB2_48-.Ltmp23, $4  }
0x29a: {  	s11 =	sadd.s32 $0x10, s11;
	v3 =	vadd.s32 $0x16760000, v3  }
0x29b: {  	s12 =	sadd.s32 $0x10, s12;
	[tilespmem:s11+$0x0] =	vst v3  }
0x29c: {  	s15 =	sand.u32 $0x1F0, s13;
	[tilespmem:s12+$0x0] =	vst v1  }
0x29d: {  	s13 =	sadd.s32 $0x10, s13;
	v3 =	vld [tilespmem:s15+$0x2E00]  }
0x29e: {  	_ = 	snop  }
0x29f: {  	s13 =	sadd.s32 s14, s4  }
0x2a0: {  	v4 =	vmov s13  }
0x2a1: {  	v5 =	vor.u32 s13, v0;
	v4 =	vshll.u32 v4, $0x3  }
0x2a2: {  	v5 =	vand.u32 $0x7F, v5;
	v4 =	vand.u32 $0x7FFFFC00, v4;
	v6 =	vshll.u32 v3, $0xE  }
0x2a3: {  	v4 =	vor.u32 v5, v4;
	v3 =	vshll.u32 v3, $0x7;
	v6 =	vand.u32 $0xFFFE0000, v6  }
0x2a4: {  	v3 =	vand.u32 $0x380, v3;
	v4 =	vadd.s32 v6, v4  }
0x2a5: {  	v3 =	vor.u32 v3, v4  }
0x2a6: {  	s11 =	sadd.s32 $0x10, s11;
	v3 =	vadd.s32 $0x16760000, v3  }
0x2a7: {  	s15 =	sadd.s32 $0x10, s12;
	[tilespmem:s11+$0x0] =	vst v3  }
0x2a8: {  	[tilespmem:s15+$0x0] =	vst v1  }
0x2a9: {  	v3 =	vld [tilespmem:s9+$0x3000];
	_ =	sdelay $0x4  }
0x2aa: {  	v63 =	vshll.u32 v3, $0xE  }
0x2ab: {  	v3 =	vshll.u32 v3, $0x7;
	v4 =	vand.u32 $0xFFFE0000, v63  }
0x2ac: {  	v3 =	vand.u32 $0x380, v3;
	v2 =	vadd.s32 v4, v2  }
0x2ad: {  	v2 =	vor.u32 v3, v2  }
0x2ae: {  	s9 =	simm.s32 $0x7E00;
	v2 =	vadd.s32 $0x17700000, v2  }
0x2af: {  	s11 =	simm.s32 $0x9800;
	[tilespmem:s9+$0x0] =	vst v2  }
0x2b0: {  	[tilespmem:s11+$0x0] =	vst v1  }
0x2b1: {  	v2 =	vld [tilespmem:s10+$0x3000];
	s10 =	simm.s32 $0x20  }
.LBB2_50:
0x2b2: {  	p0 =	sne.s32 s10, $0x1F0  }
0x2b3: {  	s12 =	sadd.s32 s8, s4;
	s8 =	smov.u32 s10  }
0x2b4: {  	v3 =	vmov s12  }
0x2b5: {  	v4 =	vor.u32 s12, v0;
	v3 =	vshll.u32 v3, $0x3  }
0x2b6: {  	v4 =	vand.u32 $0x7F, v4;
	v3 =	vand.u32 $0x7FFFFC00, v3;
	v5 =	vshll.u32 v2, $0xE  }
0x2b7: {  	v3 =	vor.u32 v4, v3;
	v2 =	vshll.u32 v2, $0x7;
	v5 =	vand.u32 $0xFFFE0000, v5  }
0x2b8: {  	v2 =	vand.u32 $0x380, v2;
	v3 =	vadd.s32 v5, v3  }
.Ltmp24:
0x2b9: {  	v2 =	vor.u32 v2, v3;
	(pc) =	sbr.rel @p0 .LBB2_50-.Ltmp24, $4  }
0x2ba: {  	s9 =	sadd.s32 $0x10, s9;
	v2 =	vadd.s32 $0x17700000, v2  }
0x2bb: {  	s11 =	sadd.s32 $0x10, s11;
	[tilespmem:s9+$0x0] =	vst v2  }
0x2bc: {  	s12 =	sand.u32 $0x1F0, s10;
	[tilespmem:s11+$0x0] =	vst v1  }
0x2bd: {  	s10 =	sadd.s32 $0x10, s10;
	v2 =	vld [tilespmem:s12+$0x3000]  }
0x2be: {  	_ = 	snop  }
0x2bf: {  	s8 =	sadd.s32 s8, s4  }
0x2c0: {  	v3 =	vmov s8  }
0x2c1: {  	v4 =	vor.u32 s8, v0;
	v3 =	vshll.u32 v3, $0x3  }
0x2c2: {  	v4 =	vand.u32 $0x7F, v4;
	v3 =	vand.u32 $0x7FFFFC00, v3;
	v5 =	vshll.u32 v2, $0xE  }
0x2c3: {  	v3 =	vor.u32 v4, v3;
	v2 =	vshll.u32 v2, $0x7;
	v5 =	vand.u32 $0xFFFE0000, v5  }
0x2c4: {  	v2 =	vand.u32 $0x380, v2;
	v3 =	vadd.s32 v5, v3  }
0x2c5: {  	v2 =	vor.u32 v2, v3  }
0x2c6: {  	s10 =	sadd.s32 $0x10, s9;
	v2 =	vadd.s32 $0x17700000, v2  }
0x2c7: {  	s11 =	sadd.s32 $0x10, s11;
	s12 =	simm.s32 $0x0;
	[tilespmem:s10+$0x0] =	vst v2  }
0x2c8: {  	s13 =	sand.u32 $0x1F0, s12;
	[tilespmem:s11+$0x0] =	vst v1  }
0x2c9: {  	v2 =	vld [tilespmem:s13+$0x3200];
	_ =	sdelay $0x1  }
0x2ca: {  	s14 =	sadd.s32 $0x0, s4  }
0x2cb: {  	v3 =	vmov s14  }
0x2cc: {  	v62 =	vor.u32 s14, v0;
	v3 =	vshll.u32 v3, $0x3  }
0x2cd: {  	v4 =	vand.u32 $0x7F, v62;
	v3 =	vand.u32 $0x7FFFFC00, v3;
	v63 =	vshll.u32 v2, $0xE  }
0x2ce: {  	v3 =	vor.u32 v4, v3;
	v2 =	vshll.u32 v2, $0x7;
	v5 =	vand.u32 $0xFFFE0000, v63  }
0x2cf: {  	v2 =	vand.u32 $0x380, v2;
	v3 =	vadd.s32 v5, v3  }
0x2d0: {  	v2 =	vor.u32 v2, v3  }
0x2d1: {  	s8 =	simm.s32 $0x8000;
	v2 =	vadd.s32 $0x186A0000, v2  }
0x2d2: {  	s9 =	simm.s32 $0x9A00;
	s10 =	simm.s32 $0x10;
	[tilespmem:s8+$0x0] =	vst v2  }
0x2d3: {  	s15 =	sand.u32 $0x1F0, s10;
	[tilespmem:s9+$0x0] =	vst v1  }
0x2d4: {  	s11 =	simm.s32 $0x20;
	v2 =	vld [tilespmem:s15+$0x3200]  }
.LBB2_52:
0x2d5: {  	p0 =	sne.s32 s11, $0x1F0  }
0x2d6: {  	s12 =	sadd.s32 s10, s4;
	s10 =	smov.u32 s11  }
0x2d7: {  	v3 =	vmov s12  }
0x2d8: {  	v4 =	vor.u32 s12, v0;
	v3 =	vshll.u32 v3, $0x3  }
0x2d9: {  	v4 =	vand.u32 $0x7F, v4;
	v3 =	vand.u32 $0x7FFFFC00, v3;
	v5 =	vshll.u32 v2, $0xE  }
0x2da: {  	v3 =	vor.u32 v4, v3;
	v2 =	vshll.u32 v2, $0x7;
	v5 =	vand.u32 $0xFFFE0000, v5  }
0x2db: {  	v2 =	vand.u32 $0x380, v2;
	v3 =	vadd.s32 v5, v3  }
.Ltmp25:
0x2dc: {  	v2 =	vor.u32 v2, v3;
	(pc) =	sbr.rel @p0 .LBB2_52-.Ltmp25, $4  }
0x2dd: {  	s8 =	sadd.s32 $0x10, s8;
	v2 =	vadd.s32 $0x186A0000, v2  }
0x2de: {  	s9 =	sadd.s32 $0x10, s9;
	[tilespmem:s8+$0x0] =	vst v2  }
0x2df: {  	s12 =	sand.u32 $0x1F0, s11;
	[tilespmem:s9+$0x0] =	vst v1  }
0x2e0: {  	s11 =	sadd.s32 $0x10, s11;
	v2 =	vld [tilespmem:s12+$0x3200]  }
0x2e1: {  	_ = 	snop  }
0x2e2: {  	s10 =	sadd.s32 s10, s4  }
0x2e3: {  	v3 =	vmov s10  }
0x2e4: {  	v4 =	vor.u32 s10, v0;
	v3 =	vshll.u32 v3, $0x3  }
0x2e5: {  	v4 =	vand.u32 $0x7F, v4;
	v3 =	vand.u32 $0x7FFFFC00, v3;
	v5 =	vshll.u32 v2, $0xE  }
0x2e6: {  	v3 =	vor.u32 v4, v3;
	v2 =	vshll.u32 v2, $0x7;
	v5 =	vand.u32 $0xFFFE0000, v5  }
0x2e7: {  	v2 =	vand.u32 $0x380, v2;
	v3 =	vadd.s32 v5, v3  }
0x2e8: {  	v2 =	vor.u32 v2, v3  }
0x2e9: {  	s8 =	sadd.s32 $0x10, s8;
	v2 =	vadd.s32 $0x186A0000, v2  }
0x2ea: {  	s10 =	sadd.s32 $0x10, s9;
	[tilespmem:s8+$0x0] =	vst v2  }
0x2eb: {  	s11 =	rddreg [dreg:$0x1];
	s12 =	simm.s32 $0x3400;
	s13 =	simm.s32 $0x4E00;
	[tilespmem:s10+$0x0] =	vst v1  }
0x2ec: {  	[hbm4b:s11+s2] =	stream.indirect.scatter [tilespmem:s13], [sflag:$0x1], $0x1, s12, s2, $0xb8;
	[tilespmem:$0x9C00] =	vst v63  }
0x2ed: {  	s14 =	simm.s32 $0x6800;
	s15 =	simm.s32 $0x8200;
	s7 =	sadd.s32 $0x1, s7  }
0x2ee: {  	[hbm4b:s11+s2] =	stream.indirect.scatter [tilespmem:s15], [sflag:$0x2], $0x1, s14, s2, $0xb8;
	[tilespmem:$0x9C00] =	vst v63  }
0x2ef: {  	p0 =	sne.s32 s7, s0;
	_ =	swait.ge [sflag:s5], $0x1A00  }
.Ltmp26:
0x2f0: {  	[sflag:s5] =	ssyncset.done $0x0;
	(pc) =	sbr.rel @p0 .LBB2_1-.Ltmp26, $4  }
0x2f1: {  	[sflag:s5] =	ssyncadd.s32 $0xFFFFE600  }
0x2f2: {  	_ =	swait.ge [sflag:s6], $0x1A00  }
0x2f3: {  	[sflag:s6] =	ssyncset.done $0x0  }
0x2f4: {  	[sflag:s6] =	ssyncadd.s32 $0xFFFFE600  }
0x2f5: {  	_ =	sfence.sel $0x180000  }
0x2f6: {  	[bflag:$0x0] =	sbarrier.arrive $0xFFFF  }
0x2f7: {  	_ =	strace $0x90000047  }
0x2f8: {  	s0 =	stileid.u32;
	[bflag:$0x2] =	sbarrier.arrive $0xFFFF  }
0x2f9: {  	p0 =	sne.s32 s0, $0x0;
	s0 =	rddreg [dreg:$0x2]  }
0x2fa: {  	s0 =	sadd.s32 @!p0 $0x100000, s0  }
0x2fb: {  	[sflag:s0] =	ssyncadd.tile.s32 @!p0 $0x1;
	_ =	shalt  }
.Lfunc_end2:
_tile_overlayer_lowered:
.L_overlay_start_2:
0x2fc: {  	(tag) =	ssettag $0x2  }
0x2fd: {  	s0 =	rddreg [dreg:$0x0];
	s2 =	stileid.u32  }
0x2fe: {  	s1 =	rddreg [dreg:$0x1];
	p0 =	sne.s32 s2, $0x0  }
0x2ff: {  	s3 =	rddreg [dreg:$0x2];
	[bflag:$0x3] =	sbarrier.arrive $0xFFFF;
	s2 =	simm.s32 @!p0 $0x1C03  }
0x300: {  	[timem:s3], [sflag:s2] =	dma.local @!p0 [hbm:s0], s1  }
0x301: {  	s0 =	simm.s32 @!p0 $0x3  }
0x302: {  	_ =	swait.ge @!p0 [sflag:s0], s1  }
0x303: {  	s1 =	ssub.s32 @!p0 $0x0, s1;
	[sflag:s0] =	ssyncset.done @!p0 $0x0  }
0x304: {  	[sflag:s0] =	ssyncadd.s32 @!p0 s1  }
0x305: {  	[bflag:$0x3] =	sbarrier.arrive $0xFFFF  }
0x306: {  	_ =	shalt  }

</sc_bundles>
